<compile_context>
chip_gen: v7x
topology: tpu7x:2x2x1
jax: 0.10.2.dev20260603
libtpu: 0.0.44.dev20260713+nightly
codegen_flags: <defaults>
</compile_context>

<pallas_src>
import functools

import numpy as np
import jax
import jax.numpy as jnp
from jax import lax
from jax.experimental import pallas as pl
from jax.experimental.pallas import tpu as pltpu
from jax.experimental.pallas import tpu_sc as plsc

_B = 16384
_F = 26
_D = 16
_R = 2600000
_TOTAL = _B * _F
_NW = 32
_IDX_ROWS = _TOTAL // 128
_ROWS_PER_TILE = _TOTAL // _NW
_IROWS_PER_TILE = _IDX_ROWS // _NW
_GROUPS = 13
_K = _IROWS_PER_TILE // _GROUPS
_GROUP_ROWS = _K * 128

_TB = 128
_NBLK = _R // _TB
_TAIL = _R - _NBLK * _TB
_NB_LO = _NBLK // _NW
_NB_REM = _NBLK - _NB_LO * _NW

_OFFS = (np.arange(_F, dtype=np.int32) * 100000).astype(np.int32)

_P_NP = np.zeros((_F * _D, _D), dtype=np.float32)
_P_NP[np.arange(_F * _D), np.arange(_F * _D) % _D] = 1.0

_BN_C = float(1.0 / np.sqrt(1.0 + 1e-5))



def _sc_transpose_body(src, out, inbuf, outbuf, tail_in, tail_out, sem,
                       sem_o, sem_t):
    wid = lax.axis_index("s") * 2 + lax.axis_index("c")
    nb = jnp.where(wid < _NB_REM, _NB_LO + 1, _NB_LO)
    start = wid * _NB_LO + jnp.minimum(wid, _NB_REM)
    iota16 = lax.iota(jnp.int32, 16) * _D

    def issue(k):
        cb = start + k
        return [pltpu.async_copy(
            src.at[pl.ds(a * 8, 8), pl.ds(cb * _TB, _TB)],
            inbuf.at[k % 3, a], sem) for a in (0, 1)]

    def out_copy(k):
        cb = start + k
        return pltpu.make_async_copy(
            outbuf.at[pl.ds((k % 2) * (_TB * _D), _TB * _D)],
            out.at[pl.ds(cb * (_TB * _D), _TB * _D)], sem_o)

    idx_ad = [iota16 + d for d in range(_D)]

    def transpose_block(bufs, obuf_ref, obuf_base, ncols):
        def chunk(i, carry):
            sl = obuf_ref.at[pl.ds(obuf_base + i * 256, 256)]
            for a in (0, 1):
                for d in range(8):
                    v = bufs[a][d, pl.ds(i * 16, 16)]
                    plsc.store_scatter(sl, [idx_ad[a * 8 + d]], v)
            return carry
        lax.fori_loop(0, ncols // 16, chunk, 0)

    issue(0)
    issue(1)

    def block(k, carry):
        for a in (0, 1):
            pltpu.make_async_copy(
                src.at[pl.ds(a * 8, 8), pl.ds((start + k) * _TB, _TB)],
                inbuf.at[k % 3, a], sem).wait()

        @pl.when(k + 2 < nb)
        def _next():
            issue(k + 2)

        @pl.when(k >= 2)
        def _reclaim():
            out_copy(k - 2).wait()

        transpose_block([inbuf.at[k % 3, 0], inbuf.at[k % 3, 1]],
                        outbuf, (k % 2) * (_TB * _D), _TB)
        out_copy(k).start()
        return carry

    lax.fori_loop(0, nb, block, 0)
    out_copy(nb - 2).wait()
    out_copy(nb - 1).wait()

    @pl.when(wid == _NW - 1)
    def _tail():
        for a in (0, 1):
            pltpu.async_copy(
                src.at[pl.ds(a * 8, 8), pl.ds(_NBLK * _TB, _TAIL)],
                tail_in.at[a], sem_t).wait()
        transpose_block([tail_in.at[0], tail_in.at[1]], tail_out, 0, _TAIL)
        pltpu.sync_copy(
            tail_out, out.at[pl.ds(_NBLK * _TB * _D, _TAIL * _D)])


@functools.cache
def _make_sc_transpose():
    mesh = plsc.VectorSubcoreMesh(core_axis_name="c", subcore_axis_name="s")
    return functools.partial(
        pl.kernel,
        mesh=mesh,
        out_type=[jax.ShapeDtypeStruct((_R * _D,), jnp.float32)],
        scratch_types=[
            pltpu.VMEM((3, 2, 8, _TB), jnp.float32),
            pltpu.VMEM((2 * _TB * _D,), jnp.float32),
            pltpu.VMEM((2, 8, _TAIL), jnp.float32),
            pltpu.VMEM((_TAIL * _D,), jnp.float32),
            pltpu.SemaphoreType.DMA,
            pltpu.SemaphoreType.DMA,
            pltpu.SemaphoreType.DMA,
        ],
        compiler_params=pltpu.CompilerParams(needs_layout_passes=False),
    )(_sc_transpose_body)



def _sc_gather_body(table, lr_flat, idx, emb_out, lr_out, idx_v, lr_v, buf,
                    sem_e, sem_l):
    wid = lax.axis_index("s") * 2 + lax.axis_index("c")
    gbase = wid * _IROWS_PER_TILE
    pltpu.sync_copy(idx.at[pl.ds(gbase, _IROWS_PER_TILE)], idx_v)

    def group(g, carry):
        copies = []
        for j in range(_K):
            r = g * _K + j
            copies.append(pltpu.async_copy(
                table.at[idx_v.at[r]], buf.at[pl.ds(j * 128, 128)], sem_e))
            copies.append(pltpu.async_copy(
                lr_flat.at[idx_v.at[r]], lr_v.at[r], sem_l))
        for c in copies:
            c.wait()
        pltpu.sync_copy(
            buf,
            emb_out.at[pl.ds(wid * _ROWS_PER_TILE + g * _GROUP_ROWS,
                             _GROUP_ROWS)])
        return carry

    lax.fori_loop(0, _GROUPS, group, 0)
    pltpu.sync_copy(lr_v, lr_out.at[pl.ds(gbase, _IROWS_PER_TILE)])


@functools.cache
def _make_sc_gather():
    mesh = plsc.VectorSubcoreMesh(core_axis_name="c", subcore_axis_name="s")
    return functools.partial(
        pl.kernel,
        mesh=mesh,
        out_type=[
            jax.ShapeDtypeStruct((_TOTAL, _D), jnp.float32),
            jax.ShapeDtypeStruct((_IDX_ROWS, 128), jnp.float32),
        ],
        scratch_types=[
            pltpu.VMEM((_IROWS_PER_TILE, 128), jnp.int32),
            pltpu.VMEM((_IROWS_PER_TILE, 128), jnp.float32),
            pltpu.VMEM((_GROUP_ROWS, _D), jnp.float32),
            pltpu.SemaphoreType.DMA,
            pltpu.SemaphoreType.DMA,
        ],
        compiler_params=pltpu.CompilerParams(use_tc_tiling_on_sc=False),
    )(_sc_gather_body)



def _mlp_body(emb_ref, lrv_ref, W1_ref, b1_ref, W2_ref, b2_ref, W3_ref,
              b3_ref, Wo_ref, bias_ref, P_ref, o_ref):
    h0 = emb_ref[...]
    s = jnp.dot(h0, P_ref[...], preferred_element_type=jnp.float32)
    sq_sum = jnp.sum(h0 * h0, axis=1, keepdims=True)
    fm = 0.5 * (jnp.sum(s * s, axis=1, keepdims=True) - sq_sum)
    lr_sum = jnp.sum(lrv_ref[...], axis=1, keepdims=True)
    h = jnp.maximum(
        (jnp.dot(h0, W1_ref[...], preferred_element_type=jnp.float32)
         + b1_ref[...]) * _BN_C, 0.0)
    h = jnp.maximum(
        (jnp.dot(h, W2_ref[...], preferred_element_type=jnp.float32)
         + b2_ref[...]) * _BN_C, 0.0)
    h = jnp.maximum(
        (jnp.dot(h, W3_ref[...], preferred_element_type=jnp.float32)
         + b3_ref[...]) * _BN_C, 0.0)
    mlp = jnp.dot(h, Wo_ref[...], preferred_element_type=jnp.float32)
    o_ref[...] = lr_sum + fm + mlp + bias_ref[...]


def _tc_mlp(emb, lrv, W1, b1, W2, b2, W3, b3, Wo, bias, P, bs):
    n = _B // bs
    full = lambda shape: pl.BlockSpec(shape, lambda i: (0, 0))
    return pl.pallas_call(
        _mlp_body,
        grid=(n,),
        in_specs=[
            pl.BlockSpec((bs, _F * _D), lambda i: (i, 0)),
            pl.BlockSpec((bs, _F), lambda i: (i, 0)),
            full(W1.shape), full((1, 400)),
            full(W2.shape), full((1, 400)),
            full(W3.shape), full((1, 400)),
            full(Wo.shape), full((1, 1)), full(P.shape),
        ],
        out_specs=pl.BlockSpec((bs, 1), lambda i: (i, 0)),
        out_shape=jax.ShapeDtypeStruct((_B, 1), jnp.float32),
        compiler_params=pltpu.CompilerParams(
            dimension_semantics=("arbitrary",)),
    )(emb, lrv, W1, b1, W2, b2, W3, b3, Wo, bias, P)


def kernel(x, emb_table, lr_table, lr_bias, W1, b1, W2, b2, W3, b3, Wo, bo):
    xo = (x + _OFFS[None, :]).reshape(_IDX_ROWS, 128)
    (emb_lin_flat,) = _make_sc_transpose()(emb_table.T)
    emb_lin = emb_lin_flat.reshape(_R, _D)
    emb_flat, lr_vals = _make_sc_gather()(emb_lin, lr_table.reshape(-1), xo)
    emb2 = emb_flat.reshape(_B, _F * _D)
    lrv = lr_vals.reshape(_B, _F)
    bias = (lr_bias + bo).reshape(1, 1)
    P = jnp.asarray(_P_NP)
    return _tc_mlp(emb2, lrv, W1, b1.reshape(1, -1), W2, b2.reshape(1, -1),
                   W3, b3.reshape(1, -1), Wo, bias, P, bs=1024)

# --- scband reference (transcript-rebuilt; emitter-appended) ---
"""Pipeline reference for scband-deep-fm-75273596829762 (READ-ONLY COPY).

The authoritative reference and input builder live on the scoring server;
editing this copy changes nothing except your own understanding.
"""

import jax, jax.numpy as jnp
import numpy as np

FIELD_DIMS = [100000] * 26
EMBED_DIM = 16
BATCH = 16384
MLP_DIMS = [400, 400, 400]
OFFSETS = jnp.asarray(np.concatenate(([0], np.cumsum(FIELD_DIMS)[:-1])), dtype=jnp.int32)
TOTAL_ROWS = int(sum(FIELD_DIMS))
EMBED_OUT = len(FIELD_DIMS) * EMBED_DIM


def _bn_eval(h):
    # BatchNorm1d in eval mode with default running stats (mean=0, var=1)
    return h / jnp.sqrt(1.0 + 1e-5)


def setup_inputs(seed: int = 0) -> dict:
    key = jax.random.key(seed)
    ks = jax.random.split(key, 12)
    x = jax.random.randint(ks[0], (BATCH, len(FIELD_DIMS)), 0, 100000, dtype=jnp.int32)
    emb_table = jax.random.normal(ks[1], (TOTAL_ROWS, EMBED_DIM), dtype=jnp.float32) * 0.01
    lr_table = jax.random.normal(ks[2], (TOTAL_ROWS, 1), dtype=jnp.float32) * 0.01
    lr_bias = jnp.zeros((1,), dtype=jnp.float32)
    W1 = jax.random.normal(ks[3], (EMBED_OUT, MLP_DIMS[0]), dtype=jnp.float32) * (2.0 / EMBED_OUT) ** 0.5
    b1 = jnp.zeros((MLP_DIMS[0],), dtype=jnp.float32)
    W2 = jax.random.normal(ks[4], (MLP_DIMS[0], MLP_DIMS[1]), dtype=jnp.float32) * (2.0 / MLP_DIMS[0]) ** 0.5
    b2 = jnp.zeros((MLP_DIMS[1],), dtype=jnp.float32)
    W3 = jax.random.normal(ks[5], (MLP_DIMS[1], MLP_DIMS[2]), dtype=jnp.float32) * (2.0 / MLP_DIMS[1]) ** 0.5
    b3 = jnp.zeros((MLP_DIMS[2],), dtype=jnp.float32)
    Wo = jax.random.normal(ks[6], (MLP_DIMS[2], 1), dtype=jnp.float32) * (2.0 / MLP_DIMS[2]) ** 0.5
    bo = jnp.zeros((1,), dtype=jnp.float32)
    return {"x": x, "emb_table": emb_table, "lr_table": lr_table, "lr_bias": lr_bias,
            "W1": W1, "b1": b1, "W2": W2, "b2": b2, "W3": W3, "b3": b3, "Wo": Wo, "bo": bo}


def reference(x, emb_table, lr_table, lr_bias, W1, b1, W2, b2, W3, b3, Wo, bo):
    xo = x + OFFSETS[None, :]
    # FeaturesEmbedding: gather [B, F, D]
    emb = jnp.take(emb_table, xo, axis=0)
    # FeaturesLinear: gather [B, F, 1] -> sum over fields + bias
    lr = jnp.take(lr_table, xo, axis=0).sum(axis=1) + lr_bias
    # FactorizationMachine (reduce_sum=True)
    s = emb.sum(axis=1)
    square_of_sum = s * s
    sum_of_square = (emb * emb).sum(axis=1)
    fm = 0.5 * (square_of_sum - sum_of_square).sum(axis=1, keepdims=True)
    # MLP (eval mode: dropout identity, batchnorm eval with default stats)
    h = emb.reshape(x.shape[0], -1)
    for W, b in ((W1, b1), (W2, b2), (W3, b3)):
        h = jax.nn.relu(_bn_eval(h @ W + b))
    mlp_out = h @ Wo + bo
    return lr + fm + mlp_out

if __name__ == "__main__":
    import jax
    _d = setup_inputs()
    print(jax.jit(kernel)(*tuple(_d.values())))

</pallas_src>

<mosaic_0001>
#map = affine_map<(d0, d1) -> (0, 0)>
#map1 = affine_map<(d0, d1) -> (0)>
module attributes {stable_mosaic.version = 14 : i64} {
  func.func @_sc_transpose_body(%arg0: i32, %arg1: i32, %arg2: memref<16x2600000xf32, #tpu.memory_space<hbm>>, %arg3: memref<41600000xf32, #tpu.memory_space<hbm>>, %arg4: memref<3x2x8x128xf32, #tpu.memory_space<vmem>>, %arg5: memref<4096xf32, #tpu.memory_space<vmem>>, %arg6: memref<2x8x64xf32, #tpu.memory_space<vmem>>, %arg7: memref<1024xf32, #tpu.memory_space<vmem>>, %arg8: memref<!tpu.dma_semaphore, #tpu.memory_space<semaphore_mem>>, %arg9: memref<!tpu.dma_semaphore, #tpu.memory_space<semaphore_mem>>, %arg10: memref<!tpu.dma_semaphore, #tpu.memory_space<semaphore_mem>>) attributes {dimension_semantics = [#tpu.dimension_semantics<core_parallel>, #tpu.dimension_semantics<subcore_parallel>], iteration_bounds = array<i64: 2, 16>, scalar_prefetch = 0 : i64, scratch_operands = 7 : i64, tpu.core_type = #tpu.core_type<sc_vector_subcore>, window_params = [{transform_indices = #map}, {transform_indices = #map1}]} {
    %mul3A = arith.constant 2 : i32
    %mul3A_0 = arith.muli %arg1, %mul3A : i32
    %add3A = arith.addi %mul3A_0, %arg0 : i32
    %lt3A = arith.constant 24 : i32
    %lt3A_1 = arith.cmpi slt, %add3A, %lt3A : i32
    %jit3A = arith.constant 635 : i32
    %jit3A_2 = arith.constant 634 : i32
    %select_n3A = arith.select %lt3A_1, %jit3A, %jit3A_2 : i32
    %mul3A_3 = arith.constant 634 : i32
    %mul3A_4 = arith.muli %add3A, %mul3A_3 : i32
    %min3A = arith.constant 24 : i32
    %min3A_5 = arith.minsi %add3A, %min3A : i32
    %add3A_6 = arith.addi %mul3A_4, %min3A_5 : i32
    %iota3A = tpu.iota {dimensions = array<i32: 0>} : vector<16xi32>
    %mul3A_7 = arith.constant 16 : i32
    %mul3A_8 = vector.broadcast %mul3A_7 : i32 to vector<16xi32>
    %mul3A_9 = arith.muli %iota3A, %mul3A_8 : vector<16xi32>
    %add3A_10 = arith.constant 0 : i32
    %add3A_11 = vector.broadcast %add3A_10 : i32 to vector<16xi32>
    %add3A_12 = arith.addi %mul3A_9, %add3A_11 : vector<16xi32>
    %add3A_13 = arith.constant 1 : i32
    %add3A_14 = vector.broadcast %add3A_13 : i32 to vector<16xi32>
    %add3A_15 = arith.addi %mul3A_9, %add3A_14 : vector<16xi32>
    %add3A_16 = arith.constant 2 : i32
    %add3A_17 = vector.broadcast %add3A_16 : i32 to vector<16xi32>
    %add3A_18 = arith.addi %mul3A_9, %add3A_17 : vector<16xi32>
    %add3A_19 = arith.constant 3 : i32
    %add3A_20 = vector.broadcast %add3A_19 : i32 to vector<16xi32>
    %add3A_21 = arith.addi %mul3A_9, %add3A_20 : vector<16xi32>
    %add3A_22 = arith.constant 4 : i32
    %add3A_23 = vector.broadcast %add3A_22 : i32 to vector<16xi32>
    %add3A_24 = arith.addi %mul3A_9, %add3A_23 : vector<16xi32>
    %add3A_25 = arith.constant 5 : i32
    %add3A_26 = vector.broadcast %add3A_25 : i32 to vector<16xi32>
    %add3A_27 = arith.addi %mul3A_9, %add3A_26 : vector<16xi32>
    %add3A_28 = arith.constant 6 : i32
    %add3A_29 = vector.broadcast %add3A_28 : i32 to vector<16xi32>
    %add3A_30 = arith.addi %mul3A_9, %add3A_29 : vector<16xi32>
    %add3A_31 = arith.constant 7 : i32
    %add3A_32 = vector.broadcast %add3A_31 : i32 to vector<16xi32>
    %add3A_33 = arith.addi %mul3A_9, %add3A_32 : vector<16xi32>
    %add3A_34 = arith.constant 8 : i32
    %add3A_35 = vector.broadcast %add3A_34 : i32 to vector<16xi32>
    %add3A_36 = arith.addi %mul3A_9, %add3A_35 : vector<16xi32>
    %add3A_37 = arith.constant 9 : i32
    %add3A_38 = vector.broadcast %add3A_37 : i32 to vector<16xi32>
    %add3A_39 = arith.addi %mul3A_9, %add3A_38 : vector<16xi32>
    %add3A_40 = arith.constant 10 : i32
    %add3A_41 = vector.broadcast %add3A_40 : i32 to vector<16xi32>
    %add3A_42 = arith.addi %mul3A_9, %add3A_41 : vector<16xi32>
    %add3A_43 = arith.constant 11 : i32
    %add3A_44 = vector.broadcast %add3A_43 : i32 to vector<16xi32>
    %add3A_45 = arith.addi %mul3A_9, %add3A_44 : vector<16xi32>
    %add3A_46 = arith.constant 12 : i32
    %add3A_47 = vector.broadcast %add3A_46 : i32 to vector<16xi32>
    %add3A_48 = arith.addi %mul3A_9, %add3A_47 : vector<16xi32>
    %add3A_49 = arith.constant 13 : i32
    %add3A_50 = vector.broadcast %add3A_49 : i32 to vector<16xi32>
    %add3A_51 = arith.addi %mul3A_9, %add3A_50 : vector<16xi32>
    %add3A_52 = arith.constant 14 : i32
    %add3A_53 = vector.broadcast %add3A_52 : i32 to vector<16xi32>
    %add3A_54 = arith.addi %mul3A_9, %add3A_53 : vector<16xi32>
    %add3A_55 = arith.constant 15 : i32
    %add3A_56 = vector.broadcast %add3A_55 : i32 to vector<16xi32>
    %add3A_57 = arith.addi %mul3A_9, %add3A_56 : vector<16xi32>
    %add3A_58 = arith.constant 0 : i32
    %add3A_59 = arith.addi %add3A_6, %add3A_58 : i32
    %mul3A_60 = arith.constant 128 : i32
    %mul3A_61 = arith.muli %add3A_59, %mul3A_60 : i32
    %dma_start3A = arith.constant 0 : i32
    %dma_start3A_62 = arith.constant 0 : i32
    %dma_start3A_63 = arith.constant 0 : i32
    %dma_start3A_64 = arith.constant 0 : i32
    %dma_start3A_65 = tpu.memref_slice %arg4[%dma_start3A, %dma_start3A_62, %dma_start3A_63, %dma_start3A_64] : memref<3x2x8x128xf32, #tpu.memory_space<vmem>> -> memref<1x1x8x128xf32, #tpu.memory_space<vmem>>
    %dma_start3A_66 = tpu.memref_squeeze %dma_start3A_65 : memref<1x1x8x128xf32, #tpu.memory_space<vmem>> -> memref<8x128xf32, #tpu.memory_space<vmem>>
    %dma_start3A_67 = arith.constant 0 : i32
    %dma_start3A_68 = tpu.memref_slice %arg2[%dma_start3A_67, %mul3A_61] : memref<16x2600000xf32, #tpu.memory_space<hbm>> -> memref<8x128xf32, #tpu.memory_space<hbm>>
    %dma_start3A_69 = arith.constant 0 : i32
    %dma_start3A_70 = arith.constant 0 : i32
    %dma_start3A_71 = tpu.memref_slice %arg4[%dma_start3A, %dma_start3A_62, %dma_start3A_69, %dma_start3A_70] : memref<3x2x8x128xf32, #tpu.memory_space<vmem>> -> memref<1x1x8x128xf32, #tpu.memory_space<vmem>>
    %dma_start3A_72 = tpu.memref_squeeze %dma_start3A_71 : memref<1x1x8x128xf32, #tpu.memory_space<vmem>> -> memref<8x128xf32, #tpu.memory_space<vmem>>
    %dma_start3A_73 = arith.constant 0 : i32
    %dma_start3A_74 = tpu.memref_slice %arg2[%dma_start3A_73, %mul3A_61] : memref<16x2600000xf32, #tpu.memory_space<hbm>> -> memref<8x128xf32, #tpu.memory_space<hbm>>
    tpu.enqueue_dma source(%dma_start3A_74 : memref<8x128xf32, #tpu.memory_space<hbm>>) target(%dma_start3A_72 : memref<8x128xf32, #tpu.memory_space<vmem>>) target_semaphore(%arg8 : memref<!tpu.dma_semaphore, #tpu.memory_space<semaphore_mem>>)
    %mul3A_75 = arith.constant 128 : i32
    %mul3A_76 = arith.muli %add3A_59, %mul3A_75 : i32
    %dma_start3A_77 = arith.constant 0 : i32
    %dma_start3A_78 = arith.constant 1 : i32
    %dma_start3A_79 = arith.constant 0 : i32
    %dma_start3A_80 = arith.constant 0 : i32
    %dma_start3A_81 = tpu.memref_slice %arg4[%dma_start3A_77, %dma_start3A_78, %dma_start3A_79, %dma_start3A_80] : memref<3x2x8x128xf32, #tpu.memory_space<vmem>> -> memref<1x1x8x128xf32, #tpu.memory_space<vmem>>
    %dma_start3A_82 = tpu.memref_squeeze %dma_start3A_81 : memref<1x1x8x128xf32, #tpu.memory_space<vmem>> -> memref<8x128xf32, #tpu.memory_space<vmem>>
    %dma_start3A_83 = arith.constant 8 : i32
    %dma_start3A_84 = tpu.memref_slice %arg2[%dma_start3A_83, %mul3A_76] : memref<16x2600000xf32, #tpu.memory_space<hbm>> -> memref<8x128xf32, #tpu.memory_space<hbm>>
    %dma_start3A_85 = arith.constant 0 : i32
    %dma_start3A_86 = arith.constant 0 : i32
    %dma_start3A_87 = tpu.memref_slice %arg4[%dma_start3A_77, %dma_start3A_78, %dma_start3A_85, %dma_start3A_86] : memref<3x2x8x128xf32, #tpu.memory_space<vmem>> -> memref<1x1x8x128xf32, #tpu.memory_space<vmem>>
    %dma_start3A_88 = tpu.memref_squeeze %dma_start3A_87 : memref<1x1x8x128xf32, #tpu.memory_space<vmem>> -> memref<8x128xf32, #tpu.memory_space<vmem>>
    %dma_start3A_89 = arith.constant 8 : i32
    %dma_start3A_90 = tpu.memref_slice %arg2[%dma_start3A_89, %mul3A_76] : memref<16x2600000xf32, #tpu.memory_space<hbm>> -> memref<8x128xf32, #tpu.memory_space<hbm>>
    tpu.enqueue_dma source(%dma_start3A_90 : memref<8x128xf32, #tpu.memory_space<hbm>>) target(%dma_start3A_88 : memref<8x128xf32, #tpu.memory_space<vmem>>) target_semaphore(%arg8 : memref<!tpu.dma_semaphore, #tpu.memory_space<semaphore_mem>>)
    %add3A_91 = arith.constant 1 : i32
    %add3A_92 = arith.addi %add3A_6, %add3A_91 : i32
    %mul3A_93 = arith.constant 128 : i32
    %mul3A_94 = arith.muli %add3A_92, %mul3A_93 : i32
    %dma_start3A_95 = arith.constant 1 : i32
    %dma_start3A_96 = arith.constant 0 : i32
    %dma_start3A_97 = arith.constant 0 : i32
    %dma_start3A_98 = arith.constant 0 : i32
    %dma_start3A_99 = tpu.memref_slice %arg4[%dma_start3A_95, %dma_start3A_96, %dma_start3A_97, %dma_start3A_98] : memref<3x2x8x128xf32, #tpu.memory_space<vmem>> -> memref<1x1x8x128xf32, #tpu.memory_space<vmem>>
    %dma_start3A_100 = tpu.memref_squeeze %dma_start3A_99 : memref<1x1x8x128xf32, #tpu.memory_space<vmem>> -> memref<8x128xf32, #tpu.memory_space<vmem>>
    %dma_start3A_101 = arith.constant 0 : i32
    %dma_start3A_102 = tpu.memref_slice %arg2[%dma_start3A_101, %mul3A_94] : memref<16x2600000xf32, #tpu.memory_space<hbm>> -> memref<8x128xf32, #tpu.memory_space<hbm>>
    %dma_start3A_103 = arith.constant 0 : i32
    %dma_start3A_104 = arith.constant 0 : i32
    %dma_start3A_105 = tpu.memref_slice %arg4[%dma_start3A_95, %dma_start3A_96, %dma_start3A_103, %dma_start3A_104] : memref<3x2x8x128xf32, #tpu.memory_space<vmem>> -> memref<1x1x8x128xf32, #tpu.memory_space<vmem>>
    %dma_start3A_106 = tpu.memref_squeeze %dma_start3A_105 : memref<1x1x8x128xf32, #tpu.memory_space<vmem>> -> memref<8x128xf32, #tpu.memory_space<vmem>>
    %dma_start3A_107 = arith.constant 0 : i32
    %dma_start3A_108 = tpu.memref_slice %arg2[%dma_start3A_107, %mul3A_94] : memref<16x2600000xf32, #tpu.memory_space<hbm>> -> memref<8x128xf32, #tpu.memory_space<hbm>>
    tpu.enqueue_dma source(%dma_start3A_108 : memref<8x128xf32, #tpu.memory_space<hbm>>) target(%dma_start3A_106 : memref<8x128xf32, #tpu.memory_space<vmem>>) target_semaphore(%arg8 : memref<!tpu.dma_semaphore, #tpu.memory_space<semaphore_mem>>)
    %mul3A_109 = arith.constant 128 : i32
    %mul3A_110 = arith.muli %add3A_92, %mul3A_109 : i32
    %dma_start3A_111 = arith.constant 1 : i32
    %dma_start3A_112 = arith.constant 1 : i32
    %dma_start3A_113 = arith.constant 0 : i32
    %dma_start3A_114 = arith.constant 0 : i32
    %dma_start3A_115 = tpu.memref_slice %arg4[%dma_start3A_111, %dma_start3A_112, %dma_start3A_113, %dma_start3A_114] : memref<3x2x8x128xf32, #tpu.memory_space<vmem>> -> memref<1x1x8x128xf32, #tpu.memory_space<vmem>>
    %dma_start3A_116 = tpu.memref_squeeze %dma_start3A_115 : memref<1x1x8x128xf32, #tpu.memory_space<vmem>> -> memref<8x128xf32, #tpu.memory_space<vmem>>
    %dma_start3A_117 = arith.constant 8 : i32
    %dma_start3A_118 = tpu.memref_slice %arg2[%dma_start3A_117, %mul3A_110] : memref<16x2600000xf32, #tpu.memory_space<hbm>> -> memref<8x128xf32, #tpu.memory_space<hbm>>
    %dma_start3A_119 = arith.constant 0 : i32
    %dma_start3A_120 = arith.constant 0 : i32
    %dma_start3A_121 = tpu.memref_slice %arg4[%dma_start3A_111, %dma_start3A_112, %dma_start3A_119, %dma_start3A_120] : memref<3x2x8x128xf32, #tpu.memory_space<vmem>> -> memref<1x1x8x128xf32, #tpu.memory_space<vmem>>
    %dma_start3A_122 = tpu.memref_squeeze %dma_start3A_121 : memref<1x1x8x128xf32, #tpu.memory_space<vmem>> -> memref<8x128xf32, #tpu.memory_space<vmem>>
    %dma_start3A_123 = arith.constant 8 : i32
    %dma_start3A_124 = tpu.memref_slice %arg2[%dma_start3A_123, %mul3A_110] : memref<16x2600000xf32, #tpu.memory_space<hbm>> -> memref<8x128xf32, #tpu.memory_space<hbm>>
    tpu.enqueue_dma source(%dma_start3A_124 : memref<8x128xf32, #tpu.memory_space<hbm>>) target(%dma_start3A_122 : memref<8x128xf32, #tpu.memory_space<vmem>>) target_semaphore(%arg8 : memref<!tpu.dma_semaphore, #tpu.memory_space<semaphore_mem>>)
    %while3A = arith.constant 0 : i32
    %while3A_125 = arith.constant 0 : i32
    %while3A_126 = arith.subi %select_n3A, %while3A_125 : i32
    %while3A_127 = arith.addi %while3A_125, %while3A_126 : i32
    %while3A_128 = arith.constant 1 : i32
    %while3A_129 = arith.divsi %while3A_126, %while3A_128 : i32
    %while3A_130 = arith.muli %while3A_129, %while3A_128 : i32
    %while3A_131 = arith.addi %while3A_125, %while3A_130 : i32
    %while3A_132 = arith.constant 1 : i32
    scf.for %while3A_185 = %while3A_125 to %while3A_131 step %while3A_132  : i32 {
      %add3A_186 = arith.addi %add3A_6, %while3A_185 : i32
      %mul3A_187 = arith.constant 128 : i32
      %mul3A_188 = arith.muli %add3A_186, %mul3A_187 : i32
      %jit3A_189 = arith.constant 3 : i32
      %eq3A_190 = arith.constant 0 : i32
      %eq3A_191 = arith.cmpi eq, %jit3A_189, %eq3A_190 : i32
      %jit3A_192 = arith.constant 1 : i32
      %select_n3A_193 = arith.select %eq3A_191, %jit3A_192, %jit3A_189 : i32
      %rem3A_194 = arith.remsi %while3A_185, %select_n3A_193 : i32
      %ne3A_195 = arith.constant 0 : i32
      %ne3A_196 = arith.cmpi ne, %rem3A_194, %ne3A_195 : i32
      %lt3A_197 = arith.constant 0 : i32
      %lt3A_198 = arith.cmpi slt, %rem3A_194, %lt3A_197 : i32
      %lt3A_199 = arith.constant 0 : i32
      %lt3A_200 = arith.cmpi slt, %select_n3A_193, %lt3A_199 : i32
      %ne3A_201 = arith.xori %lt3A_198, %lt3A_200 : i1
      %and3A_202 = arith.andi %ne3A_201, %ne3A_196 : i1
      %add3A_203 = arith.addi %rem3A_194, %select_n3A_193 : i32
      %select_n3A_204 = arith.select %and3A_202, %add3A_203, %rem3A_194 : i32
      %dma_wait3A_205 = arith.constant 0 : i32
      %dma_wait3A_206 = arith.constant 0 : i32
      %dma_wait3A_207 = arith.constant 0 : i32
      %dma_wait3A_208 = tpu.memref_slice %arg4[%select_n3A_204, %dma_wait3A_205, %dma_wait3A_206, %dma_wait3A_207] : memref<3x2x8x128xf32, #tpu.memory_space<vmem>> -> memref<1x1x8x128xf32, #tpu.memory_space<vmem>>
      %dma_wait3A_209 = tpu.memref_squeeze %dma_wait3A_208 : memref<1x1x8x128xf32, #tpu.memory_space<vmem>> -> memref<8x128xf32, #tpu.memory_space<vmem>>
      %dma_wait3A_210 = arith.constant 0 : i32
      %dma_wait3A_211 = tpu.memref_slice %arg2[%dma_wait3A_210, %mul3A_188] : memref<16x2600000xf32, #tpu.memory_space<hbm>> -> memref<8x128xf32, #tpu.memory_space<hbm>>
      %dma_wait3A_212 = arith.constant 0 : i32
      %dma_wait3A_213 = arith.constant 0 : i32
      %dma_wait3A_214 = tpu.memref_slice %arg4[%select_n3A_204, %dma_wait3A_205, %dma_wait3A_212, %dma_wait3A_213] : memref<3x2x8x128xf32, #tpu.memory_space<vmem>> -> memref<1x1x8x128xf32, #tpu.memory_space<vmem>>
      %dma_wait3A_215 = tpu.memref_squeeze %dma_wait3A_214 : memref<1x1x8x128xf32, #tpu.memory_space<vmem>> -> memref<8x128xf32, #tpu.memory_space<vmem>>
      %dma_wait3A_216 = arith.constant 0 : i32
      %dma_wait3A_217 = tpu.memref_slice %arg2[%dma_wait3A_216, %mul3A_188] : memref<16x2600000xf32, #tpu.memory_space<hbm>> -> memref<8x128xf32, #tpu.memory_space<hbm>>
      tpu.wait_dma2 semaphore(%arg8 : memref<!tpu.dma_semaphore, #tpu.memory_space<semaphore_mem>>) src(%dma_wait3A_217 : memref<8x128xf32, #tpu.memory_space<hbm>>) dst(%dma_wait3A_215 : memref<8x128xf32, #tpu.memory_space<vmem>>)
      %add3A_218 = arith.addi %add3A_6, %while3A_185 : i32
      %mul3A_219 = arith.constant 128 : i32
      %mul3A_220 = arith.muli %add3A_218, %mul3A_219 : i32
      %jit3A_221 = arith.constant 3 : i32
      %eq3A_222 = arith.constant 0 : i32
      %eq3A_223 = arith.cmpi eq, %jit3A_221, %eq3A_222 : i32
      %jit3A_224 = arith.constant 1 : i32
      %select_n3A_225 = arith.select %eq3A_223, %jit3A_224, %jit3A_221 : i32
      %rem3A_226 = arith.remsi %while3A_185, %select_n3A_225 : i32
      %ne3A_227 = arith.constant 0 : i32
      %ne3A_228 = arith.cmpi ne, %rem3A_226, %ne3A_227 : i32
      %lt3A_229 = arith.constant 0 : i32
      %lt3A_230 = arith.cmpi slt, %rem3A_226, %lt3A_229 : i32
      %lt3A_231 = arith.constant 0 : i32
      %lt3A_232 = arith.cmpi slt, %select_n3A_225, %lt3A_231 : i32
      %ne3A_233 = arith.xori %lt3A_230, %lt3A_232 : i1
      %and3A_234 = arith.andi %ne3A_233, %ne3A_228 : i1
      %add3A_235 = arith.addi %rem3A_226, %select_n3A_225 : i32
      %select_n3A_236 = arith.select %and3A_234, %add3A_235, %rem3A_226 : i32
      %dma_wait3A_237 = arith.constant 1 : i32
      %dma_wait3A_238 = arith.constant 0 : i32
      %dma_wait3A_239 = arith.constant 0 : i32
      %dma_wait3A_240 = tpu.memref_slice %arg4[%select_n3A_236, %dma_wait3A_237, %dma_wait3A_238, %dma_wait3A_239] : memref<3x2x8x128xf32, #tpu.memory_space<vmem>> -> memref<1x1x8x128xf32, #tpu.memory_space<vmem>>
      %dma_wait3A_241 = tpu.memref_squeeze %dma_wait3A_240 : memref<1x1x8x128xf32, #tpu.memory_space<vmem>> -> memref<8x128xf32, #tpu.memory_space<vmem>>
      %dma_wait3A_242 = arith.constant 8 : i32
      %dma_wait3A_243 = tpu.memref_slice %arg2[%dma_wait3A_242, %mul3A_220] : memref<16x2600000xf32, #tpu.memory_space<hbm>> -> memref<8x128xf32, #tpu.memory_space<hbm>>
      %dma_wait3A_244 = arith.constant 0 : i32
      %dma_wait3A_245 = arith.constant 0 : i32
      %dma_wait3A_246 = tpu.memref_slice %arg4[%select_n3A_236, %dma_wait3A_237, %dma_wait3A_244, %dma_wait3A_245] : memref<3x2x8x128xf32, #tpu.memory_space<vmem>> -> memref<1x1x8x128xf32, #tpu.memory_space<vmem>>
      %dma_wait3A_247 = tpu.memref_squeeze %dma_wait3A_246 : memref<1x1x8x128xf32, #tpu.memory_space<vmem>> -> memref<8x128xf32, #tpu.memory_space<vmem>>
      %dma_wait3A_248 = arith.constant 8 : i32
      %dma_wait3A_249 = tpu.memref_slice %arg2[%dma_wait3A_248, %mul3A_220] : memref<16x2600000xf32, #tpu.memory_space<hbm>> -> memref<8x128xf32, #tpu.memory_space<hbm>>
      tpu.wait_dma2 semaphore(%arg8 : memref<!tpu.dma_semaphore, #tpu.memory_space<semaphore_mem>>) src(%dma_wait3A_249 : memref<8x128xf32, #tpu.memory_space<hbm>>) dst(%dma_wait3A_247 : memref<8x128xf32, #tpu.memory_space<vmem>>)
      %add3A_250 = arith.constant 2 : i32
      %add3A_251 = arith.addi %while3A_185, %add3A_250 : i32
      %lt3A_252 = arith.cmpi slt, %add3A_251, %select_n3A : i32
      %convert_element_type3A_253 = arith.extui %lt3A_252 : i1 to i32
      %cond3A_254 = arith.constant 0 : i32
      %cond3A_255 = arith.cmpi ne, %convert_element_type3A_253, %cond3A_254 : i32
      scf.if %cond3A_255 {
        %add3A_342 = arith.constant 2 : i32
        %add3A_343 = arith.addi %while3A_185, %add3A_342 : i32
        %add3A_344 = arith.addi %add3A_6, %add3A_343 : i32
        %mul3A_345 = arith.constant 128 : i32
        %mul3A_346 = arith.muli %add3A_344, %mul3A_345 : i32
        %jit3A_347 = arith.constant 3 : i32
        %eq3A_348 = arith.constant 0 : i32
        %eq3A_349 = arith.cmpi eq, %jit3A_347, %eq3A_348 : i32
        %jit3A_350 = arith.constant 1 : i32
        %select_n3A_351 = arith.select %eq3A_349, %jit3A_350, %jit3A_347 : i32
        %rem3A_352 = arith.remsi %add3A_343, %select_n3A_351 : i32
        %ne3A_353 = arith.constant 0 : i32
        %ne3A_354 = arith.cmpi ne, %rem3A_352, %ne3A_353 : i32
        %lt3A_355 = arith.constant 0 : i32
        %lt3A_356 = arith.cmpi slt, %rem3A_352, %lt3A_355 : i32
        %lt3A_357 = arith.constant 0 : i32
        %lt3A_358 = arith.cmpi slt, %select_n3A_351, %lt3A_357 : i32
        %ne3A_359 = arith.xori %lt3A_356, %lt3A_358 : i1
        %and3A_360 = arith.andi %ne3A_359, %ne3A_354 : i1
        %add3A_361 = arith.addi %rem3A_352, %select_n3A_351 : i32
        %select_n3A_362 = arith.select %and3A_360, %add3A_361, %rem3A_352 : i32
        %dma_start3A_363 = arith.constant 0 : i32
        %dma_start3A_364 = arith.constant 0 : i32
        %dma_start3A_365 = arith.constant 0 : i32
        %dma_start3A_366 = tpu.memref_slice %arg4[%select_n3A_362, %dma_start3A_363, %dma_start3A_364, %dma_start3A_365] : memref<3x2x8x128xf32, #tpu.memory_space<vmem>> -> memref<1x1x8x128xf32, #tpu.memory_space<vmem>>
        %dma_start3A_367 = tpu.memref_squeeze %dma_start3A_366 : memref<1x1x8x128xf32, #tpu.memory_space<vmem>> -> memref<8x128xf32, #tpu.memory_space<vmem>>
        %dma_start3A_368 = arith.constant 0 : i32
        %dma_start3A_369 = tpu.memref_slice %arg2[%dma_start3A_368, %mul3A_346] : memref<16x2600000xf32, #tpu.memory_space<hbm>> -> memref<8x128xf32, #tpu.memory_space<hbm>>
        %dma_start3A_370 = arith.constant 0 : i32
        %dma_start3A_371 = arith.constant 0 : i32
        %dma_start3A_372 = tpu.memref_slice %arg4[%select_n3A_362, %dma_start3A_363, %dma_start3A_370, %dma_start3A_371] : memref<3x2x8x128xf32, #tpu.memory_space<vmem>> -> memref<1x1x8x128xf32, #tpu.memory_space<vmem>>
        %dma_start3A_373 = tpu.memref_squeeze %dma_start3A_372 : memref<1x1x8x128xf32, #tpu.memory_space<vmem>> -> memref<8x128xf32, #tpu.memory_space<vmem>>
        %dma_start3A_374 = arith.constant 0 : i32
        %dma_start3A_375 = tpu.memref_slice %arg2[%dma_start3A_374, %mul3A_346] : memref<16x2600000xf32, #tpu.memory_space<hbm>> -> memref<8x128xf32, #tpu.memory_space<hbm>>
        tpu.enqueue_dma source(%dma_start3A_375 : memref<8x128xf32, #tpu.memory_space<hbm>>) target(%dma_start3A_373 : memref<8x128xf32, #tpu.memory_space<vmem>>) target_semaphore(%arg8 : memref<!tpu.dma_semaphore, #tpu.memory_space<semaphore_mem>>)
        %mul3A_376 = arith.constant 128 : i32
        %mul3A_377 = arith.muli %add3A_344, %mul3A_376 : i32
        %jit3A_378 = arith.constant 3 : i32
        %eq3A_379 = arith.constant 0 : i32
        %eq3A_380 = arith.cmpi eq, %jit3A_378, %eq3A_379 : i32
        %jit3A_381 = arith.constant 1 : i32
        %select_n3A_382 = arith.select %eq3A_380, %jit3A_381, %jit3A_378 : i32
        %rem3A_383 = arith.remsi %add3A_343, %select_n3A_382 : i32
        %ne3A_384 = arith.constant 0 : i32
        %ne3A_385 = arith.cmpi ne, %rem3A_383, %ne3A_384 : i32
        %lt3A_386 = arith.constant 0 : i32
        %lt3A_387 = arith.cmpi slt, %rem3A_383, %lt3A_386 : i32
        %lt3A_388 = arith.constant 0 : i32
        %lt3A_389 = arith.cmpi slt, %select_n3A_382, %lt3A_388 : i32
        %ne3A_390 = arith.xori %lt3A_387, %lt3A_389 : i1
        %and3A_391 = arith.andi %ne3A_390, %ne3A_385 : i1
        %add3A_392 = arith.addi %rem3A_383, %select_n3A_382 : i32
        %select_n3A_393 = arith.select %and3A_391, %add3A_392, %rem3A_383 : i32
        %dma_start3A_394 = arith.constant 1 : i32
        %dma_start3A_395 = arith.constant 0 : i32
        %dma_start3A_396 = arith.constant 0 : i32
        %dma_start3A_397 = tpu.memref_slice %arg4[%select_n3A_393, %dma_start3A_394, %dma_start3A_395, %dma_start3A_396] : memref<3x2x8x128xf32, #tpu.memory_space<vmem>> -> memref<1x1x8x128xf32, #tpu.memory_space<vmem>>
        %dma_start3A_398 = tpu.memref_squeeze %dma_start3A_397 : memref<1x1x8x128xf32, #tpu.memory_space<vmem>> -> memref<8x128xf32, #tpu.memory_space<vmem>>
        %dma_start3A_399 = arith.constant 8 : i32
        %dma_start3A_400 = tpu.memref_slice %arg2[%dma_start3A_399, %mul3A_377] : memref<16x2600000xf32, #tpu.memory_space<hbm>> -> memref<8x128xf32, #tpu.memory_space<hbm>>
        %dma_start3A_401 = arith.constant 0 : i32
        %dma_start3A_402 = arith.constant 0 : i32
        %dma_start3A_403 = tpu.memref_slice %arg4[%select_n3A_393, %dma_start3A_394, %dma_start3A_401, %dma_start3A_402] : memref<3x2x8x128xf32, #tpu.memory_space<vmem>> -> memref<1x1x8x128xf32, #tpu.memory_space<vmem>>
        %dma_start3A_404 = tpu.memref_squeeze %dma_start3A_403 : memref<1x1x8x128xf32, #tpu.memory_space<vmem>> -> memref<8x128xf32, #tpu.memory_space<vmem>>
        %dma_start3A_405 = arith.constant 8 : i32
        %dma_start3A_406 = tpu.memref_slice %arg2[%dma_start3A_405, %mul3A_377] : memref<16x2600000xf32, #tpu.memory_space<hbm>> -> memref<8x128xf32, #tpu.memory_space<hbm>>
        tpu.enqueue_dma source(%dma_start3A_406 : memref<8x128xf32, #tpu.memory_space<hbm>>) target(%dma_start3A_404 : memref<8x128xf32, #tpu.memory_space<vmem>>) target_semaphore(%arg8 : memref<!tpu.dma_semaphore, #tpu.memory_space<semaphore_mem>>)
      } else {
      }
      %ge3A = arith.constant 2 : i32
      %ge3A_256 = arith.cmpi sge, %while3A_185, %ge3A : i32
      %convert_element_type3A_257 = arith.extui %ge3A_256 : i1 to i32
      %cond3A_258 = arith.constant 0 : i32
      %cond3A_259 = arith.cmpi ne, %convert_element_type3A_257, %cond3A_258 : i32
      scf.if %cond3A_259 {
        %sub3A_342 = arith.constant 2 : i32
        %sub3A_343 = arith.subi %while3A_185, %sub3A_342 : i32
        %add3A_344 = arith.addi %add3A_6, %sub3A_343 : i32
        %jit3A_345 = arith.constant 2 : i32
        %eq3A_346 = arith.constant 0 : i32
        %eq3A_347 = arith.cmpi eq, %jit3A_345, %eq3A_346 : i32
        %jit3A_348 = arith.constant 1 : i32
        %select_n3A_349 = arith.select %eq3A_347, %jit3A_348, %jit3A_345 : i32
        %rem3A_350 = arith.remsi %sub3A_343, %select_n3A_349 : i32
        %ne3A_351 = arith.constant 0 : i32
        %ne3A_352 = arith.cmpi ne, %rem3A_350, %ne3A_351 : i32
        %lt3A_353 = arith.constant 0 : i32
        %lt3A_354 = arith.cmpi slt, %rem3A_350, %lt3A_353 : i32
        %lt3A_355 = arith.constant 0 : i32
        %lt3A_356 = arith.cmpi slt, %select_n3A_349, %lt3A_355 : i32
        %ne3A_357 = arith.xori %lt3A_354, %lt3A_356 : i1
        %and3A_358 = arith.andi %ne3A_357, %ne3A_352 : i1
        %add3A_359 = arith.addi %rem3A_350, %select_n3A_349 : i32
        %select_n3A_360 = arith.select %and3A_358, %add3A_359, %rem3A_350 : i32
        %mul3A_361 = arith.constant 2048 : i32
        %mul3A_362 = arith.muli %select_n3A_360, %mul3A_361 : i32
        %mul3A_363 = arith.constant 2048 : i32
        %mul3A_364 = arith.muli %add3A_344, %mul3A_363 : i32
        %dma_wait3A_365 = tpu.memref_slice %arg5[%mul3A_362] : memref<4096xf32, #tpu.memory_space<vmem>> -> memref<2048xf32, #tpu.memory_space<vmem>>
        %dma_wait3A_366 = tpu.memref_slice %arg3[%mul3A_364] : memref<41600000xf32, #tpu.memory_space<hbm>> -> memref<2048xf32, #tpu.memory_space<hbm>>
        %dma_wait3A_367 = tpu.memref_slice %arg3[%mul3A_364] : memref<41600000xf32, #tpu.memory_space<hbm>> -> memref<2048xf32, #tpu.memory_space<hbm>>
        %dma_wait3A_368 = tpu.memref_slice %arg5[%mul3A_362] : memref<4096xf32, #tpu.memory_space<vmem>> -> memref<2048xf32, #tpu.memory_space<vmem>>
        tpu.wait_dma2 semaphore(%arg9 : memref<!tpu.dma_semaphore, #tpu.memory_space<semaphore_mem>>) src(%dma_wait3A_368 : memref<2048xf32, #tpu.memory_space<vmem>>) dst(%dma_wait3A_367 : memref<2048xf32, #tpu.memory_space<hbm>>)
      } else {
      }
      %jit3A_260 = arith.constant 3 : i32
      %eq3A_261 = arith.constant 0 : i32
      %eq3A_262 = arith.cmpi eq, %jit3A_260, %eq3A_261 : i32
      %jit3A_263 = arith.constant 1 : i32
      %select_n3A_264 = arith.select %eq3A_262, %jit3A_263, %jit3A_260 : i32
      %rem3A_265 = arith.remsi %while3A_185, %select_n3A_264 : i32
      %ne3A_266 = arith.constant 0 : i32
      %ne3A_267 = arith.cmpi ne, %rem3A_265, %ne3A_266 : i32
      %lt3A_268 = arith.constant 0 : i32
      %lt3A_269 = arith.cmpi slt, %rem3A_265, %lt3A_268 : i32
      %lt3A_270 = arith.constant 0 : i32
      %lt3A_271 = arith.cmpi slt, %select_n3A_264, %lt3A_270 : i32
      %ne3A_272 = arith.xori %lt3A_269, %lt3A_271 : i1
      %and3A_273 = arith.andi %ne3A_272, %ne3A_267 : i1
      %add3A_274 = arith.addi %rem3A_265, %select_n3A_264 : i32
      %select_n3A_275 = arith.select %and3A_273, %add3A_274, %rem3A_265 : i32
      %jit3A_276 = arith.constant 3 : i32
      %eq3A_277 = arith.constant 0 : i32
      %eq3A_278 = arith.cmpi eq, %jit3A_276, %eq3A_277 : i32
      %jit3A_279 = arith.constant 1 : i32
      %select_n3A_280 = arith.select %eq3A_278, %jit3A_279, %jit3A_276 : i32
      %rem3A_281 = arith.remsi %while3A_185, %select_n3A_280 : i32
      %ne3A_282 = arith.constant 0 : i32
      %ne3A_283 = arith.cmpi ne, %rem3A_281, %ne3A_282 : i32
      %lt3A_284 = arith.constant 0 : i32
      %lt3A_285 = arith.cmpi slt, %rem3A_281, %lt3A_284 : i32
      %lt3A_286 = arith.constant 0 : i32
      %lt3A_287 = arith.cmpi slt, %select_n3A_280, %lt3A_286 : i32
      %ne3A_288 = arith.xori %lt3A_285, %lt3A_287 : i1
      %and3A_289 = arith.andi %ne3A_288, %ne3A_283 : i1
      %add3A_290 = arith.addi %rem3A_281, %select_n3A_280 : i32
      %select_n3A_291 = arith.select %and3A_289, %add3A_290, %rem3A_281 : i32
      %jit3A_292 = arith.constant 2 : i32
      %eq3A_293 = arith.constant 0 : i32
      %eq3A_294 = arith.cmpi eq, %jit3A_292, %eq3A_293 : i32
      %jit3A_295 = arith.constant 1 : i32
      %select_n3A_296 = arith.select %eq3A_294, %jit3A_295, %jit3A_292 : i32
      %rem3A_297 = arith.remsi %while3A_185, %select_n3A_296 : i32
      %ne3A_298 = arith.constant 0 : i32
      %ne3A_299 = arith.cmpi ne, %rem3A_297, %ne3A_298 : i32
      %lt3A_300 = arith.constant 0 : i32
      %lt3A_301 = arith.cmpi slt, %rem3A_297, %lt3A_300 : i32
      %lt3A_302 = arith.constant 0 : i32
      %lt3A_303 = arith.cmpi slt, %select_n3A_296, %lt3A_302 : i32
      %ne3A_304 = arith.xori %lt3A_301, %lt3A_303 : i1
      %and3A_305 = arith.andi %ne3A_304, %ne3A_299 : i1
      %add3A_306 = arith.addi %rem3A_297, %select_n3A_296 : i32
      %select_n3A_307 = arith.select %and3A_305, %add3A_306, %rem3A_297 : i32
      %mul3A_308 = arith.constant 2048 : i32
      %mul3A_309 = arith.muli %select_n3A_307, %mul3A_308 : i32
      %scan3A = arith.constant 0 : i32
      %scan3A_310 = arith.constant 0 : i32
      %scan3A_311 = arith.constant 1 : i32
      %scan3A_312 = arith.constant 0 : i32
      %scan3A_313 = arith.constant 8 : i32
      %scan3A_314 = arith.addi %scan3A_312, %scan3A_313 : i32
      %scan3A_315 = arith.constant 1 : i32
      scf.for %scan3A_342 = %scan3A_312 to %scan3A_314 step %scan3A_315  : i32 {
        %mul3A_343 = arith.constant 256 : i32
        %mul3A_344 = arith.muli %scan3A_342, %mul3A_343 : i32
        %add3A_345 = arith.addi %mul3A_309, %mul3A_344 : i32
        %mul3A_346 = arith.constant 16 : i32
        %mul3A_347 = arith.muli %scan3A_342, %mul3A_346 : i32
        %get3A = arith.constant 0 : i32
        %get3A_348 = arith.constant 0 : i32
        %get3A_349 = arith.constant 0 : i32
        %get3A_350 = tpu.memref_slice %arg4[%select_n3A_275, %scan3A_310, %get3A_348, %get3A_349] : memref<3x2x8x128xf32, #tpu.memory_space<vmem>> -> memref<1x1x8x128xf32, #tpu.memory_space<vmem>>
        %get3A_351 = tpu.memref_squeeze %get3A_350 : memref<1x1x8x128xf32, #tpu.memory_space<vmem>> -> memref<8x128xf32, #tpu.memory_space<vmem>>
        %get3A_352 = arith.index_cast %get3A : i32 to index
        %get3A_353 = arith.index_cast %mul3A_347 : i32 to index
        %get3A_354 = tpu.vector_load %get3A_351[%get3A_352, %get3A_353] {strides = array<i32>} : memref<8x128xf32, #tpu.memory_space<vmem>>, vector<16xf32>,
        %scatter3A = tpu.memref_slice %arg5[%add3A_345] : memref<4096xf32, #tpu.memory_space<vmem>> -> memref<256xf32, #tpu.memory_space<vmem>>
        tpu.vector_store_idx %scatter3A[%add3A_12], %get3A_354 : memref<256xf32, #tpu.memory_space<vmem>>[vector<16xi32>], vector<16xf32>,
        %mul3A_355 = arith.constant 16 : i32
        %mul3A_356 = arith.muli %scan3A_342, %mul3A_355 : i32
        %get3A_357 = arith.constant 1 : i32
        %get3A_358 = arith.constant 0 : i32
        %get3A_359 = arith.constant 0 : i32
        %get3A_360 = tpu.memref_slice %arg4[%select_n3A_275, %scan3A_310, %get3A_358, %get3A_359] : memref<3x2x8x128xf32, #tpu.memory_space<vmem>> -> memref<1x1x8x128xf32, #tpu.memory_space<vmem>>
        %get3A_361 = tpu.memref_squeeze %get3A_360 : memref<1x1x8x128xf32, #tpu.memory_space<vmem>> -> memref<8x128xf32, #tpu.memory_space<vmem>>
        %get3A_362 = arith.index_cast %get3A_357 : i32 to index
        %get3A_363 = arith.index_cast %mul3A_356 : i32 to index
        %get3A_364 = tpu.vector_load %get3A_361[%get3A_362, %get3A_363] {strides = array<i32>} : memref<8x128xf32, #tpu.memory_space<vmem>>, vector<16xf32>,
        %scatter3A_365 = tpu.memref_slice %arg5[%add3A_345] : memref<4096xf32, #tpu.memory_space<vmem>> -> memref<256xf32, #tpu.memory_space<vmem>>
        tpu.vector_store_idx %scatter3A_365[%add3A_15], %get3A_364 : memref<256xf32, #tpu.memory_space<vmem>>[vector<16xi32>], vector<16xf32>,
        %mul3A_366 = arith.constant 16 : i32
        %mul3A_367 = arith.muli %scan3A_342, %mul3A_366 : i32
        %get3A_368 = arith.constant 2 : i32
        %get3A_369 = arith.constant 0 : i32
        %get3A_370 = arith.constant 0 : i32
        %get3A_371 = tpu.memref_slice %arg4[%select_n3A_275, %scan3A_310, %get3A_369, %get3A_370] : memref<3x2x8x128xf32, #tpu.memory_space<vmem>> -> memref<1x1x8x128xf32, #tpu.memory_space<vmem>>
        %get3A_372 = tpu.memref_squeeze %get3A_371 : memref<1x1x8x128xf32, #tpu.memory_space<vmem>> -> memref<8x128xf32, #tpu.memory_space<vmem>>
        %get3A_373 = arith.index_cast %get3A_368 : i32 to index
        %get3A_374 = arith.index_cast %mul3A_367 : i32 to index
        %get3A_375 = tpu.vector_load %get3A_372[%get3A_373, %get3A_374] {strides = array<i32>} : memref<8x128xf32, #tpu.memory_space<vmem>>, vector<16xf32>,
        %scatter3A_376 = tpu.memref_slice %arg5[%add3A_345] : memref<4096xf32, #tpu.memory_space<vmem>> -> memref<256xf32, #tpu.memory_space<vmem>>
        tpu.vector_store_idx %scatter3A_376[%add3A_18], %get3A_375 : memref<256xf32, #tpu.memory_space<vmem>>[vector<16xi32>], vector<16xf32>,
        %mul3A_377 = arith.constant 16 : i32
        %mul3A_378 = arith.muli %scan3A_342, %mul3A_377 : i32
        %get3A_379 = arith.constant 3 : i32
        %get3A_380 = arith.constant 0 : i32
        %get3A_381 = arith.constant 0 : i32
        %get3A_382 = tpu.memref_slice %arg4[%select_n3A_275, %scan3A_310, %get3A_380, %get3A_381] : memref<3x2x8x128xf32, #tpu.memory_space<vmem>> -> memref<1x1x8x128xf32, #tpu.memory_space<vmem>>
        %get3A_383 = tpu.memref_squeeze %get3A_382 : memref<1x1x8x128xf32, #tpu.memory_space<vmem>> -> memref<8x128xf32, #tpu.memory_space<vmem>>
        %get3A_384 = arith.index_cast %get3A_379 : i32 to index
        %get3A_385 = arith.index_cast %mul3A_378 : i32 to index
        %get3A_386 = tpu.vector_load %get3A_383[%get3A_384, %get3A_385] {strides = array<i32>} : memref<8x128xf32, #tpu.memory_space<vmem>>, vector<16xf32>,
        %scatter3A_387 = tpu.memref_slice %arg5[%add3A_345] : memref<4096xf32, #tpu.memory_space<vmem>> -> memref<256xf32, #tpu.memory_space<vmem>>
        tpu.vector_store_idx %scatter3A_387[%add3A_21], %get3A_386 : memref<256xf32, #tpu.memory_space<vmem>>[vector<16xi32>], vector<16xf32>,
        %mul3A_388 = arith.constant 16 : i32
        %mul3A_389 = arith.muli %scan3A_342, %mul3A_388 : i32
        %get3A_390 = arith.constant 4 : i32
        %get3A_391 = arith.constant 0 : i32
        %get3A_392 = arith.constant 0 : i32
        %get3A_393 = tpu.memref_slice %arg4[%select_n3A_275, %scan3A_310, %get3A_391, %get3A_392] : memref<3x2x8x128xf32, #tpu.memory_space<vmem>> -> memref<1x1x8x128xf32, #tpu.memory_space<vmem>>
        %get3A_394 = tpu.memref_squeeze %get3A_393 : memref<1x1x8x128xf32, #tpu.memory_space<vmem>> -> memref<8x128xf32, #tpu.memory_space<vmem>>
        %get3A_395 = arith.index_cast %get3A_390 : i32 to index
        %get3A_396 = arith.index_cast %mul3A_389 : i32 to index
        %get3A_397 = tpu.vector_load %get3A_394[%get3A_395, %get3A_396] {strides = array<i32>} : memref<8x128xf32, #tpu.memory_space<vmem>>, vector<16xf32>,
        %scatter3A_398 = tpu.memref_slice %arg5[%add3A_345] : memref<4096xf32, #tpu.memory_space<vmem>> -> memref<256xf32, #tpu.memory_space<vmem>>
        tpu.vector_store_idx %scatter3A_398[%add3A_24], %get3A_397 : memref<256xf32, #tpu.memory_space<vmem>>[vector<16xi32>], vector<16xf32>,
        %mul3A_399 = arith.constant 16 : i32
        %mul3A_400 = arith.muli %scan3A_342, %mul3A_399 : i32
        %get3A_401 = arith.constant 5 : i32
        %get3A_402 = arith.constant 0 : i32
        %get3A_403 = arith.constant 0 : i32
        %get3A_404 = tpu.memref_slice %arg4[%select_n3A_275, %scan3A_310, %get3A_402, %get3A_403] : memref<3x2x8x128xf32, #tpu.memory_space<vmem>> -> memref<1x1x8x128xf32, #tpu.memory_space<vmem>>
        %get3A_405 = tpu.memref_squeeze %get3A_404 : memref<1x1x8x128xf32, #tpu.memory_space<vmem>> -> memref<8x128xf32, #tpu.memory_space<vmem>>
        %get3A_406 = arith.index_cast %get3A_401 : i32 to index
        %get3A_407 = arith.index_cast %mul3A_400 : i32 to index
        %get3A_408 = tpu.vector_load %get3A_405[%get3A_406, %get3A_407] {strides = array<i32>} : memref<8x128xf32, #tpu.memory_space<vmem>>, vector<16xf32>,
        %scatter3A_409 = tpu.memref_slice %arg5[%add3A_345] : memref<4096xf32, #tpu.memory_space<vmem>> -> memref<256xf32, #tpu.memory_space<vmem>>
        tpu.vector_store_idx %scatter3A_409[%add3A_27], %get3A_408 : memref<256xf32, #tpu.memory_space<vmem>>[vector<16xi32>], vector<16xf32>,
        %mul3A_410 = arith.constant 16 : i32
        %mul3A_411 = arith.muli %scan3A_342, %mul3A_410 : i32
        %get3A_412 = arith.constant 6 : i32
        %get3A_413 = arith.constant 0 : i32
        %get3A_414 = arith.constant 0 : i32
        %get3A_415 = tpu.memref_slice %arg4[%select_n3A_275, %scan3A_310, %get3A_413, %get3A_414] : memref<3x2x8x128xf32, #tpu.memory_space<vmem>> -> memref<1x1x8x128xf32, #tpu.memory_space<vmem>>
        %get3A_416 = tpu.memref_squeeze %get3A_415 : memref<1x1x8x128xf32, #tpu.memory_space<vmem>> -> memref<8x128xf32, #tpu.memory_space<vmem>>
        %get3A_417 = arith.index_cast %get3A_412 : i32 to index
        %get3A_418 = arith.index_cast %mul3A_411 : i32 to index
        %get3A_419 = tpu.vector_load %get3A_416[%get3A_417, %get3A_418] {strides = array<i32>} : memref<8x128xf32, #tpu.memory_space<vmem>>, vector<16xf32>,
        %scatter3A_420 = tpu.memref_slice %arg5[%add3A_345] : memref<4096xf32, #tpu.memory_space<vmem>> -> memref<256xf32, #tpu.memory_space<vmem>>
        tpu.vector_store_idx %scatter3A_420[%add3A_30], %get3A_419 : memref<256xf32, #tpu.memory_space<vmem>>[vector<16xi32>], vector<16xf32>,
        %mul3A_421 = arith.constant 16 : i32
        %mul3A_422 = arith.muli %scan3A_342, %mul3A_421 : i32
        %get3A_423 = arith.constant 7 : i32
        %get3A_424 = arith.constant 0 : i32
        %get3A_425 = arith.constant 0 : i32
        %get3A_426 = tpu.memref_slice %arg4[%select_n3A_275, %scan3A_310, %get3A_424, %get3A_425] : memref<3x2x8x128xf32, #tpu.memory_space<vmem>> -> memref<1x1x8x128xf32, #tpu.memory_space<vmem>>
        %get3A_427 = tpu.memref_squeeze %get3A_426 : memref<1x1x8x128xf32, #tpu.memory_space<vmem>> -> memref<8x128xf32, #tpu.memory_space<vmem>>
        %get3A_428 = arith.index_cast %get3A_423 : i32 to index
        %get3A_429 = arith.index_cast %mul3A_422 : i32 to index
        %get3A_430 = tpu.vector_load %get3A_427[%get3A_428, %get3A_429] {strides = array<i32>} : memref<8x128xf32, #tpu.memory_space<vmem>>, vector<16xf32>,
        %scatter3A_431 = tpu.memref_slice %arg5[%add3A_345] : memref<4096xf32, #tpu.memory_space<vmem>> -> memref<256xf32, #tpu.memory_space<vmem>>
        tpu.vector_store_idx %scatter3A_431[%add3A_33], %get3A_430 : memref<256xf32, #tpu.memory_space<vmem>>[vector<16xi32>], vector<16xf32>,
        %mul3A_432 = arith.constant 16 : i32
        %mul3A_433 = arith.muli %scan3A_342, %mul3A_432 : i32
        %get3A_434 = arith.constant 0 : i32
        %get3A_435 = arith.constant 0 : i32
        %get3A_436 = arith.constant 0 : i32
        %get3A_437 = tpu.memref_slice %arg4[%select_n3A_291, %scan3A_311, %get3A_435, %get3A_436] : memref<3x2x8x128xf32, #tpu.memory_space<vmem>> -> memref<1x1x8x128xf32, #tpu.memory_space<vmem>>
        %get3A_438 = tpu.memref_squeeze %get3A_437 : memref<1x1x8x128xf32, #tpu.memory_space<vmem>> -> memref<8x128xf32, #tpu.memory_space<vmem>>
        %get3A_439 = arith.index_cast %get3A_434 : i32 to index
        %get3A_440 = arith.index_cast %mul3A_433 : i32 to index
        %get3A_441 = tpu.vector_load %get3A_438[%get3A_439, %get3A_440] {strides = array<i32>} : memref<8x128xf32, #tpu.memory_space<vmem>>, vector<16xf32>,
        %scatter3A_442 = tpu.memref_slice %arg5[%add3A_345] : memref<4096xf32, #tpu.memory_space<vmem>> -> memref<256xf32, #tpu.memory_space<vmem>>
        tpu.vector_store_idx %scatter3A_442[%add3A_36], %get3A_441 : memref<256xf32, #tpu.memory_space<vmem>>[vector<16xi32>], vector<16xf32>,
        %mul3A_443 = arith.constant 16 : i32
        %mul3A_444 = arith.muli %scan3A_342, %mul3A_443 : i32
        %get3A_445 = arith.constant 1 : i32
        %get3A_446 = arith.constant 0 : i32
        %get3A_447 = arith.constant 0 : i32
        %get3A_448 = tpu.memref_slice %arg4[%select_n3A_291, %scan3A_311, %get3A_446, %get3A_447] : memref<3x2x8x128xf32, #tpu.memory_space<vmem>> -> memref<1x1x8x128xf32, #tpu.memory_space<vmem>>
        %get3A_449 = tpu.memref_squeeze %get3A_448 : memref<1x1x8x128xf32, #tpu.memory_space<vmem>> -> memref<8x128xf32, #tpu.memory_space<vmem>>
        %get3A_450 = arith.index_cast %get3A_445 : i32 to index
        %get3A_451 = arith.index_cast %mul3A_444 : i32 to index
        %get3A_452 = tpu.vector_load %get3A_449[%get3A_450, %get3A_451] {strides = array<i32>} : memref<8x128xf32, #tpu.memory_space<vmem>>, vector<16xf32>,
        %scatter3A_453 = tpu.memref_slice %arg5[%add3A_345] : memref<4096xf32, #tpu.memory_space<vmem>> -> memref<256xf32, #tpu.memory_space<vmem>>
        tpu.vector_store_idx %scatter3A_453[%add3A_39], %get3A_452 : memref<256xf32, #tpu.memory_space<vmem>>[vector<16xi32>], vector<16xf32>,
        %mul3A_454 = arith.constant 16 : i32
        %mul3A_455 = arith.muli %scan3A_342, %mul3A_454 : i32
        %get3A_456 = arith.constant 2 : i32
        %get3A_457 = arith.constant 0 : i32
        %get3A_458 = arith.constant 0 : i32
        %get3A_459 = tpu.memref_slice %arg4[%select_n3A_291, %scan3A_311, %get3A_457, %get3A_458] : memref<3x2x8x128xf32, #tpu.memory_space<vmem>> -> memref<1x1x8x128xf32, #tpu.memory_space<vmem>>
        %get3A_460 = tpu.memref_squeeze %get3A_459 : memref<1x1x8x128xf32, #tpu.memory_space<vmem>> -> memref<8x128xf32, #tpu.memory_space<vmem>>
        %get3A_461 = arith.index_cast %get3A_456 : i32 to index
        %get3A_462 = arith.index_cast %mul3A_455 : i32 to index
        %get3A_463 = tpu.vector_load %get3A_460[%get3A_461, %get3A_462] {strides = array<i32>} : memref<8x128xf32, #tpu.memory_space<vmem>>, vector<16xf32>,
        %scatter3A_464 = tpu.memref_slice %arg5[%add3A_345] : memref<4096xf32, #tpu.memory_space<vmem>> -> memref<256xf32, #tpu.memory_space<vmem>>
        tpu.vector_store_idx %scatter3A_464[%add3A_42], %get3A_463 : memref<256xf32, #tpu.memory_space<vmem>>[vector<16xi32>], vector<16xf32>,
        %mul3A_465 = arith.constant 16 : i32
        %mul3A_466 = arith.muli %scan3A_342, %mul3A_465 : i32
        %get3A_467 = arith.constant 3 : i32
        %get3A_468 = arith.constant 0 : i32
        %get3A_469 = arith.constant 0 : i32
        %get3A_470 = tpu.memref_slice %arg4[%select_n3A_291, %scan3A_311, %get3A_468, %get3A_469] : memref<3x2x8x128xf32, #tpu.memory_space<vmem>> -> memref<1x1x8x128xf32, #tpu.memory_space<vmem>>
        %get3A_471 = tpu.memref_squeeze %get3A_470 : memref<1x1x8x128xf32, #tpu.memory_space<vmem>> -> memref<8x128xf32, #tpu.memory_space<vmem>>
        %get3A_472 = arith.index_cast %get3A_467 : i32 to index
        %get3A_473 = arith.index_cast %mul3A_466 : i32 to index
        %get3A_474 = tpu.vector_load %get3A_471[%get3A_472, %get3A_473] {strides = array<i32>} : memref<8x128xf32, #tpu.memory_space<vmem>>, vector<16xf32>,
        %scatter3A_475 = tpu.memref_slice %arg5[%add3A_345] : memref<4096xf32, #tpu.memory_space<vmem>> -> memref<256xf32, #tpu.memory_space<vmem>>
        tpu.vector_store_idx %scatter3A_475[%add3A_45], %get3A_474 : memref<256xf32, #tpu.memory_space<vmem>>[vector<16xi32>], vector<16xf32>,
        %mul3A_476 = arith.constant 16 : i32
        %mul3A_477 = arith.muli %scan3A_342, %mul3A_476 : i32
        %get3A_478 = arith.constant 4 : i32
        %get3A_479 = arith.constant 0 : i32
        %get3A_480 = arith.constant 0 : i32
        %get3A_481 = tpu.memref_slice %arg4[%select_n3A_291, %scan3A_311, %get3A_479, %get3A_480] : memref<3x2x8x128xf32, #tpu.memory_space<vmem>> -> memref<1x1x8x128xf32, #tpu.memory_space<vmem>>
        %get3A_482 = tpu.memref_squeeze %get3A_481 : memref<1x1x8x128xf32, #tpu.memory_space<vmem>> -> memref<8x128xf32, #tpu.memory_space<vmem>>
        %get3A_483 = arith.index_cast %get3A_478 : i32 to index
        %get3A_484 = arith.index_cast %mul3A_477 : i32 to index
        %get3A_485 = tpu.vector_load %get3A_482[%get3A_483, %get3A_484] {strides = array<i32>} : memref<8x128xf32, #tpu.memory_space<vmem>>, vector<16xf32>,
        %scatter3A_486 = tpu.memref_slice %arg5[%add3A_345] : memref<4096xf32, #tpu.memory_space<vmem>> -> memref<256xf32, #tpu.memory_space<vmem>>
        tpu.vector_store_idx %scatter3A_486[%add3A_48], %get3A_485 : memref<256xf32, #tpu.memory_space<vmem>>[vector<16xi32>], vector<16xf32>,
        %mul3A_487 = arith.constant 16 : i32
        %mul3A_488 = arith.muli %scan3A_342, %mul3A_487 : i32
        %get3A_489 = arith.constant 5 : i32
        %get3A_490 = arith.constant 0 : i32
        %get3A_491 = arith.constant 0 : i32
        %get3A_492 = tpu.memref_slice %arg4[%select_n3A_291, %scan3A_311, %get3A_490, %get3A_491] : memref<3x2x8x128xf32, #tpu.memory_space<vmem>> -> memref<1x1x8x128xf32, #tpu.memory_space<vmem>>
        %get3A_493 = tpu.memref_squeeze %get3A_492 : memref<1x1x8x128xf32, #tpu.memory_space<vmem>> -> memref<8x128xf32, #tpu.memory_space<vmem>>
        %get3A_494 = arith.index_cast %get3A_489 : i32 to index
        %get3A_495 = arith.index_cast %mul3A_488 : i32 to index
        %get3A_496 = tpu.vector_load %get3A_493[%get3A_494, %get3A_495] {strides = array<i32>} : memref<8x128xf32, #tpu.memory_space<vmem>>, vector<16xf32>,
        %scatter3A_497 = tpu.memref_slice %arg5[%add3A_345] : memref<4096xf32, #tpu.memory_space<vmem>> -> memref<256xf32, #tpu.memory_space<vmem>>
        tpu.vector_store_idx %scatter3A_497[%add3A_51], %get3A_496 : memref<256xf32, #tpu.memory_space<vmem>>[vector<16xi32>], vector<16xf32>,
        %mul3A_498 = arith.constant 16 : i32
        %mul3A_499 = arith.muli %scan3A_342, %mul3A_498 : i32
        %get3A_500 = arith.constant 6 : i32
        %get3A_501 = arith.constant 0 : i32
        %get3A_502 = arith.constant 0 : i32
        %get3A_503 = tpu.memref_slice %arg4[%select_n3A_291, %scan3A_311, %get3A_501, %get3A_502] : memref<3x2x8x128xf32, #tpu.memory_space<vmem>> -> memref<1x1x8x128xf32, #tpu.memory_space<vmem>>
        %get3A_504 = tpu.memref_squeeze %get3A_503 : memref<1x1x8x128xf32, #tpu.memory_space<vmem>> -> memref<8x128xf32, #tpu.memory_space<vmem>>
        %get3A_505 = arith.index_cast %get3A_500 : i32 to index
        %get3A_506 = arith.index_cast %mul3A_499 : i32 to index
        %get3A_507 = tpu.vector_load %get3A_504[%get3A_505, %get3A_506] {strides = array<i32>} : memref<8x128xf32, #tpu.memory_space<vmem>>, vector<16xf32>,
        %scatter3A_508 = tpu.memref_slice %arg5[%add3A_345] : memref<4096xf32, #tpu.memory_space<vmem>> -> memref<256xf32, #tpu.memory_space<vmem>>
        tpu.vector_store_idx %scatter3A_508[%add3A_54], %get3A_507 : memref<256xf32, #tpu.memory_space<vmem>>[vector<16xi32>], vector<16xf32>,
        %mul3A_509 = arith.constant 16 : i32
        %mul3A_510 = arith.muli %scan3A_342, %mul3A_509 : i32
        %get3A_511 = arith.constant 7 : i32
        %get3A_512 = arith.constant 0 : i32
        %get3A_513 = arith.constant 0 : i32
        %get3A_514 = tpu.memref_slice %arg4[%select_n3A_291, %scan3A_311, %get3A_512, %get3A_513] : memref<3x2x8x128xf32, #tpu.memory_space<vmem>> -> memref<1x1x8x128xf32, #tpu.memory_space<vmem>>
        %get3A_515 = tpu.memref_squeeze %get3A_514 : memref<1x1x8x128xf32, #tpu.memory_space<vmem>> -> memref<8x128xf32, #tpu.memory_space<vmem>>
        %get3A_516 = arith.index_cast %get3A_511 : i32 to index
        %get3A_517 = arith.index_cast %mul3A_510 : i32 to index
        %get3A_518 = tpu.vector_load %get3A_515[%get3A_516, %get3A_517] {strides = array<i32>} : memref<8x128xf32, #tpu.memory_space<vmem>>, vector<16xf32>,
        %scatter3A_519 = tpu.memref_slice %arg5[%add3A_345] : memref<4096xf32, #tpu.memory_space<vmem>> -> memref<256xf32, #tpu.memory_space<vmem>>
        tpu.vector_store_idx %scatter3A_519[%add3A_57], %get3A_518 : memref<256xf32, #tpu.memory_space<vmem>>[vector<16xi32>], vector<16xf32>,
      }
      %scan3A_316 = arith.constant 8 : i32
      %add3A_317 = arith.addi %add3A_6, %while3A_185 : i32
      %jit3A_318 = arith.constant 2 : i32
      %eq3A_319 = arith.constant 0 : i32
      %eq3A_320 = arith.cmpi eq, %jit3A_318, %eq3A_319 : i32
      %jit3A_321 = arith.constant 1 : i32
      %select_n3A_322 = arith.select %eq3A_320, %jit3A_321, %jit3A_318 : i32
      %rem3A_323 = arith.remsi %while3A_185, %select_n3A_322 : i32
      %ne3A_324 = arith.constant 0 : i32
      %ne3A_325 = arith.cmpi ne, %rem3A_323, %ne3A_324 : i32
      %lt3A_326 = arith.constant 0 : i32
      %lt3A_327 = arith.cmpi slt, %rem3A_323, %lt3A_326 : i32
      %lt3A_328 = arith.constant 0 : i32
      %lt3A_329 = arith.cmpi slt, %select_n3A_322, %lt3A_328 : i32
      %ne3A_330 = arith.xori %lt3A_327, %lt3A_329 : i1
      %and3A_331 = arith.andi %ne3A_330, %ne3A_325 : i1
      %add3A_332 = arith.addi %rem3A_323, %select_n3A_322 : i32
      %select_n3A_333 = arith.select %and3A_331, %add3A_332, %rem3A_323 : i32
      %mul3A_334 = arith.constant 2048 : i32
      %mul3A_335 = arith.muli %select_n3A_333, %mul3A_334 : i32
      %mul3A_336 = arith.constant 2048 : i32
      %mul3A_337 = arith.muli %add3A_317, %mul3A_336 : i32
      %dma_start3A_338 = tpu.memref_slice %arg5[%mul3A_335] : memref<4096xf32, #tpu.memory_space<vmem>> -> memref<2048xf32, #tpu.memory_space<vmem>>
      %dma_start3A_339 = tpu.memref_slice %arg3[%mul3A_337] : memref<41600000xf32, #tpu.memory_space<hbm>> -> memref<2048xf32, #tpu.memory_space<hbm>>
      %dma_start3A_340 = tpu.memref_slice %arg3[%mul3A_337] : memref<41600000xf32, #tpu.memory_space<hbm>> -> memref<2048xf32, #tpu.memory_space<hbm>>
      %dma_start3A_341 = tpu.memref_slice %arg5[%mul3A_335] : memref<4096xf32, #tpu.memory_space<vmem>> -> memref<2048xf32, #tpu.memory_space<vmem>>
      tpu.enqueue_dma source(%dma_start3A_341 : memref<2048xf32, #tpu.memory_space<vmem>>) target(%dma_start3A_340 : memref<2048xf32, #tpu.memory_space<hbm>>) target_semaphore(%arg9 : memref<!tpu.dma_semaphore, #tpu.memory_space<semaphore_mem>>)
    }
    %while3A_133 = arith.constant 1 : i32
    scf.for %while3A_185 = %while3A_131 to %while3A_127 step %while3A_133  : i32 {
      %add3A_186 = arith.addi %add3A_6, %while3A_185 : i32
      %mul3A_187 = arith.constant 128 : i32
      %mul3A_188 = arith.muli %add3A_186, %mul3A_187 : i32
      %jit3A_189 = arith.constant 3 : i32
      %eq3A_190 = arith.constant 0 : i32
      %eq3A_191 = arith.cmpi eq, %jit3A_189, %eq3A_190 : i32
      %jit3A_192 = arith.constant 1 : i32
      %select_n3A_193 = arith.select %eq3A_191, %jit3A_192, %jit3A_189 : i32
      %rem3A_194 = arith.remsi %while3A_185, %select_n3A_193 : i32
      %ne3A_195 = arith.constant 0 : i32
      %ne3A_196 = arith.cmpi ne, %rem3A_194, %ne3A_195 : i32
      %lt3A_197 = arith.constant 0 : i32
      %lt3A_198 = arith.cmpi slt, %rem3A_194, %lt3A_197 : i32
      %lt3A_199 = arith.constant 0 : i32
      %lt3A_200 = arith.cmpi slt, %select_n3A_193, %lt3A_199 : i32
      %ne3A_201 = arith.xori %lt3A_198, %lt3A_200 : i1
      %and3A_202 = arith.andi %ne3A_201, %ne3A_196 : i1
      %add3A_203 = arith.addi %rem3A_194, %select_n3A_193 : i32
      %select_n3A_204 = arith.select %and3A_202, %add3A_203, %rem3A_194 : i32
      %dma_wait3A_205 = arith.constant 0 : i32
      %dma_wait3A_206 = arith.constant 0 : i32
      %dma_wait3A_207 = arith.constant 0 : i32
      %dma_wait3A_208 = tpu.memref_slice %arg4[%select_n3A_204, %dma_wait3A_205, %dma_wait3A_206, %dma_wait3A_207] : memref<3x2x8x128xf32, #tpu.memory_space<vmem>> -> memref<1x1x8x128xf32, #tpu.memory_space<vmem>>
      %dma_wait3A_209 = tpu.memref_squeeze %dma_wait3A_208 : memref<1x1x8x128xf32, #tpu.memory_space<vmem>> -> memref<8x128xf32, #tpu.memory_space<vmem>>
      %dma_wait3A_210 = arith.constant 0 : i32
      %dma_wait3A_211 = tpu.memref_slice %arg2[%dma_wait3A_210, %mul3A_188] : memref<16x2600000xf32, #tpu.memory_space<hbm>> -> memref<8x128xf32, #tpu.memory_space<hbm>>
      %dma_wait3A_212 = arith.constant 0 : i32
      %dma_wait3A_213 = arith.constant 0 : i32
      %dma_wait3A_214 = tpu.memref_slice %arg4[%select_n3A_204, %dma_wait3A_205, %dma_wait3A_212, %dma_wait3A_213] : memref<3x2x8x128xf32, #tpu.memory_space<vmem>> -> memref<1x1x8x128xf32, #tpu.memory_space<vmem>>
      %dma_wait3A_215 = tpu.memref_squeeze %dma_wait3A_214 : memref<1x1x8x128xf32, #tpu.memory_space<vmem>> -> memref<8x128xf32, #tpu.memory_space<vmem>>
      %dma_wait3A_216 = arith.constant 0 : i32
      %dma_wait3A_217 = tpu.memref_slice %arg2[%dma_wait3A_216, %mul3A_188] : memref<16x2600000xf32, #tpu.memory_space<hbm>> -> memref<8x128xf32, #tpu.memory_space<hbm>>
      tpu.wait_dma2 semaphore(%arg8 : memref<!tpu.dma_semaphore, #tpu.memory_space<semaphore_mem>>) src(%dma_wait3A_217 : memref<8x128xf32, #tpu.memory_space<hbm>>) dst(%dma_wait3A_215 : memref<8x128xf32, #tpu.memory_space<vmem>>)
      %add3A_218 = arith.addi %add3A_6, %while3A_185 : i32
      %mul3A_219 = arith.constant 128 : i32
      %mul3A_220 = arith.muli %add3A_218, %mul3A_219 : i32
      %jit3A_221 = arith.constant 3 : i32
      %eq3A_222 = arith.constant 0 : i32
      %eq3A_223 = arith.cmpi eq, %jit3A_221, %eq3A_222 : i32
      %jit3A_224 = arith.constant 1 : i32
      %select_n3A_225 = arith.select %eq3A_223, %jit3A_224, %jit3A_221 : i32
      %rem3A_226 = arith.remsi %while3A_185, %select_n3A_225 : i32
      %ne3A_227 = arith.constant 0 : i32
      %ne3A_228 = arith.cmpi ne, %rem3A_226, %ne3A_227 : i32
      %lt3A_229 = arith.constant 0 : i32
      %lt3A_230 = arith.cmpi slt, %rem3A_226, %lt3A_229 : i32
      %lt3A_231 = arith.constant 0 : i32
      %lt3A_232 = arith.cmpi slt, %select_n3A_225, %lt3A_231 : i32
      %ne3A_233 = arith.xori %lt3A_230, %lt3A_232 : i1
      %and3A_234 = arith.andi %ne3A_233, %ne3A_228 : i1
      %add3A_235 = arith.addi %rem3A_226, %select_n3A_225 : i32
      %select_n3A_236 = arith.select %and3A_234, %add3A_235, %rem3A_226 : i32
      %dma_wait3A_237 = arith.constant 1 : i32
      %dma_wait3A_238 = arith.constant 0 : i32
      %dma_wait3A_239 = arith.constant 0 : i32
      %dma_wait3A_240 = tpu.memref_slice %arg4[%select_n3A_236, %dma_wait3A_237, %dma_wait3A_238, %dma_wait3A_239] : memref<3x2x8x128xf32, #tpu.memory_space<vmem>> -> memref<1x1x8x128xf32, #tpu.memory_space<vmem>>
      %dma_wait3A_241 = tpu.memref_squeeze %dma_wait3A_240 : memref<1x1x8x128xf32, #tpu.memory_space<vmem>> -> memref<8x128xf32, #tpu.memory_space<vmem>>
      %dma_wait3A_242 = arith.constant 8 : i32
      %dma_wait3A_243 = tpu.memref_slice %arg2[%dma_wait3A_242, %mul3A_220] : memref<16x2600000xf32, #tpu.memory_space<hbm>> -> memref<8x128xf32, #tpu.memory_space<hbm>>
      %dma_wait3A_244 = arith.constant 0 : i32
      %dma_wait3A_245 = arith.constant 0 : i32
      %dma_wait3A_246 = tpu.memref_slice %arg4[%select_n3A_236, %dma_wait3A_237, %dma_wait3A_244, %dma_wait3A_245] : memref<3x2x8x128xf32, #tpu.memory_space<vmem>> -> memref<1x1x8x128xf32, #tpu.memory_space<vmem>>
      %dma_wait3A_247 = tpu.memref_squeeze %dma_wait3A_246 : memref<1x1x8x128xf32, #tpu.memory_space<vmem>> -> memref<8x128xf32, #tpu.memory_space<vmem>>
      %dma_wait3A_248 = arith.constant 8 : i32
      %dma_wait3A_249 = tpu.memref_slice %arg2[%dma_wait3A_248, %mul3A_220] : memref<16x2600000xf32, #tpu.memory_space<hbm>> -> memref<8x128xf32, #tpu.memory_space<hbm>>
      tpu.wait_dma2 semaphore(%arg8 : memref<!tpu.dma_semaphore, #tpu.memory_space<semaphore_mem>>) src(%dma_wait3A_249 : memref<8x128xf32, #tpu.memory_space<hbm>>) dst(%dma_wait3A_247 : memref<8x128xf32, #tpu.memory_space<vmem>>)
      %add3A_250 = arith.constant 2 : i32
      %add3A_251 = arith.addi %while3A_185, %add3A_250 : i32
      %lt3A_252 = arith.cmpi slt, %add3A_251, %select_n3A : i32
      %convert_element_type3A_253 = arith.extui %lt3A_252 : i1 to i32
      %cond3A_254 = arith.constant 0 : i32
      %cond3A_255 = arith.cmpi ne, %convert_element_type3A_253, %cond3A_254 : i32
      scf.if %cond3A_255 {
        %add3A_342 = arith.constant 2 : i32
        %add3A_343 = arith.addi %while3A_185, %add3A_342 : i32
        %add3A_344 = arith.addi %add3A_6, %add3A_343 : i32
        %mul3A_345 = arith.constant 128 : i32
        %mul3A_346 = arith.muli %add3A_344, %mul3A_345 : i32
        %jit3A_347 = arith.constant 3 : i32
        %eq3A_348 = arith.constant 0 : i32
        %eq3A_349 = arith.cmpi eq, %jit3A_347, %eq3A_348 : i32
        %jit3A_350 = arith.constant 1 : i32
        %select_n3A_351 = arith.select %eq3A_349, %jit3A_350, %jit3A_347 : i32
        %rem3A_352 = arith.remsi %add3A_343, %select_n3A_351 : i32
        %ne3A_353 = arith.constant 0 : i32
        %ne3A_354 = arith.cmpi ne, %rem3A_352, %ne3A_353 : i32
        %lt3A_355 = arith.constant 0 : i32
        %lt3A_356 = arith.cmpi slt, %rem3A_352, %lt3A_355 : i32
        %lt3A_357 = arith.constant 0 : i32
        %lt3A_358 = arith.cmpi slt, %select_n3A_351, %lt3A_357 : i32
        %ne3A_359 = arith.xori %lt3A_356, %lt3A_358 : i1
        %and3A_360 = arith.andi %ne3A_359, %ne3A_354 : i1
        %add3A_361 = arith.addi %rem3A_352, %select_n3A_351 : i32
        %select_n3A_362 = arith.select %and3A_360, %add3A_361, %rem3A_352 : i32
        %dma_start3A_363 = arith.constant 0 : i32
        %dma_start3A_364 = arith.constant 0 : i32
        %dma_start3A_365 = arith.constant 0 : i32
        %dma_start3A_366 = tpu.memref_slice %arg4[%select_n3A_362, %dma_start3A_363, %dma_start3A_364, %dma_start3A_365] : memref<3x2x8x128xf32, #tpu.memory_space<vmem>> -> memref<1x1x8x128xf32, #tpu.memory_space<vmem>>
        %dma_start3A_367 = tpu.memref_squeeze %dma_start3A_366 : memref<1x1x8x128xf32, #tpu.memory_space<vmem>> -> memref<8x128xf32, #tpu.memory_space<vmem>>
        %dma_start3A_368 = arith.constant 0 : i32
        %dma_start3A_369 = tpu.memref_slice %arg2[%dma_start3A_368, %mul3A_346] : memref<16x2600000xf32, #tpu.memory_space<hbm>> -> memref<8x128xf32, #tpu.memory_space<hbm>>
        %dma_start3A_370 = arith.constant 0 : i32
        %dma_start3A_371 = arith.constant 0 : i32
        %dma_start3A_372 = tpu.memref_slice %arg4[%select_n3A_362, %dma_start3A_363, %dma_start3A_370, %dma_start3A_371] : memref<3x2x8x128xf32, #tpu.memory_space<vmem>> -> memref<1x1x8x128xf32, #tpu.memory_space<vmem>>
        %dma_start3A_373 = tpu.memref_squeeze %dma_start3A_372 : memref<1x1x8x128xf32, #tpu.memory_space<vmem>> -> memref<8x128xf32, #tpu.memory_space<vmem>>
        %dma_start3A_374 = arith.constant 0 : i32
        %dma_start3A_375 = tpu.memref_slice %arg2[%dma_start3A_374, %mul3A_346] : memref<16x2600000xf32, #tpu.memory_space<hbm>> -> memref<8x128xf32, #tpu.memory_space<hbm>>
        tpu.enqueue_dma source(%dma_start3A_375 : memref<8x128xf32, #tpu.memory_space<hbm>>) target(%dma_start3A_373 : memref<8x128xf32, #tpu.memory_space<vmem>>) target_semaphore(%arg8 : memref<!tpu.dma_semaphore, #tpu.memory_space<semaphore_mem>>)
        %mul3A_376 = arith.constant 128 : i32
        %mul3A_377 = arith.muli %add3A_344, %mul3A_376 : i32
        %jit3A_378 = arith.constant 3 : i32
        %eq3A_379 = arith.constant 0 : i32
        %eq3A_380 = arith.cmpi eq, %jit3A_378, %eq3A_379 : i32
        %jit3A_381 = arith.constant 1 : i32
        %select_n3A_382 = arith.select %eq3A_380, %jit3A_381, %jit3A_378 : i32
        %rem3A_383 = arith.remsi %add3A_343, %select_n3A_382 : i32
        %ne3A_384 = arith.constant 0 : i32
        %ne3A_385 = arith.cmpi ne, %rem3A_383, %ne3A_384 : i32
        %lt3A_386 = arith.constant 0 : i32
        %lt3A_387 = arith.cmpi slt, %rem3A_383, %lt3A_386 : i32
        %lt3A_388 = arith.constant 0 : i32
        %lt3A_389 = arith.cmpi slt, %select_n3A_382, %lt3A_388 : i32
        %ne3A_390 = arith.xori %lt3A_387, %lt3A_389 : i1
        %and3A_391 = arith.andi %ne3A_390, %ne3A_385 : i1
        %add3A_392 = arith.addi %rem3A_383, %select_n3A_382 : i32
        %select_n3A_393 = arith.select %and3A_391, %add3A_392, %rem3A_383 : i32
        %dma_start3A_394 = arith.constant 1 : i32
        %dma_start3A_395 = arith.constant 0 : i32
        %dma_start3A_396 = arith.constant 0 : i32
        %dma_start3A_397 = tpu.memref_slice %arg4[%select_n3A_393, %dma_start3A_394, %dma_start3A_395, %dma_start3A_396] : memref<3x2x8x128xf32, #tpu.memory_space<vmem>> -> memref<1x1x8x128xf32, #tpu.memory_space<vmem>>
        %dma_start3A_398 = tpu.memref_squeeze %dma_start3A_397 : memref<1x1x8x128xf32, #tpu.memory_space<vmem>> -> memref<8x128xf32, #tpu.memory_space<vmem>>
        %dma_start3A_399 = arith.constant 8 : i32
        %dma_start3A_400 = tpu.memref_slice %arg2[%dma_start3A_399, %mul3A_377] : memref<16x2600000xf32, #tpu.memory_space<hbm>> -> memref<8x128xf32, #tpu.memory_space<hbm>>
        %dma_start3A_401 = arith.constant 0 : i32
        %dma_start3A_402 = arith.constant 0 : i32
        %dma_start3A_403 = tpu.memref_slice %arg4[%select_n3A_393, %dma_start3A_394, %dma_start3A_401, %dma_start3A_402] : memref<3x2x8x128xf32, #tpu.memory_space<vmem>> -> memref<1x1x8x128xf32, #tpu.memory_space<vmem>>
        %dma_start3A_404 = tpu.memref_squeeze %dma_start3A_403 : memref<1x1x8x128xf32, #tpu.memory_space<vmem>> -> memref<8x128xf32, #tpu.memory_space<vmem>>
        %dma_start3A_405 = arith.constant 8 : i32
        %dma_start3A_406 = tpu.memref_slice %arg2[%dma_start3A_405, %mul3A_377] : memref<16x2600000xf32, #tpu.memory_space<hbm>> -> memref<8x128xf32, #tpu.memory_space<hbm>>
        tpu.enqueue_dma source(%dma_start3A_406 : memref<8x128xf32, #tpu.memory_space<hbm>>) target(%dma_start3A_404 : memref<8x128xf32, #tpu.memory_space<vmem>>) target_semaphore(%arg8 : memref<!tpu.dma_semaphore, #tpu.memory_space<semaphore_mem>>)
      } else {
      }
      %ge3A = arith.constant 2 : i32
      %ge3A_256 = arith.cmpi sge, %while3A_185, %ge3A : i32
      %convert_element_type3A_257 = arith.extui %ge3A_256 : i1 to i32
      %cond3A_258 = arith.constant 0 : i32
      %cond3A_259 = arith.cmpi ne, %convert_element_type3A_257, %cond3A_258 : i32
      scf.if %cond3A_259 {
        %sub3A_342 = arith.constant 2 : i32
        %sub3A_343 = arith.subi %while3A_185, %sub3A_342 : i32
        %add3A_344 = arith.addi %add3A_6, %sub3A_343 : i32
        %jit3A_345 = arith.constant 2 : i32
        %eq3A_346 = arith.constant 0 : i32
        %eq3A_347 = arith.cmpi eq, %jit3A_345, %eq3A_346 : i32
        %jit3A_348 = arith.constant 1 : i32
        %select_n3A_349 = arith.select %eq3A_347, %jit3A_348, %jit3A_345 : i32
        %rem3A_350 = arith.remsi %sub3A_343, %select_n3A_349 : i32
        %ne3A_351 = arith.constant 0 : i32
        %ne3A_352 = arith.cmpi ne, %rem3A_350, %ne3A_351 : i32
        %lt3A_353 = arith.constant 0 : i32
        %lt3A_354 = arith.cmpi slt, %rem3A_350, %lt3A_353 : i32
        %lt3A_355 = arith.constant 0 : i32
        %lt3A_356 = arith.cmpi slt, %select_n3A_349, %lt3A_355 : i32
        %ne3A_357 = arith.xori %lt3A_354, %lt3A_356 : i1
        %and3A_358 = arith.andi %ne3A_357, %ne3A_352 : i1
        %add3A_359 = arith.addi %rem3A_350, %select_n3A_349 : i32
        %select_n3A_360 = arith.select %and3A_358, %add3A_359, %rem3A_350 : i32
        %mul3A_361 = arith.constant 2048 : i32
        %mul3A_362 = arith.muli %select_n3A_360, %mul3A_361 : i32
        %mul3A_363 = arith.constant 2048 : i32
        %mul3A_364 = arith.muli %add3A_344, %mul3A_363 : i32
        %dma_wait3A_365 = tpu.memref_slice %arg5[%mul3A_362] : memref<4096xf32, #tpu.memory_space<vmem>> -> memref<2048xf32, #tpu.memory_space<vmem>>
        %dma_wait3A_366 = tpu.memref_slice %arg3[%mul3A_364] : memref<41600000xf32, #tpu.memory_space<hbm>> -> memref<2048xf32, #tpu.memory_space<hbm>>
        %dma_wait3A_367 = tpu.memref_slice %arg3[%mul3A_364] : memref<41600000xf32, #tpu.memory_space<hbm>> -> memref<2048xf32, #tpu.memory_space<hbm>>
        %dma_wait3A_368 = tpu.memref_slice %arg5[%mul3A_362] : memref<4096xf32, #tpu.memory_space<vmem>> -> memref<2048xf32, #tpu.memory_space<vmem>>
        tpu.wait_dma2 semaphore(%arg9 : memref<!tpu.dma_semaphore, #tpu.memory_space<semaphore_mem>>) src(%dma_wait3A_368 : memref<2048xf32, #tpu.memory_space<vmem>>) dst(%dma_wait3A_367 : memref<2048xf32, #tpu.memory_space<hbm>>)
      } else {
      }
      %jit3A_260 = arith.constant 3 : i32
      %eq3A_261 = arith.constant 0 : i32
      %eq3A_262 = arith.cmpi eq, %jit3A_260, %eq3A_261 : i32
      %jit3A_263 = arith.constant 1 : i32
      %select_n3A_264 = arith.select %eq3A_262, %jit3A_263, %jit3A_260 : i32
      %rem3A_265 = arith.remsi %while3A_185, %select_n3A_264 : i32
      %ne3A_266 = arith.constant 0 : i32
      %ne3A_267 = arith.cmpi ne, %rem3A_265, %ne3A_266 : i32
      %lt3A_268 = arith.constant 0 : i32
      %lt3A_269 = arith.cmpi slt, %rem3A_265, %lt3A_268 : i32
      %lt3A_270 = arith.constant 0 : i32
      %lt3A_271 = arith.cmpi slt, %select_n3A_264, %lt3A_270 : i32
      %ne3A_272 = arith.xori %lt3A_269, %lt3A_271 : i1
      %and3A_273 = arith.andi %ne3A_272, %ne3A_267 : i1
      %add3A_274 = arith.addi %rem3A_265, %select_n3A_264 : i32
      %select_n3A_275 = arith.select %and3A_273, %add3A_274, %rem3A_265 : i32
      %jit3A_276 = arith.constant 3 : i32
      %eq3A_277 = arith.constant 0 : i32
      %eq3A_278 = arith.cmpi eq, %jit3A_276, %eq3A_277 : i32
      %jit3A_279 = arith.constant 1 : i32
      %select_n3A_280 = arith.select %eq3A_278, %jit3A_279, %jit3A_276 : i32
      %rem3A_281 = arith.remsi %while3A_185, %select_n3A_280 : i32
      %ne3A_282 = arith.constant 0 : i32
      %ne3A_283 = arith.cmpi ne, %rem3A_281, %ne3A_282 : i32
      %lt3A_284 = arith.constant 0 : i32
      %lt3A_285 = arith.cmpi slt, %rem3A_281, %lt3A_284 : i32
      %lt3A_286 = arith.constant 0 : i32
      %lt3A_287 = arith.cmpi slt, %select_n3A_280, %lt3A_286 : i32
      %ne3A_288 = arith.xori %lt3A_285, %lt3A_287 : i1
      %and3A_289 = arith.andi %ne3A_288, %ne3A_283 : i1
      %add3A_290 = arith.addi %rem3A_281, %select_n3A_280 : i32
      %select_n3A_291 = arith.select %and3A_289, %add3A_290, %rem3A_281 : i32
      %jit3A_292 = arith.constant 2 : i32
      %eq3A_293 = arith.constant 0 : i32
      %eq3A_294 = arith.cmpi eq, %jit3A_292, %eq3A_293 : i32
      %jit3A_295 = arith.constant 1 : i32
      %select_n3A_296 = arith.select %eq3A_294, %jit3A_295, %jit3A_292 : i32
      %rem3A_297 = arith.remsi %while3A_185, %select_n3A_296 : i32
      %ne3A_298 = arith.constant 0 : i32
      %ne3A_299 = arith.cmpi ne, %rem3A_297, %ne3A_298 : i32
      %lt3A_300 = arith.constant 0 : i32
      %lt3A_301 = arith.cmpi slt, %rem3A_297, %lt3A_300 : i32
      %lt3A_302 = arith.constant 0 : i32
      %lt3A_303 = arith.cmpi slt, %select_n3A_296, %lt3A_302 : i32
      %ne3A_304 = arith.xori %lt3A_301, %lt3A_303 : i1
      %and3A_305 = arith.andi %ne3A_304, %ne3A_299 : i1
      %add3A_306 = arith.addi %rem3A_297, %select_n3A_296 : i32
      %select_n3A_307 = arith.select %and3A_305, %add3A_306, %rem3A_297 : i32
      %mul3A_308 = arith.constant 2048 : i32
      %mul3A_309 = arith.muli %select_n3A_307, %mul3A_308 : i32
      %scan3A = arith.constant 0 : i32
      %scan3A_310 = arith.constant 0 : i32
      %scan3A_311 = arith.constant 1 : i32
      %scan3A_312 = arith.constant 0 : i32
      %scan3A_313 = arith.constant 8 : i32
      %scan3A_314 = arith.addi %scan3A_312, %scan3A_313 : i32
      %scan3A_315 = arith.constant 1 : i32
      scf.for %scan3A_342 = %scan3A_312 to %scan3A_314 step %scan3A_315  : i32 {
        %mul3A_343 = arith.constant 256 : i32
        %mul3A_344 = arith.muli %scan3A_342, %mul3A_343 : i32
        %add3A_345 = arith.addi %mul3A_309, %mul3A_344 : i32
        %mul3A_346 = arith.constant 16 : i32
        %mul3A_347 = arith.muli %scan3A_342, %mul3A_346 : i32
        %get3A = arith.constant 0 : i32
        %get3A_348 = arith.constant 0 : i32
        %get3A_349 = arith.constant 0 : i32
        %get3A_350 = tpu.memref_slice %arg4[%select_n3A_275, %scan3A_310, %get3A_348, %get3A_349] : memref<3x2x8x128xf32, #tpu.memory_space<vmem>> -> memref<1x1x8x128xf32, #tpu.memory_space<vmem>>
        %get3A_351 = tpu.memref_squeeze %get3A_350 : memref<1x1x8x128xf32, #tpu.memory_space<vmem>> -> memref<8x128xf32, #tpu.memory_space<vmem>>
        %get3A_352 = arith.index_cast %get3A : i32 to index
        %get3A_353 = arith.index_cast %mul3A_347 : i32 to index
        %get3A_354 = tpu.vector_load %get3A_351[%get3A_352, %get3A_353] {strides = array<i32>} : memref<8x128xf32, #tpu.memory_space<vmem>>, vector<16xf32>,
        %scatter3A = tpu.memref_slice %arg5[%add3A_345] : memref<4096xf32, #tpu.memory_space<vmem>> -> memref<256xf32, #tpu.memory_space<vmem>>
        tpu.vector_store_idx %scatter3A[%add3A_12], %get3A_354 : memref<256xf32, #tpu.memory_space<vmem>>[vector<16xi32>], vector<16xf32>,
        %mul3A_355 = arith.constant 16 : i32
        %mul3A_356 = arith.muli %scan3A_342, %mul3A_355 : i32
        %get3A_357 = arith.constant 1 : i32
        %get3A_358 = arith.constant 0 : i32
        %get3A_359 = arith.constant 0 : i32
        %get3A_360 = tpu.memref_slice %arg4[%select_n3A_275, %scan3A_310, %get3A_358, %get3A_359] : memref<3x2x8x128xf32, #tpu.memory_space<vmem>> -> memref<1x1x8x128xf32, #tpu.memory_space<vmem>>
        %get3A_361 = tpu.memref_squeeze %get3A_360 : memref<1x1x8x128xf32, #tpu.memory_space<vmem>> -> memref<8x128xf32, #tpu.memory_space<vmem>>
        %get3A_362 = arith.index_cast %get3A_357 : i32 to index
        %get3A_363 = arith.index_cast %mul3A_356 : i32 to index
        %get3A_364 = tpu.vector_load %get3A_361[%get3A_362, %get3A_363] {strides = array<i32>} : memref<8x128xf32, #tpu.memory_space<vmem>>, vector<16xf32>,
        %scatter3A_365 = tpu.memref_slice %arg5[%add3A_345] : memref<4096xf32, #tpu.memory_space<vmem>> -> memref<256xf32, #tpu.memory_space<vmem>>
        tpu.vector_store_idx %scatter3A_365[%add3A_15], %get3A_364 : memref<256xf32, #tpu.memory_space<vmem>>[vector<16xi32>], vector<16xf32>,
        %mul3A_366 = arith.constant 16 : i32
        %mul3A_367 = arith.muli %scan3A_342, %mul3A_366 : i32
        %get3A_368 = arith.constant 2 : i32
        %get3A_369 = arith.constant 0 : i32
        %get3A_370 = arith.constant 0 : i32
        %get3A_371 = tpu.memref_slice %arg4[%select_n3A_275, %scan3A_310, %get3A_369, %get3A_370] : memref<3x2x8x128xf32, #tpu.memory_space<vmem>> -> memref<1x1x8x128xf32, #tpu.memory_space<vmem>>
        %get3A_372 = tpu.memref_squeeze %get3A_371 : memref<1x1x8x128xf32, #tpu.memory_space<vmem>> -> memref<8x128xf32, #tpu.memory_space<vmem>>
        %get3A_373 = arith.index_cast %get3A_368 : i32 to index
        %get3A_374 = arith.index_cast %mul3A_367 : i32 to index
        %get3A_375 = tpu.vector_load %get3A_372[%get3A_373, %get3A_374] {strides = array<i32>} : memref<8x128xf32, #tpu.memory_space<vmem>>, vector<16xf32>,
        %scatter3A_376 = tpu.memref_slice %arg5[%add3A_345] : memref<4096xf32, #tpu.memory_space<vmem>> -> memref<256xf32, #tpu.memory_space<vmem>>
        tpu.vector_store_idx %scatter3A_376[%add3A_18], %get3A_375 : memref<256xf32, #tpu.memory_space<vmem>>[vector<16xi32>], vector<16xf32>,
        %mul3A_377 = arith.constant 16 : i32
        %mul3A_378 = arith.muli %scan3A_342, %mul3A_377 : i32
        %get3A_379 = arith.constant 3 : i32
        %get3A_380 = arith.constant 0 : i32
        %get3A_381 = arith.constant 0 : i32
        %get3A_382 = tpu.memref_slice %arg4[%select_n3A_275, %scan3A_310, %get3A_380, %get3A_381] : memref<3x2x8x128xf32, #tpu.memory_space<vmem>> -> memref<1x1x8x128xf32, #tpu.memory_space<vmem>>
        %get3A_383 = tpu.memref_squeeze %get3A_382 : memref<1x1x8x128xf32, #tpu.memory_space<vmem>> -> memref<8x128xf32, #tpu.memory_space<vmem>>
        %get3A_384 = arith.index_cast %get3A_379 : i32 to index
        %get3A_385 = arith.index_cast %mul3A_378 : i32 to index
        %get3A_386 = tpu.vector_load %get3A_383[%get3A_384, %get3A_385] {strides = array<i32>} : memref<8x128xf32, #tpu.memory_space<vmem>>, vector<16xf32>,
        %scatter3A_387 = tpu.memref_slice %arg5[%add3A_345] : memref<4096xf32, #tpu.memory_space<vmem>> -> memref<256xf32, #tpu.memory_space<vmem>>
        tpu.vector_store_idx %scatter3A_387[%add3A_21], %get3A_386 : memref<256xf32, #tpu.memory_space<vmem>>[vector<16xi32>], vector<16xf32>,
        %mul3A_388 = arith.constant 16 : i32
        %mul3A_389 = arith.muli %scan3A_342, %mul3A_388 : i32
        %get3A_390 = arith.constant 4 : i32
        %get3A_391 = arith.constant 0 : i32
        %get3A_392 = arith.constant 0 : i32
        %get3A_393 = tpu.memref_slice %arg4[%select_n3A_275, %scan3A_310, %get3A_391, %get3A_392] : memref<3x2x8x128xf32, #tpu.memory_space<vmem>> -> memref<1x1x8x128xf32, #tpu.memory_space<vmem>>
        %get3A_394 = tpu.memref_squeeze %get3A_393 : memref<1x1x8x128xf32, #tpu.memory_space<vmem>> -> memref<8x128xf32, #tpu.memory_space<vmem>>
        %get3A_395 = arith.index_cast %get3A_390 : i32 to index
        %get3A_396 = arith.index_cast %mul3A_389 : i32 to index
        %get3A_397 = tpu.vector_load %get3A_394[%get3A_395, %get3A_396] {strides = array<i32>} : memref<8x128xf32, #tpu.memory_space<vmem>>, vector<16xf32>,
        %scatter3A_398 = tpu.memref_slice %arg5[%add3A_345] : memref<4096xf32, #tpu.memory_space<vmem>> -> memref<256xf32, #tpu.memory_space<vmem>>
        tpu.vector_store_idx %scatter3A_398[%add3A_24], %get3A_397 : memref<256xf32, #tpu.memory_space<vmem>>[vector<16xi32>], vector<16xf32>,
        %mul3A_399 = arith.constant 16 : i32
        %mul3A_400 = arith.muli %scan3A_342, %mul3A_399 : i32
        %get3A_401 = arith.constant 5 : i32
        %get3A_402 = arith.constant 0 : i32
        %get3A_403 = arith.constant 0 : i32
        %get3A_404 = tpu.memref_slice %arg4[%select_n3A_275, %scan3A_310, %get3A_402, %get3A_403] : memref<3x2x8x128xf32, #tpu.memory_space<vmem>> -> memref<1x1x8x128xf32, #tpu.memory_space<vmem>>
        %get3A_405 = tpu.memref_squeeze %get3A_404 : memref<1x1x8x128xf32, #tpu.memory_space<vmem>> -> memref<8x128xf32, #tpu.memory_space<vmem>>
        %get3A_406 = arith.index_cast %get3A_401 : i32 to index
        %get3A_407 = arith.index_cast %mul3A_400 : i32 to index
        %get3A_408 = tpu.vector_load %get3A_405[%get3A_406, %get3A_407] {strides = array<i32>} : memref<8x128xf32, #tpu.memory_space<vmem>>, vector<16xf32>,
        %scatter3A_409 = tpu.memref_slice %arg5[%add3A_345] : memref<4096xf32, #tpu.memory_space<vmem>> -> memref<256xf32, #tpu.memory_space<vmem>>
        tpu.vector_store_idx %scatter3A_409[%add3A_27], %get3A_408 : memref<256xf32, #tpu.memory_space<vmem>>[vector<16xi32>], vector<16xf32>,
        %mul3A_410 = arith.constant 16 : i32
        %mul3A_411 = arith.muli %scan3A_342, %mul3A_410 : i32
        %get3A_412 = arith.constant 6 : i32
        %get3A_413 = arith.constant 0 : i32
        %get3A_414 = arith.constant 0 : i32
        %get3A_415 = tpu.memref_slice %arg4[%select_n3A_275, %scan3A_310, %get3A_413, %get3A_414] : memref<3x2x8x128xf32, #tpu.memory_space<vmem>> -> memref<1x1x8x128xf32, #tpu.memory_space<vmem>>
        %get3A_416 = tpu.memref_squeeze %get3A_415 : memref<1x1x8x128xf32, #tpu.memory_space<vmem>> -> memref<8x128xf32, #tpu.memory_space<vmem>>
        %get3A_417 = arith.index_cast %get3A_412 : i32 to index
        %get3A_418 = arith.index_cast %mul3A_411 : i32 to index
        %get3A_419 = tpu.vector_load %get3A_416[%get3A_417, %get3A_418] {strides = array<i32>} : memref<8x128xf32, #tpu.memory_space<vmem>>, vector<16xf32>,
        %scatter3A_420 = tpu.memref_slice %arg5[%add3A_345] : memref<4096xf32, #tpu.memory_space<vmem>> -> memref<256xf32, #tpu.memory_space<vmem>>
        tpu.vector_store_idx %scatter3A_420[%add3A_30], %get3A_419 : memref<256xf32, #tpu.memory_space<vmem>>[vector<16xi32>], vector<16xf32>,
        %mul3A_421 = arith.constant 16 : i32
        %mul3A_422 = arith.muli %scan3A_342, %mul3A_421 : i32
        %get3A_423 = arith.constant 7 : i32
        %get3A_424 = arith.constant 0 : i32
        %get3A_425 = arith.constant 0 : i32
        %get3A_426 = tpu.memref_slice %arg4[%select_n3A_275, %scan3A_310, %get3A_424, %get3A_425] : memref<3x2x8x128xf32, #tpu.memory_space<vmem>> -> memref<1x1x8x128xf32, #tpu.memory_space<vmem>>
        %get3A_427 = tpu.memref_squeeze %get3A_426 : memref<1x1x8x128xf32, #tpu.memory_space<vmem>> -> memref<8x128xf32, #tpu.memory_space<vmem>>
        %get3A_428 = arith.index_cast %get3A_423 : i32 to index
        %get3A_429 = arith.index_cast %mul3A_422 : i32 to index
        %get3A_430 = tpu.vector_load %get3A_427[%get3A_428, %get3A_429] {strides = array<i32>} : memref<8x128xf32, #tpu.memory_space<vmem>>, vector<16xf32>,
        %scatter3A_431 = tpu.memref_slice %arg5[%add3A_345] : memref<4096xf32, #tpu.memory_space<vmem>> -> memref<256xf32, #tpu.memory_space<vmem>>
        tpu.vector_store_idx %scatter3A_431[%add3A_33], %get3A_430 : memref<256xf32, #tpu.memory_space<vmem>>[vector<16xi32>], vector<16xf32>,
        %mul3A_432 = arith.constant 16 : i32
        %mul3A_433 = arith.muli %scan3A_342, %mul3A_432 : i32
        %get3A_434 = arith.constant 0 : i32
        %get3A_435 = arith.constant 0 : i32
        %get3A_436 = arith.constant 0 : i32
        %get3A_437 = tpu.memref_slice %arg4[%select_n3A_291, %scan3A_311, %get3A_435, %get3A_436] : memref<3x2x8x128xf32, #tpu.memory_space<vmem>> -> memref<1x1x8x128xf32, #tpu.memory_space<vmem>>
        %get3A_438 = tpu.memref_squeeze %get3A_437 : memref<1x1x8x128xf32, #tpu.memory_space<vmem>> -> memref<8x128xf32, #tpu.memory_space<vmem>>
        %get3A_439 = arith.index_cast %get3A_434 : i32 to index
        %get3A_440 = arith.index_cast %mul3A_433 : i32 to index
        %get3A_441 = tpu.vector_load %get3A_438[%get3A_439, %get3A_440] {strides = array<i32>} : memref<8x128xf32, #tpu.memory_space<vmem>>, vector<16xf32>,
        %scatter3A_442 = tpu.memref_slice %arg5[%add3A_345] : memref<4096xf32, #tpu.memory_space<vmem>> -> memref<256xf32, #tpu.memory_space<vmem>>
        tpu.vector_store_idx %scatter3A_442[%add3A_36], %get3A_441 : memref<256xf32, #tpu.memory_space<vmem>>[vector<16xi32>], vector<16xf32>,
        %mul3A_443 = arith.constant 16 : i32
        %mul3A_444 = arith.muli %scan3A_342, %mul3A_443 : i32
        %get3A_445 = arith.constant 1 : i32
        %get3A_446 = arith.constant 0 : i32
        %get3A_447 = arith.constant 0 : i32
        %get3A_448 = tpu.memref_slice %arg4[%select_n3A_291, %scan3A_311, %get3A_446, %get3A_447] : memref<3x2x8x128xf32, #tpu.memory_space<vmem>> -> memref<1x1x8x128xf32, #tpu.memory_space<vmem>>
        %get3A_449 = tpu.memref_squeeze %get3A_448 : memref<1x1x8x128xf32, #tpu.memory_space<vmem>> -> memref<8x128xf32, #tpu.memory_space<vmem>>
        %get3A_450 = arith.index_cast %get3A_445 : i32 to index
        %get3A_451 = arith.index_cast %mul3A_444 : i32 to index
        %get3A_452 = tpu.vector_load %get3A_449[%get3A_450, %get3A_451] {strides = array<i32>} : memref<8x128xf32, #tpu.memory_space<vmem>>, vector<16xf32>,
        %scatter3A_453 = tpu.memref_slice %arg5[%add3A_345] : memref<4096xf32, #tpu.memory_space<vmem>> -> memref<256xf32, #tpu.memory_space<vmem>>
        tpu.vector_store_idx %scatter3A_453[%add3A_39], %get3A_452 : memref<256xf32, #tpu.memory_space<vmem>>[vector<16xi32>], vector<16xf32>,
        %mul3A_454 = arith.constant 16 : i32
        %mul3A_455 = arith.muli %scan3A_342, %mul3A_454 : i32
        %get3A_456 = arith.constant 2 : i32
        %get3A_457 = arith.constant 0 : i32
        %get3A_458 = arith.constant 0 : i32
        %get3A_459 = tpu.memref_slice %arg4[%select_n3A_291, %scan3A_311, %get3A_457, %get3A_458] : memref<3x2x8x128xf32, #tpu.memory_space<vmem>> -> memref<1x1x8x128xf32, #tpu.memory_space<vmem>>
        %get3A_460 = tpu.memref_squeeze %get3A_459 : memref<1x1x8x128xf32, #tpu.memory_space<vmem>> -> memref<8x128xf32, #tpu.memory_space<vmem>>
        %get3A_461 = arith.index_cast %get3A_456 : i32 to index
        %get3A_462 = arith.index_cast %mul3A_455 : i32 to index
        %get3A_463 = tpu.vector_load %get3A_460[%get3A_461, %get3A_462] {strides = array<i32>} : memref<8x128xf32, #tpu.memory_space<vmem>>, vector<16xf32>,
        %scatter3A_464 = tpu.memref_slice %arg5[%add3A_345] : memref<4096xf32, #tpu.memory_space<vmem>> -> memref<256xf32, #tpu.memory_space<vmem>>
        tpu.vector_store_idx %scatter3A_464[%add3A_42], %get3A_463 : memref<256xf32, #tpu.memory_space<vmem>>[vector<16xi32>], vector<16xf32>,
        %mul3A_465 = arith.constant 16 : i32
        %mul3A_466 = arith.muli %scan3A_342, %mul3A_465 : i32
        %get3A_467 = arith.constant 3 : i32
        %get3A_468 = arith.constant 0 : i32
        %get3A_469 = arith.constant 0 : i32
        %get3A_470 = tpu.memref_slice %arg4[%select_n3A_291, %scan3A_311, %get3A_468, %get3A_469] : memref<3x2x8x128xf32, #tpu.memory_space<vmem>> -> memref<1x1x8x128xf32, #tpu.memory_space<vmem>>
        %get3A_471 = tpu.memref_squeeze %get3A_470 : memref<1x1x8x128xf32, #tpu.memory_space<vmem>> -> memref<8x128xf32, #tpu.memory_space<vmem>>
        %get3A_472 = arith.index_cast %get3A_467 : i32 to index
        %get3A_473 = arith.index_cast %mul3A_466 : i32 to index
        %get3A_474 = tpu.vector_load %get3A_471[%get3A_472, %get3A_473] {strides = array<i32>} : memref<8x128xf32, #tpu.memory_space<vmem>>, vector<16xf32>,
        %scatter3A_475 = tpu.memref_slice %arg5[%add3A_345] : memref<4096xf32, #tpu.memory_space<vmem>> -> memref<256xf32, #tpu.memory_space<vmem>>
        tpu.vector_store_idx %scatter3A_475[%add3A_45], %get3A_474 : memref<256xf32, #tpu.memory_space<vmem>>[vector<16xi32>], vector<16xf32>,
        %mul3A_476 = arith.constant 16 : i32
        %mul3A_477 = arith.muli %scan3A_342, %mul3A_476 : i32
        %get3A_478 = arith.constant 4 : i32
        %get3A_479 = arith.constant 0 : i32
        %get3A_480 = arith.constant 0 : i32
        %get3A_481 = tpu.memref_slice %arg4[%select_n3A_291, %scan3A_311, %get3A_479, %get3A_480] : memref<3x2x8x128xf32, #tpu.memory_space<vmem>> -> memref<1x1x8x128xf32, #tpu.memory_space<vmem>>
        %get3A_482 = tpu.memref_squeeze %get3A_481 : memref<1x1x8x128xf32, #tpu.memory_space<vmem>> -> memref<8x128xf32, #tpu.memory_space<vmem>>
        %get3A_483 = arith.index_cast %get3A_478 : i32 to index
        %get3A_484 = arith.index_cast %mul3A_477 : i32 to index
        %get3A_485 = tpu.vector_load %get3A_482[%get3A_483, %get3A_484] {strides = array<i32>} : memref<8x128xf32, #tpu.memory_space<vmem>>, vector<16xf32>,
        %scatter3A_486 = tpu.memref_slice %arg5[%add3A_345] : memref<4096xf32, #tpu.memory_space<vmem>> -> memref<256xf32, #tpu.memory_space<vmem>>
        tpu.vector_store_idx %scatter3A_486[%add3A_48], %get3A_485 : memref<256xf32, #tpu.memory_space<vmem>>[vector<16xi32>], vector<16xf32>,
        %mul3A_487 = arith.constant 16 : i32
        %mul3A_488 = arith.muli %scan3A_342, %mul3A_487 : i32
        %get3A_489 = arith.constant 5 : i32
        %get3A_490 = arith.constant 0 : i32
        %get3A_491 = arith.constant 0 : i32
        %get3A_492 = tpu.memref_slice %arg4[%select_n3A_291, %scan3A_311, %get3A_490, %get3A_491] : memref<3x2x8x128xf32, #tpu.memory_space<vmem>> -> memref<1x1x8x128xf32, #tpu.memory_space<vmem>>
        %get3A_493 = tpu.memref_squeeze %get3A_492 : memref<1x1x8x128xf32, #tpu.memory_space<vmem>> -> memref<8x128xf32, #tpu.memory_space<vmem>>
        %get3A_494 = arith.index_cast %get3A_489 : i32 to index
        %get3A_495 = arith.index_cast %mul3A_488 : i32 to index
        %get3A_496 = tpu.vector_load %get3A_493[%get3A_494, %get3A_495] {strides = array<i32>} : memref<8x128xf32, #tpu.memory_space<vmem>>, vector<16xf32>,
        %scatter3A_497 = tpu.memref_slice %arg5[%add3A_345] : memref<4096xf32, #tpu.memory_space<vmem>> -> memref<256xf32, #tpu.memory_space<vmem>>
        tpu.vector_store_idx %scatter3A_497[%add3A_51], %get3A_496 : memref<256xf32, #tpu.memory_space<vmem>>[vector<16xi32>], vector<16xf32>,
        %mul3A_498 = arith.constant 16 : i32
        %mul3A_499 = arith.muli %scan3A_342, %mul3A_498 : i32
        %get3A_500 = arith.constant 6 : i32
        %get3A_501 = arith.constant 0 : i32
        %get3A_502 = arith.constant 0 : i32
        %get3A_503 = tpu.memref_slice %arg4[%select_n3A_291, %scan3A_311, %get3A_501, %get3A_502] : memref<3x2x8x128xf32, #tpu.memory_space<vmem>> -> memref<1x1x8x128xf32, #tpu.memory_space<vmem>>
        %get3A_504 = tpu.memref_squeeze %get3A_503 : memref<1x1x8x128xf32, #tpu.memory_space<vmem>> -> memref<8x128xf32, #tpu.memory_space<vmem>>
        %get3A_505 = arith.index_cast %get3A_500 : i32 to index
        %get3A_506 = arith.index_cast %mul3A_499 : i32 to index
        %get3A_507 = tpu.vector_load %get3A_504[%get3A_505, %get3A_506] {strides = array<i32>} : memref<8x128xf32, #tpu.memory_space<vmem>>, vector<16xf32>,
        %scatter3A_508 = tpu.memref_slice %arg5[%add3A_345] : memref<4096xf32, #tpu.memory_space<vmem>> -> memref<256xf32, #tpu.memory_space<vmem>>
        tpu.vector_store_idx %scatter3A_508[%add3A_54], %get3A_507 : memref<256xf32, #tpu.memory_space<vmem>>[vector<16xi32>], vector<16xf32>,
        %mul3A_509 = arith.constant 16 : i32
        %mul3A_510 = arith.muli %scan3A_342, %mul3A_509 : i32
        %get3A_511 = arith.constant 7 : i32
        %get3A_512 = arith.constant 0 : i32
        %get3A_513 = arith.constant 0 : i32
        %get3A_514 = tpu.memref_slice %arg4[%select_n3A_291, %scan3A_311, %get3A_512, %get3A_513] : memref<3x2x8x128xf32, #tpu.memory_space<vmem>> -> memref<1x1x8x128xf32, #tpu.memory_space<vmem>>
        %get3A_515 = tpu.memref_squeeze %get3A_514 : memref<1x1x8x128xf32, #tpu.memory_space<vmem>> -> memref<8x128xf32, #tpu.memory_space<vmem>>
        %get3A_516 = arith.index_cast %get3A_511 : i32 to index
        %get3A_517 = arith.index_cast %mul3A_510 : i32 to index
        %get3A_518 = tpu.vector_load %get3A_515[%get3A_516, %get3A_517] {strides = array<i32>} : memref<8x128xf32, #tpu.memory_space<vmem>>, vector<16xf32>,
        %scatter3A_519 = tpu.memref_slice %arg5[%add3A_345] : memref<4096xf32, #tpu.memory_space<vmem>> -> memref<256xf32, #tpu.memory_space<vmem>>
        tpu.vector_store_idx %scatter3A_519[%add3A_57], %get3A_518 : memref<256xf32, #tpu.memory_space<vmem>>[vector<16xi32>], vector<16xf32>,
      }
      %scan3A_316 = arith.constant 8 : i32
      %add3A_317 = arith.addi %add3A_6, %while3A_185 : i32
      %jit3A_318 = arith.constant 2 : i32
      %eq3A_319 = arith.constant 0 : i32
      %eq3A_320 = arith.cmpi eq, %jit3A_318, %eq3A_319 : i32
      %jit3A_321 = arith.constant 1 : i32
      %select_n3A_322 = arith.select %eq3A_320, %jit3A_321, %jit3A_318 : i32
      %rem3A_323 = arith.remsi %while3A_185, %select_n3A_322 : i32
      %ne3A_324 = arith.constant 0 : i32
      %ne3A_325 = arith.cmpi ne, %rem3A_323, %ne3A_324 : i32
      %lt3A_326 = arith.constant 0 : i32
      %lt3A_327 = arith.cmpi slt, %rem3A_323, %lt3A_326 : i32
      %lt3A_328 = arith.constant 0 : i32
      %lt3A_329 = arith.cmpi slt, %select_n3A_322, %lt3A_328 : i32
      %ne3A_330 = arith.xori %lt3A_327, %lt3A_329 : i1
      %and3A_331 = arith.andi %ne3A_330, %ne3A_325 : i1
      %add3A_332 = arith.addi %rem3A_323, %select_n3A_322 : i32
      %select_n3A_333 = arith.select %and3A_331, %add3A_332, %rem3A_323 : i32
      %mul3A_334 = arith.constant 2048 : i32
      %mul3A_335 = arith.muli %select_n3A_333, %mul3A_334 : i32
      %mul3A_336 = arith.constant 2048 : i32
      %mul3A_337 = arith.muli %add3A_317, %mul3A_336 : i32
      %dma_start3A_338 = tpu.memref_slice %arg5[%mul3A_335] : memref<4096xf32, #tpu.memory_space<vmem>> -> memref<2048xf32, #tpu.memory_space<vmem>>
      %dma_start3A_339 = tpu.memref_slice %arg3[%mul3A_337] : memref<41600000xf32, #tpu.memory_space<hbm>> -> memref<2048xf32, #tpu.memory_space<hbm>>
      %dma_start3A_340 = tpu.memref_slice %arg3[%mul3A_337] : memref<41600000xf32, #tpu.memory_space<hbm>> -> memref<2048xf32, #tpu.memory_space<hbm>>
      %dma_start3A_341 = tpu.memref_slice %arg5[%mul3A_335] : memref<4096xf32, #tpu.memory_space<vmem>> -> memref<2048xf32, #tpu.memory_space<vmem>>
      tpu.enqueue_dma source(%dma_start3A_341 : memref<2048xf32, #tpu.memory_space<vmem>>) target(%dma_start3A_340 : memref<2048xf32, #tpu.memory_space<hbm>>) target_semaphore(%arg9 : memref<!tpu.dma_semaphore, #tpu.memory_space<semaphore_mem>>)
    }
    %sub3A = arith.constant 2 : i32
    %sub3A_134 = arith.subi %select_n3A, %sub3A : i32
    %add3A_135 = arith.addi %add3A_6, %sub3A_134 : i32
    %jit3A_136 = arith.constant 2 : i32
    %eq3A = arith.constant 0 : i32
    %eq3A_137 = arith.cmpi eq, %jit3A_136, %eq3A : i32
    %jit3A_138 = arith.constant 1 : i32
    %select_n3A_139 = arith.select %eq3A_137, %jit3A_138, %jit3A_136 : i32
    %rem3A = arith.remsi %sub3A_134, %select_n3A_139 : i32
    %ne3A = arith.constant 0 : i32
    %ne3A_140 = arith.cmpi ne, %rem3A, %ne3A : i32
    %lt3A_141 = arith.constant 0 : i32
    %lt3A_142 = arith.cmpi slt, %rem3A, %lt3A_141 : i32
    %lt3A_143 = arith.constant 0 : i32
    %lt3A_144 = arith.cmpi slt, %select_n3A_139, %lt3A_143 : i32
    %ne3A_145 = arith.xori %lt3A_142, %lt3A_144 : i1
    %and3A = arith.andi %ne3A_145, %ne3A_140 : i1
    %add3A_146 = arith.addi %rem3A, %select_n3A_139 : i32
    %select_n3A_147 = arith.select %and3A, %add3A_146, %rem3A : i32
    %mul3A_148 = arith.constant 2048 : i32
    %mul3A_149 = arith.muli %select_n3A_147, %mul3A_148 : i32
    %mul3A_150 = arith.constant 2048 : i32
    %mul3A_151 = arith.muli %add3A_135, %mul3A_150 : i32
    %dma_wait3A = tpu.memref_slice %arg5[%mul3A_149] : memref<4096xf32, #tpu.memory_space<vmem>> -> memref<2048xf32, #tpu.memory_space<vmem>>
    %dma_wait3A_152 = tpu.memref_slice %arg3[%mul3A_151] : memref<41600000xf32, #tpu.memory_space<hbm>> -> memref<2048xf32, #tpu.memory_space<hbm>>
    %dma_wait3A_153 = tpu.memref_slice %arg3[%mul3A_151] : memref<41600000xf32, #tpu.memory_space<hbm>> -> memref<2048xf32, #tpu.memory_space<hbm>>
    %dma_wait3A_154 = tpu.memref_slice %arg5[%mul3A_149] : memref<4096xf32, #tpu.memory_space<vmem>> -> memref<2048xf32, #tpu.memory_space<vmem>>
    tpu.wait_dma2 semaphore(%arg9 : memref<!tpu.dma_semaphore, #tpu.memory_space<semaphore_mem>>) src(%dma_wait3A_154 : memref<2048xf32, #tpu.memory_space<vmem>>) dst(%dma_wait3A_153 : memref<2048xf32, #tpu.memory_space<hbm>>)
    %sub3A_155 = arith.constant 1 : i32
    %sub3A_156 = arith.subi %select_n3A, %sub3A_155 : i32
    %add3A_157 = arith.addi %add3A_6, %sub3A_156 : i32
    %jit3A_158 = arith.constant 2 : i32
    %eq3A_159 = arith.constant 0 : i32
    %eq3A_160 = arith.cmpi eq, %jit3A_158, %eq3A_159 : i32
    %jit3A_161 = arith.constant 1 : i32
    %select_n3A_162 = arith.select %eq3A_160, %jit3A_161, %jit3A_158 : i32
    %rem3A_163 = arith.remsi %sub3A_156, %select_n3A_162 : i32
    %ne3A_164 = arith.constant 0 : i32
    %ne3A_165 = arith.cmpi ne, %rem3A_163, %ne3A_164 : i32
    %lt3A_166 = arith.constant 0 : i32
    %lt3A_167 = arith.cmpi slt, %rem3A_163, %lt3A_166 : i32
    %lt3A_168 = arith.constant 0 : i32
    %lt3A_169 = arith.cmpi slt, %select_n3A_162, %lt3A_168 : i32
    %ne3A_170 = arith.xori %lt3A_167, %lt3A_169 : i1
    %and3A_171 = arith.andi %ne3A_170, %ne3A_165 : i1
    %add3A_172 = arith.addi %rem3A_163, %select_n3A_162 : i32
    %select_n3A_173 = arith.select %and3A_171, %add3A_172, %rem3A_163 : i32
    %mul3A_174 = arith.constant 2048 : i32
    %mul3A_175 = arith.muli %select_n3A_173, %mul3A_174 : i32
    %mul3A_176 = arith.constant 2048 : i32
    %mul3A_177 = arith.muli %add3A_157, %mul3A_176 : i32
    %dma_wait3A_178 = tpu.memref_slice %arg5[%mul3A_175] : memref<4096xf32, #tpu.memory_space<vmem>> -> memref<2048xf32, #tpu.memory_space<vmem>>
    %dma_wait3A_179 = tpu.memref_slice %arg3[%mul3A_177] : memref<41600000xf32, #tpu.memory_space<hbm>> -> memref<2048xf32, #tpu.memory_space<hbm>>
    %dma_wait3A_180 = tpu.memref_slice %arg3[%mul3A_177] : memref<41600000xf32, #tpu.memory_space<hbm>> -> memref<2048xf32, #tpu.memory_space<hbm>>
    %dma_wait3A_181 = tpu.memref_slice %arg5[%mul3A_175] : memref<4096xf32, #tpu.memory_space<vmem>> -> memref<2048xf32, #tpu.memory_space<vmem>>
    tpu.wait_dma2 semaphore(%arg9 : memref<!tpu.dma_semaphore, #tpu.memory_space<semaphore_mem>>) src(%dma_wait3A_181 : memref<2048xf32, #tpu.memory_space<vmem>>) dst(%dma_wait3A_180 : memref<2048xf32, #tpu.memory_space<hbm>>)
    %eq3A_182 = arith.constant 31 : i32
    %eq3A_183 = arith.cmpi eq, %add3A, %eq3A_182 : i32
    %convert_element_type3A = arith.extui %eq3A_183 : i1 to i32
    %cond3A = arith.constant 0 : i32
    %cond3A_184 = arith.cmpi ne, %convert_element_type3A, %cond3A : i32
    scf.if %cond3A_184 {
      %dma_start3A_185 = arith.constant 0 : i32
      %dma_start3A_186 = arith.constant 0 : i32
      %dma_start3A_187 = arith.constant 0 : i32
      %dma_start3A_188 = tpu.memref_slice %arg6[%dma_start3A_185, %dma_start3A_186, %dma_start3A_187] : memref<2x8x64xf32, #tpu.memory_space<vmem>> -> memref<1x8x64xf32, #tpu.memory_space<vmem>>
      %dma_start3A_189 = tpu.memref_squeeze %dma_start3A_188 : memref<1x8x64xf32, #tpu.memory_space<vmem>> -> memref<8x64xf32, #tpu.memory_space<vmem>>
      %dma_start3A_190 = arith.constant 0 : i32
      %dma_start3A_191 = arith.constant 2599936 : i32
      %dma_start3A_192 = tpu.memref_slice %arg2[%dma_start3A_190, %dma_start3A_191] : memref<16x2600000xf32, #tpu.memory_space<hbm>> -> memref<8x64xf32, #tpu.memory_space<hbm>>
      %dma_start3A_193 = arith.constant 0 : i32
      %dma_start3A_194 = arith.constant 0 : i32
      %dma_start3A_195 = tpu.memref_slice %arg6[%dma_start3A_185, %dma_start3A_193, %dma_start3A_194] : memref<2x8x64xf32, #tpu.memory_space<vmem>> -> memref<1x8x64xf32, #tpu.memory_space<vmem>>
      %dma_start3A_196 = tpu.memref_squeeze %dma_start3A_195 : memref<1x8x64xf32, #tpu.memory_space<vmem>> -> memref<8x64xf32, #tpu.memory_space<vmem>>
      %dma_start3A_197 = arith.constant 0 : i32
      %dma_start3A_198 = arith.constant 2599936 : i32
      %dma_start3A_199 = tpu.memref_slice %arg2[%dma_start3A_197, %dma_start3A_198] : memref<16x2600000xf32, #tpu.memory_space<hbm>> -> memref<8x64xf32, #tpu.memory_space<hbm>>
      tpu.enqueue_dma source(%dma_start3A_199 : memref<8x64xf32, #tpu.memory_space<hbm>>) target(%dma_start3A_196 : memref<8x64xf32, #tpu.memory_space<vmem>>) target_semaphore(%arg10 : memref<!tpu.dma_semaphore, #tpu.memory_space<semaphore_mem>>)
      %dma_wait3A_200 = arith.constant 0 : i32
      %dma_wait3A_201 = arith.constant 0 : i32
      %dma_wait3A_202 = arith.constant 0 : i32
      %dma_wait3A_203 = tpu.memref_slice %arg6[%dma_wait3A_200, %dma_wait3A_201, %dma_wait3A_202] : memref<2x8x64xf32, #tpu.memory_space<vmem>> -> memref<1x8x64xf32, #tpu.memory_space<vmem>>
      %dma_wait3A_204 = tpu.memref_squeeze %dma_wait3A_203 : memref<1x8x64xf32, #tpu.memory_space<vmem>> -> memref<8x64xf32, #tpu.memory_space<vmem>>
      %dma_wait3A_205 = arith.constant 0 : i32
      %dma_wait3A_206 = arith.constant 2599936 : i32
      %dma_wait3A_207 = tpu.memref_slice %arg2[%dma_wait3A_205, %dma_wait3A_206] : memref<16x2600000xf32, #tpu.memory_space<hbm>> -> memref<8x64xf32, #tpu.memory_space<hbm>>
      %dma_wait3A_208 = arith.constant 0 : i32
      %dma_wait3A_209 = arith.constant 0 : i32
      %dma_wait3A_210 = tpu.memref_slice %arg6[%dma_wait3A_200, %dma_wait3A_208, %dma_wait3A_209] : memref<2x8x64xf32, #tpu.memory_space<vmem>> -> memref<1x8x64xf32, #tpu.memory_space<vmem>>
      %dma_wait3A_211 = tpu.memref_squeeze %dma_wait3A_210 : memref<1x8x64xf32, #tpu.memory_space<vmem>> -> memref<8x64xf32, #tpu.memory_space<vmem>>
      %dma_wait3A_212 = arith.constant 0 : i32
      %dma_wait3A_213 = arith.constant 2599936 : i32
      %dma_wait3A_214 = tpu.memref_slice %arg2[%dma_wait3A_212, %dma_wait3A_213] : memref<16x2600000xf32, #tpu.memory_space<hbm>> -> memref<8x64xf32, #tpu.memory_space<hbm>>
      tpu.wait_dma2 semaphore(%arg10 : memref<!tpu.dma_semaphore, #tpu.memory_space<semaphore_mem>>) src(%dma_wait3A_214 : memref<8x64xf32, #tpu.memory_space<hbm>>) dst(%dma_wait3A_211 : memref<8x64xf32, #tpu.memory_space<vmem>>)
      %dma_start3A_215 = arith.constant 1 : i32
      %dma_start3A_216 = arith.constant 0 : i32
      %dma_start3A_217 = arith.constant 0 : i32
      %dma_start3A_218 = tpu.memref_slice %arg6[%dma_start3A_215, %dma_start3A_216, %dma_start3A_217] : memref<2x8x64xf32, #tpu.memory_space<vmem>> -> memref<1x8x64xf32, #tpu.memory_space<vmem>>
      %dma_start3A_219 = tpu.memref_squeeze %dma_start3A_218 : memref<1x8x64xf32, #tpu.memory_space<vmem>> -> memref<8x64xf32, #tpu.memory_space<vmem>>
      %dma_start3A_220 = arith.constant 8 : i32
      %dma_start3A_221 = arith.constant 2599936 : i32
      %dma_start3A_222 = tpu.memref_slice %arg2[%dma_start3A_220, %dma_start3A_221] : memref<16x2600000xf32, #tpu.memory_space<hbm>> -> memref<8x64xf32, #tpu.memory_space<hbm>>
      %dma_start3A_223 = arith.constant 0 : i32
      %dma_start3A_224 = arith.constant 0 : i32
      %dma_start3A_225 = tpu.memref_slice %arg6[%dma_start3A_215, %dma_start3A_223, %dma_start3A_224] : memref<2x8x64xf32, #tpu.memory_space<vmem>> -> memref<1x8x64xf32, #tpu.memory_space<vmem>>
      %dma_start3A_226 = tpu.memref_squeeze %dma_start3A_225 : memref<1x8x64xf32, #tpu.memory_space<vmem>> -> memref<8x64xf32, #tpu.memory_space<vmem>>
      %dma_start3A_227 = arith.constant 8 : i32
      %dma_start3A_228 = arith.constant 2599936 : i32
      %dma_start3A_229 = tpu.memref_slice %arg2[%dma_start3A_227, %dma_start3A_228] : memref<16x2600000xf32, #tpu.memory_space<hbm>> -> memref<8x64xf32, #tpu.memory_space<hbm>>
      tpu.enqueue_dma source(%dma_start3A_229 : memref<8x64xf32, #tpu.memory_space<hbm>>) target(%dma_start3A_226 : memref<8x64xf32, #tpu.memory_space<vmem>>) target_semaphore(%arg10 : memref<!tpu.dma_semaphore, #tpu.memory_space<semaphore_mem>>)
      %dma_wait3A_230 = arith.constant 1 : i32
      %dma_wait3A_231 = arith.constant 0 : i32
      %dma_wait3A_232 = arith.constant 0 : i32
      %dma_wait3A_233 = tpu.memref_slice %arg6[%dma_wait3A_230, %dma_wait3A_231, %dma_wait3A_232] : memref<2x8x64xf32, #tpu.memory_space<vmem>> -> memref<1x8x64xf32, #tpu.memory_space<vmem>>
      %dma_wait3A_234 = tpu.memref_squeeze %dma_wait3A_233 : memref<1x8x64xf32, #tpu.memory_space<vmem>> -> memref<8x64xf32, #tpu.memory_space<vmem>>
      %dma_wait3A_235 = arith.constant 8 : i32
      %dma_wait3A_236 = arith.constant 2599936 : i32
      %dma_wait3A_237 = tpu.memref_slice %arg2[%dma_wait3A_235, %dma_wait3A_236] : memref<16x2600000xf32, #tpu.memory_space<hbm>> -> memref<8x64xf32, #tpu.memory_space<hbm>>
      %dma_wait3A_238 = arith.constant 0 : i32
      %dma_wait3A_239 = arith.constant 0 : i32
      %dma_wait3A_240 = tpu.memref_slice %arg6[%dma_wait3A_230, %dma_wait3A_238, %dma_wait3A_239] : memref<2x8x64xf32, #tpu.memory_space<vmem>> -> memref<1x8x64xf32, #tpu.memory_space<vmem>>
      %dma_wait3A_241 = tpu.memref_squeeze %dma_wait3A_240 : memref<1x8x64xf32, #tpu.memory_space<vmem>> -> memref<8x64xf32, #tpu.memory_space<vmem>>
      %dma_wait3A_242 = arith.constant 8 : i32
      %dma_wait3A_243 = arith.constant 2599936 : i32
      %dma_wait3A_244 = tpu.memref_slice %arg2[%dma_wait3A_242, %dma_wait3A_243] : memref<16x2600000xf32, #tpu.memory_space<hbm>> -> memref<8x64xf32, #tpu.memory_space<hbm>>
      tpu.wait_dma2 semaphore(%arg10 : memref<!tpu.dma_semaphore, #tpu.memory_space<semaphore_mem>>) src(%dma_wait3A_244 : memref<8x64xf32, #tpu.memory_space<hbm>>) dst(%dma_wait3A_241 : memref<8x64xf32, #tpu.memory_space<vmem>>)
      %scan3A = arith.constant 0 : i32
      %scan3A_245 = arith.constant 0 : i32
      %scan3A_246 = arith.constant 1 : i32
      %scan3A_247 = arith.constant 0 : i32
      %scan3A_248 = arith.constant 4 : i32
      %scan3A_249 = arith.addi %scan3A_247, %scan3A_248 : i32
      %scan3A_250 = arith.constant 1 : i32
      scf.for %scan3A_252 = %scan3A_247 to %scan3A_249 step %scan3A_250  : i32 {
        %mul3A_253 = arith.constant 256 : i32
        %mul3A_254 = arith.muli %scan3A_252, %mul3A_253 : i32
        %add3A_255 = arith.constant 0 : i32
        %add3A_256 = arith.addi %add3A_255, %mul3A_254 : i32
        %mul3A_257 = arith.constant 16 : i32
        %mul3A_258 = arith.muli %scan3A_252, %mul3A_257 : i32
        %get3A = arith.constant 0 : i32
        %get3A_259 = arith.constant 0 : i32
        %get3A_260 = arith.constant 0 : i32
        %get3A_261 = tpu.memref_slice %arg6[%scan3A_245, %get3A_259, %get3A_260] : memref<2x8x64xf32, #tpu.memory_space<vmem>> -> memref<1x8x64xf32, #tpu.memory_space<vmem>>
        %get3A_262 = tpu.memref_squeeze %get3A_261 : memref<1x8x64xf32, #tpu.memory_space<vmem>> -> memref<8x64xf32, #tpu.memory_space<vmem>>
        %get3A_263 = arith.index_cast %get3A : i32 to index
        %get3A_264 = arith.index_cast %mul3A_258 : i32 to index
        %get3A_265 = tpu.vector_load %get3A_262[%get3A_263, %get3A_264] {strides = array<i32>} : memref<8x64xf32, #tpu.memory_space<vmem>>, vector<16xf32>,
        %scatter3A = tpu.memref_slice %arg7[%add3A_256] : memref<1024xf32, #tpu.memory_space<vmem>> -> memref<256xf32, #tpu.memory_space<vmem>>
        tpu.vector_store_idx %scatter3A[%add3A_12], %get3A_265 : memref<256xf32, #tpu.memory_space<vmem>>[vector<16xi32>], vector<16xf32>,
        %mul3A_266 = arith.constant 16 : i32
        %mul3A_267 = arith.muli %scan3A_252, %mul3A_266 : i32
        %get3A_268 = arith.constant 1 : i32
        %get3A_269 = arith.constant 0 : i32
        %get3A_270 = arith.constant 0 : i32
        %get3A_271 = tpu.memref_slice %arg6[%scan3A_245, %get3A_269, %get3A_270] : memref<2x8x64xf32, #tpu.memory_space<vmem>> -> memref<1x8x64xf32, #tpu.memory_space<vmem>>
        %get3A_272 = tpu.memref_squeeze %get3A_271 : memref<1x8x64xf32, #tpu.memory_space<vmem>> -> memref<8x64xf32, #tpu.memory_space<vmem>>
        %get3A_273 = arith.index_cast %get3A_268 : i32 to index
        %get3A_274 = arith.index_cast %mul3A_267 : i32 to index
        %get3A_275 = tpu.vector_load %get3A_272[%get3A_273, %get3A_274] {strides = array<i32>} : memref<8x64xf32, #tpu.memory_space<vmem>>, vector<16xf32>,
        %scatter3A_276 = tpu.memref_slice %arg7[%add3A_256] : memref<1024xf32, #tpu.memory_space<vmem>> -> memref<256xf32, #tpu.memory_space<vmem>>
        tpu.vector_store_idx %scatter3A_276[%add3A_15], %get3A_275 : memref<256xf32, #tpu.memory_space<vmem>>[vector<16xi32>], vector<16xf32>,
        %mul3A_277 = arith.constant 16 : i32
        %mul3A_278 = arith.muli %scan3A_252, %mul3A_277 : i32
        %get3A_279 = arith.constant 2 : i32
        %get3A_280 = arith.constant 0 : i32
        %get3A_281 = arith.constant 0 : i32
        %get3A_282 = tpu.memref_slice %arg6[%scan3A_245, %get3A_280, %get3A_281] : memref<2x8x64xf32, #tpu.memory_space<vmem>> -> memref<1x8x64xf32, #tpu.memory_space<vmem>>
        %get3A_283 = tpu.memref_squeeze %get3A_282 : memref<1x8x64xf32, #tpu.memory_space<vmem>> -> memref<8x64xf32, #tpu.memory_space<vmem>>
        %get3A_284 = arith.index_cast %get3A_279 : i32 to index
        %get3A_285 = arith.index_cast %mul3A_278 : i32 to index
        %get3A_286 = tpu.vector_load %get3A_283[%get3A_284, %get3A_285] {strides = array<i32>} : memref<8x64xf32, #tpu.memory_space<vmem>>, vector<16xf32>,
        %scatter3A_287 = tpu.memref_slice %arg7[%add3A_256] : memref<1024xf32, #tpu.memory_space<vmem>> -> memref<256xf32, #tpu.memory_space<vmem>>
        tpu.vector_store_idx %scatter3A_287[%add3A_18], %get3A_286 : memref<256xf32, #tpu.memory_space<vmem>>[vector<16xi32>], vector<16xf32>,
        %mul3A_288 = arith.constant 16 : i32
        %mul3A_289 = arith.muli %scan3A_252, %mul3A_288 : i32
        %get3A_290 = arith.constant 3 : i32
        %get3A_291 = arith.constant 0 : i32
        %get3A_292 = arith.constant 0 : i32
        %get3A_293 = tpu.memref_slice %arg6[%scan3A_245, %get3A_291, %get3A_292] : memref<2x8x64xf32, #tpu.memory_space<vmem>> -> memref<1x8x64xf32, #tpu.memory_space<vmem>>
        %get3A_294 = tpu.memref_squeeze %get3A_293 : memref<1x8x64xf32, #tpu.memory_space<vmem>> -> memref<8x64xf32, #tpu.memory_space<vmem>>
        %get3A_295 = arith.index_cast %get3A_290 : i32 to index
        %get3A_296 = arith.index_cast %mul3A_289 : i32 to index
        %get3A_297 = tpu.vector_load %get3A_294[%get3A_295, %get3A_296] {strides = array<i32>} : memref<8x64xf32, #tpu.memory_space<vmem>>, vector<16xf32>,
        %scatter3A_298 = tpu.memref_slice %arg7[%add3A_256] : memref<1024xf32, #tpu.memory_space<vmem>> -> memref<256xf32, #tpu.memory_space<vmem>>
        tpu.vector_store_idx %scatter3A_298[%add3A_21], %get3A_297 : memref<256xf32, #tpu.memory_space<vmem>>[vector<16xi32>], vector<16xf32>,
        %mul3A_299 = arith.constant 16 : i32
        %mul3A_300 = arith.muli %scan3A_252, %mul3A_299 : i32
        %get3A_301 = arith.constant 4 : i32
        %get3A_302 = arith.constant 0 : i32
        %get3A_303 = arith.constant 0 : i32
        %get3A_304 = tpu.memref_slice %arg6[%scan3A_245, %get3A_302, %get3A_303] : memref<2x8x64xf32, #tpu.memory_space<vmem>> -> memref<1x8x64xf32, #tpu.memory_space<vmem>>
        %get3A_305 = tpu.memref_squeeze %get3A_304 : memref<1x8x64xf32, #tpu.memory_space<vmem>> -> memref<8x64xf32, #tpu.memory_space<vmem>>
        %get3A_306 = arith.index_cast %get3A_301 : i32 to index
        %get3A_307 = arith.index_cast %mul3A_300 : i32 to index
        %get3A_308 = tpu.vector_load %get3A_305[%get3A_306, %get3A_307] {strides = array<i32>} : memref<8x64xf32, #tpu.memory_space<vmem>>, vector<16xf32>,
        %scatter3A_309 = tpu.memref_slice %arg7[%add3A_256] : memref<1024xf32, #tpu.memory_space<vmem>> -> memref<256xf32, #tpu.memory_space<vmem>>
        tpu.vector_store_idx %scatter3A_309[%add3A_24], %get3A_308 : memref<256xf32, #tpu.memory_space<vmem>>[vector<16xi32>], vector<16xf32>,
        %mul3A_310 = arith.constant 16 : i32
        %mul3A_311 = arith.muli %scan3A_252, %mul3A_310 : i32
        %get3A_312 = arith.constant 5 : i32
        %get3A_313 = arith.constant 0 : i32
        %get3A_314 = arith.constant 0 : i32
        %get3A_315 = tpu.memref_slice %arg6[%scan3A_245, %get3A_313, %get3A_314] : memref<2x8x64xf32, #tpu.memory_space<vmem>> -> memref<1x8x64xf32, #tpu.memory_space<vmem>>
        %get3A_316 = tpu.memref_squeeze %get3A_315 : memref<1x8x64xf32, #tpu.memory_space<vmem>> -> memref<8x64xf32, #tpu.memory_space<vmem>>
        %get3A_317 = arith.index_cast %get3A_312 : i32 to index
        %get3A_318 = arith.index_cast %mul3A_311 : i32 to index
        %get3A_319 = tpu.vector_load %get3A_316[%get3A_317, %get3A_318] {strides = array<i32>} : memref<8x64xf32, #tpu.memory_space<vmem>>, vector<16xf32>,
        %scatter3A_320 = tpu.memref_slice %arg7[%add3A_256] : memref<1024xf32, #tpu.memory_space<vmem>> -> memref<256xf32, #tpu.memory_space<vmem>>
        tpu.vector_store_idx %scatter3A_320[%add3A_27], %get3A_319 : memref<256xf32, #tpu.memory_space<vmem>>[vector<16xi32>], vector<16xf32>,
        %mul3A_321 = arith.constant 16 : i32
        %mul3A_322 = arith.muli %scan3A_252, %mul3A_321 : i32
        %get3A_323 = arith.constant 6 : i32
        %get3A_324 = arith.constant 0 : i32
        %get3A_325 = arith.constant 0 : i32
        %get3A_326 = tpu.memref_slice %arg6[%scan3A_245, %get3A_324, %get3A_325] : memref<2x8x64xf32, #tpu.memory_space<vmem>> -> memref<1x8x64xf32, #tpu.memory_space<vmem>>
        %get3A_327 = tpu.memref_squeeze %get3A_326 : memref<1x8x64xf32, #tpu.memory_space<vmem>> -> memref<8x64xf32, #tpu.memory_space<vmem>>
        %get3A_328 = arith.index_cast %get3A_323 : i32 to index
        %get3A_329 = arith.index_cast %mul3A_322 : i32 to index
        %get3A_330 = tpu.vector_load %get3A_327[%get3A_328, %get3A_329] {strides = array<i32>} : memref<8x64xf32, #tpu.memory_space<vmem>>, vector<16xf32>,
        %scatter3A_331 = tpu.memref_slice %arg7[%add3A_256] : memref<1024xf32, #tpu.memory_space<vmem>> -> memref<256xf32, #tpu.memory_space<vmem>>
        tpu.vector_store_idx %scatter3A_331[%add3A_30], %get3A_330 : memref<256xf32, #tpu.memory_space<vmem>>[vector<16xi32>], vector<16xf32>,
        %mul3A_332 = arith.constant 16 : i32
        %mul3A_333 = arith.muli %scan3A_252, %mul3A_332 : i32
        %get3A_334 = arith.constant 7 : i32
        %get3A_335 = arith.constant 0 : i32
        %get3A_336 = arith.constant 0 : i32
        %get3A_337 = tpu.memref_slice %arg6[%scan3A_245, %get3A_335, %get3A_336] : memref<2x8x64xf32, #tpu.memory_space<vmem>> -> memref<1x8x64xf32, #tpu.memory_space<vmem>>
        %get3A_338 = tpu.memref_squeeze %get3A_337 : memref<1x8x64xf32, #tpu.memory_space<vmem>> -> memref<8x64xf32, #tpu.memory_space<vmem>>
        %get3A_339 = arith.index_cast %get3A_334 : i32 to index
        %get3A_340 = arith.index_cast %mul3A_333 : i32 to index
        %get3A_341 = tpu.vector_load %get3A_338[%get3A_339, %get3A_340] {strides = array<i32>} : memref<8x64xf32, #tpu.memory_space<vmem>>, vector<16xf32>,
        %scatter3A_342 = tpu.memref_slice %arg7[%add3A_256] : memref<1024xf32, #tpu.memory_space<vmem>> -> memref<256xf32, #tpu.memory_space<vmem>>
        tpu.vector_store_idx %scatter3A_342[%add3A_33], %get3A_341 : memref<256xf32, #tpu.memory_space<vmem>>[vector<16xi32>], vector<16xf32>,
        %mul3A_343 = arith.constant 16 : i32
        %mul3A_344 = arith.muli %scan3A_252, %mul3A_343 : i32
        %get3A_345 = arith.constant 0 : i32
        %get3A_346 = arith.constant 0 : i32
        %get3A_347 = arith.constant 0 : i32
        %get3A_348 = tpu.memref_slice %arg6[%scan3A_246, %get3A_346, %get3A_347] : memref<2x8x64xf32, #tpu.memory_space<vmem>> -> memref<1x8x64xf32, #tpu.memory_space<vmem>>
        %get3A_349 = tpu.memref_squeeze %get3A_348 : memref<1x8x64xf32, #tpu.memory_space<vmem>> -> memref<8x64xf32, #tpu.memory_space<vmem>>
        %get3A_350 = arith.index_cast %get3A_345 : i32 to index
        %get3A_351 = arith.index_cast %mul3A_344 : i32 to index
        %get3A_352 = tpu.vector_load %get3A_349[%get3A_350, %get3A_351] {strides = array<i32>} : memref<8x64xf32, #tpu.memory_space<vmem>>, vector<16xf32>,
        %scatter3A_353 = tpu.memref_slice %arg7[%add3A_256] : memref<1024xf32, #tpu.memory_space<vmem>> -> memref<256xf32, #tpu.memory_space<vmem>>
        tpu.vector_store_idx %scatter3A_353[%add3A_36], %get3A_352 : memref<256xf32, #tpu.memory_space<vmem>>[vector<16xi32>], vector<16xf32>,
        %mul3A_354 = arith.constant 16 : i32
        %mul3A_355 = arith.muli %scan3A_252, %mul3A_354 : i32
        %get3A_356 = arith.constant 1 : i32
        %get3A_357 = arith.constant 0 : i32
        %get3A_358 = arith.constant 0 : i32
        %get3A_359 = tpu.memref_slice %arg6[%scan3A_246, %get3A_357, %get3A_358] : memref<2x8x64xf32, #tpu.memory_space<vmem>> -> memref<1x8x64xf32, #tpu.memory_space<vmem>>
        %get3A_360 = tpu.memref_squeeze %get3A_359 : memref<1x8x64xf32, #tpu.memory_space<vmem>> -> memref<8x64xf32, #tpu.memory_space<vmem>>
        %get3A_361 = arith.index_cast %get3A_356 : i32 to index
        %get3A_362 = arith.index_cast %mul3A_355 : i32 to index
        %get3A_363 = tpu.vector_load %get3A_360[%get3A_361, %get3A_362] {strides = array<i32>} : memref<8x64xf32, #tpu.memory_space<vmem>>, vector<16xf32>,
        %scatter3A_364 = tpu.memref_slice %arg7[%add3A_256] : memref<1024xf32, #tpu.memory_space<vmem>> -> memref<256xf32, #tpu.memory_space<vmem>>
        tpu.vector_store_idx %scatter3A_364[%add3A_39], %get3A_363 : memref<256xf32, #tpu.memory_space<vmem>>[vector<16xi32>], vector<16xf32>,
        %mul3A_365 = arith.constant 16 : i32
        %mul3A_366 = arith.muli %scan3A_252, %mul3A_365 : i32
        %get3A_367 = arith.constant 2 : i32
        %get3A_368 = arith.constant 0 : i32
        %get3A_369 = arith.constant 0 : i32
        %get3A_370 = tpu.memref_slice %arg6[%scan3A_246, %get3A_368, %get3A_369] : memref<2x8x64xf32, #tpu.memory_space<vmem>> -> memref<1x8x64xf32, #tpu.memory_space<vmem>>
        %get3A_371 = tpu.memref_squeeze %get3A_370 : memref<1x8x64xf32, #tpu.memory_space<vmem>> -> memref<8x64xf32, #tpu.memory_space<vmem>>
        %get3A_372 = arith.index_cast %get3A_367 : i32 to index
        %get3A_373 = arith.index_cast %mul3A_366 : i32 to index
        %get3A_374 = tpu.vector_load %get3A_371[%get3A_372, %get3A_373] {strides = array<i32>} : memref<8x64xf32, #tpu.memory_space<vmem>>, vector<16xf32>,
        %scatter3A_375 = tpu.memref_slice %arg7[%add3A_256] : memref<1024xf32, #tpu.memory_space<vmem>> -> memref<256xf32, #tpu.memory_space<vmem>>
        tpu.vector_store_idx %scatter3A_375[%add3A_42], %get3A_374 : memref<256xf32, #tpu.memory_space<vmem>>[vector<16xi32>], vector<16xf32>,
        %mul3A_376 = arith.constant 16 : i32
        %mul3A_377 = arith.muli %scan3A_252, %mul3A_376 : i32
        %get3A_378 = arith.constant 3 : i32
        %get3A_379 = arith.constant 0 : i32
        %get3A_380 = arith.constant 0 : i32
        %get3A_381 = tpu.memref_slice %arg6[%scan3A_246, %get3A_379, %get3A_380] : memref<2x8x64xf32, #tpu.memory_space<vmem>> -> memref<1x8x64xf32, #tpu.memory_space<vmem>>
        %get3A_382 = tpu.memref_squeeze %get3A_381 : memref<1x8x64xf32, #tpu.memory_space<vmem>> -> memref<8x64xf32, #tpu.memory_space<vmem>>
        %get3A_383 = arith.index_cast %get3A_378 : i32 to index
        %get3A_384 = arith.index_cast %mul3A_377 : i32 to index
        %get3A_385 = tpu.vector_load %get3A_382[%get3A_383, %get3A_384] {strides = array<i32>} : memref<8x64xf32, #tpu.memory_space<vmem>>, vector<16xf32>,
        %scatter3A_386 = tpu.memref_slice %arg7[%add3A_256] : memref<1024xf32, #tpu.memory_space<vmem>> -> memref<256xf32, #tpu.memory_space<vmem>>
        tpu.vector_store_idx %scatter3A_386[%add3A_45], %get3A_385 : memref<256xf32, #tpu.memory_space<vmem>>[vector<16xi32>], vector<16xf32>,
        %mul3A_387 = arith.constant 16 : i32
        %mul3A_388 = arith.muli %scan3A_252, %mul3A_387 : i32
        %get3A_389 = arith.constant 4 : i32
        %get3A_390 = arith.constant 0 : i32
        %get3A_391 = arith.constant 0 : i32
        %get3A_392 = tpu.memref_slice %arg6[%scan3A_246, %get3A_390, %get3A_391] : memref<2x8x64xf32, #tpu.memory_space<vmem>> -> memref<1x8x64xf32, #tpu.memory_space<vmem>>
        %get3A_393 = tpu.memref_squeeze %get3A_392 : memref<1x8x64xf32, #tpu.memory_space<vmem>> -> memref<8x64xf32, #tpu.memory_space<vmem>>
        %get3A_394 = arith.index_cast %get3A_389 : i32 to index
        %get3A_395 = arith.index_cast %mul3A_388 : i32 to index
        %get3A_396 = tpu.vector_load %get3A_393[%get3A_394, %get3A_395] {strides = array<i32>} : memref<8x64xf32, #tpu.memory_space<vmem>>, vector<16xf32>,
        %scatter3A_397 = tpu.memref_slice %arg7[%add3A_256] : memref<1024xf32, #tpu.memory_space<vmem>> -> memref<256xf32, #tpu.memory_space<vmem>>
        tpu.vector_store_idx %scatter3A_397[%add3A_48], %get3A_396 : memref<256xf32, #tpu.memory_space<vmem>>[vector<16xi32>], vector<16xf32>,
        %mul3A_398 = arith.constant 16 : i32
        %mul3A_399 = arith.muli %scan3A_252, %mul3A_398 : i32
        %get3A_400 = arith.constant 5 : i32
        %get3A_401 = arith.constant 0 : i32
        %get3A_402 = arith.constant 0 : i32
        %get3A_403 = tpu.memref_slice %arg6[%scan3A_246, %get3A_401, %get3A_402] : memref<2x8x64xf32, #tpu.memory_space<vmem>> -> memref<1x8x64xf32, #tpu.memory_space<vmem>>
        %get3A_404 = tpu.memref_squeeze %get3A_403 : memref<1x8x64xf32, #tpu.memory_space<vmem>> -> memref<8x64xf32, #tpu.memory_space<vmem>>
        %get3A_405 = arith.index_cast %get3A_400 : i32 to index
        %get3A_406 = arith.index_cast %mul3A_399 : i32 to index
        %get3A_407 = tpu.vector_load %get3A_404[%get3A_405, %get3A_406] {strides = array<i32>} : memref<8x64xf32, #tpu.memory_space<vmem>>, vector<16xf32>,
        %scatter3A_408 = tpu.memref_slice %arg7[%add3A_256] : memref<1024xf32, #tpu.memory_space<vmem>> -> memref<256xf32, #tpu.memory_space<vmem>>
        tpu.vector_store_idx %scatter3A_408[%add3A_51], %get3A_407 : memref<256xf32, #tpu.memory_space<vmem>>[vector<16xi32>], vector<16xf32>,
        %mul3A_409 = arith.constant 16 : i32
        %mul3A_410 = arith.muli %scan3A_252, %mul3A_409 : i32
        %get3A_411 = arith.constant 6 : i32
        %get3A_412 = arith.constant 0 : i32
        %get3A_413 = arith.constant 0 : i32
        %get3A_414 = tpu.memref_slice %arg6[%scan3A_246, %get3A_412, %get3A_413] : memref<2x8x64xf32, #tpu.memory_space<vmem>> -> memref<1x8x64xf32, #tpu.memory_space<vmem>>
        %get3A_415 = tpu.memref_squeeze %get3A_414 : memref<1x8x64xf32, #tpu.memory_space<vmem>> -> memref<8x64xf32, #tpu.memory_space<vmem>>
        %get3A_416 = arith.index_cast %get3A_411 : i32 to index
        %get3A_417 = arith.index_cast %mul3A_410 : i32 to index
        %get3A_418 = tpu.vector_load %get3A_415[%get3A_416, %get3A_417] {strides = array<i32>} : memref<8x64xf32, #tpu.memory_space<vmem>>, vector<16xf32>,
        %scatter3A_419 = tpu.memref_slice %arg7[%add3A_256] : memref<1024xf32, #tpu.memory_space<vmem>> -> memref<256xf32, #tpu.memory_space<vmem>>
        tpu.vector_store_idx %scatter3A_419[%add3A_54], %get3A_418 : memref<256xf32, #tpu.memory_space<vmem>>[vector<16xi32>], vector<16xf32>,
        %mul3A_420 = arith.constant 16 : i32
        %mul3A_421 = arith.muli %scan3A_252, %mul3A_420 : i32
        %get3A_422 = arith.constant 7 : i32
        %get3A_423 = arith.constant 0 : i32
        %get3A_424 = arith.constant 0 : i32
        %get3A_425 = tpu.memref_slice %arg6[%scan3A_246, %get3A_423, %get3A_424] : memref<2x8x64xf32, #tpu.memory_space<vmem>> -> memref<1x8x64xf32, #tpu.memory_space<vmem>>
        %get3A_426 = tpu.memref_squeeze %get3A_425 : memref<1x8x64xf32, #tpu.memory_space<vmem>> -> memref<8x64xf32, #tpu.memory_space<vmem>>
        %get3A_427 = arith.index_cast %get3A_422 : i32 to index
        %get3A_428 = arith.index_cast %mul3A_421 : i32 to index
        %get3A_429 = tpu.vector_load %get3A_426[%get3A_427, %get3A_428] {strides = array<i32>} : memref<8x64xf32, #tpu.memory_space<vmem>>, vector<16xf32>,
        %scatter3A_430 = tpu.memref_slice %arg7[%add3A_256] : memref<1024xf32, #tpu.memory_space<vmem>> -> memref<256xf32, #tpu.memory_space<vmem>>
        tpu.vector_store_idx %scatter3A_430[%add3A_57], %get3A_429 : memref<256xf32, #tpu.memory_space<vmem>>[vector<16xi32>], vector<16xf32>,
      }
      %scan3A_251 = arith.constant 4 : i32
      "tpu.region"() ({
        %run_scoped3A = tpu.sem_alloc : memref<!tpu.dma_semaphore, #tpu.memory_space<semaphore_mem>>
        %dma_start3A_252 = arith.constant 41598976 : i32
        %dma_start3A_253 = tpu.memref_slice %arg3[%dma_start3A_252] : memref<41600000xf32, #tpu.memory_space<hbm>> -> memref<1024xf32, #tpu.memory_space<hbm>>
        %dma_start3A_254 = arith.constant 41598976 : i32
        %dma_start3A_255 = tpu.memref_slice %arg3[%dma_start3A_254] : memref<41600000xf32, #tpu.memory_space<hbm>> -> memref<1024xf32, #tpu.memory_space<hbm>>
        tpu.enqueue_dma source(%arg7 : memref<1024xf32, #tpu.memory_space<vmem>>) target(%dma_start3A_255 : memref<1024xf32, #tpu.memory_space<hbm>>) target_semaphore(%run_scoped3A : memref<!tpu.dma_semaphore, #tpu.memory_space<semaphore_mem>>)
        %dma_wait3A_256 = arith.constant 41598976 : i32
        %dma_wait3A_257 = tpu.memref_slice %arg3[%dma_wait3A_256] : memref<41600000xf32, #tpu.memory_space<hbm>> -> memref<1024xf32, #tpu.memory_space<hbm>>
        %dma_wait3A_258 = arith.constant 41598976 : i32
        %dma_wait3A_259 = tpu.memref_slice %arg3[%dma_wait3A_258] : memref<41600000xf32, #tpu.memory_space<hbm>> -> memref<1024xf32, #tpu.memory_space<hbm>>
        tpu.wait_dma2 semaphore(%run_scoped3A : memref<!tpu.dma_semaphore, #tpu.memory_space<semaphore_mem>>) src(%arg7 : memref<1024xf32, #tpu.memory_space<vmem>>) dst(%dma_wait3A_259 : memref<1024xf32, #tpu.memory_space<hbm>>)
        tpu.yield
      }) : () -> ()
    } else {
    }
    return
  }
}

#map = affine_map<(d0, d1) -> (0, 0)>
#map1 = affine_map<(d0, d1) -> (0)>
module attributes {stable_mosaic.version = 14 : i64} {
  func.func @_sc_gather_body(%arg0: i32, %arg1: i32, %arg2: memref<2600000x16xf32, #tpu.memory_space<hbm>>, %arg3: memref<2600000xf32, #tpu.memory_space<hbm>>, %arg4: memref<3328x128xi32, #tpu.memory_space<hbm>>, %arg5: memref<425984x16xf32, #tpu.memory_space<hbm>>, %arg6: memref<3328x128xf32, #tpu.memory_space<hbm>>, %arg7: memref<104x128xi32, #tpu.memory_space<vmem>>, %arg8: memref<104x128xf32, #tpu.memory_space<vmem>>, %arg9: memref<1024x16xf32, #tpu.memory_space<vmem>>, %arg10: memref<!tpu.dma_semaphore, #tpu.memory_space<semaphore_mem>>, %arg11: memref<!tpu.dma_semaphore, #tpu.memory_space<semaphore_mem>>) attributes {dimension_semantics = [#tpu.dimension_semantics<core_parallel>, #tpu.dimension_semantics<subcore_parallel>], iteration_bounds = array<i64: 2, 16>, scalar_prefetch = 0 : i64, scratch_operands = 5 : i64, tpu.core_type = #tpu.core_type<sc_vector_subcore>, window_params = [{transform_indices = #map}, {transform_indices = #map1}, {transform_indices = #map}, {transform_indices = #map}, {transform_indices = #map}]} {
    %mul3A = arith.constant 2 : i32
    %mul3A_0 = arith.muli %arg1, %mul3A : i32
    %add3A = arith.addi %mul3A_0, %arg0 : i32
    %mul3A_1 = arith.constant 104 : i32
    %mul3A_2 = arith.muli %add3A, %mul3A_1 : i32
    "tpu.region"() ({
      %run_scoped3A = tpu.sem_alloc : memref<!tpu.dma_semaphore, #tpu.memory_space<semaphore_mem>>
      %dma_start3A = arith.constant 0 : i32
      %dma_start3A_8 = tpu.memref_slice %arg4[%mul3A_2, %dma_start3A] : memref<3328x128xi32, #tpu.memory_space<hbm>> -> memref<104x128xi32, #tpu.memory_space<hbm>>
      %dma_start3A_9 = arith.constant 0 : i32
      %dma_start3A_10 = tpu.memref_slice %arg4[%mul3A_2, %dma_start3A_9] : memref<3328x128xi32, #tpu.memory_space<hbm>> -> memref<104x128xi32, #tpu.memory_space<hbm>>
      tpu.enqueue_dma source(%dma_start3A_10 : memref<104x128xi32, #tpu.memory_space<hbm>>) target(%arg7 : memref<104x128xi32, #tpu.memory_space<vmem>>) target_semaphore(%run_scoped3A : memref<!tpu.dma_semaphore, #tpu.memory_space<semaphore_mem>>)
      %dma_wait3A = arith.constant 0 : i32
      %dma_wait3A_11 = tpu.memref_slice %arg4[%mul3A_2, %dma_wait3A] : memref<3328x128xi32, #tpu.memory_space<hbm>> -> memref<104x128xi32, #tpu.memory_space<hbm>>
      %dma_wait3A_12 = arith.constant 0 : i32
      %dma_wait3A_13 = tpu.memref_slice %arg4[%mul3A_2, %dma_wait3A_12] : memref<3328x128xi32, #tpu.memory_space<hbm>> -> memref<104x128xi32, #tpu.memory_space<hbm>>
      tpu.wait_dma2 semaphore(%run_scoped3A : memref<!tpu.dma_semaphore, #tpu.memory_space<semaphore_mem>>) src(%dma_wait3A_13 : memref<104x128xi32, #tpu.memory_space<hbm>>) dst(%arg7 : memref<104x128xi32, #tpu.memory_space<vmem>>)
      tpu.yield
    }) : () -> ()
    %scan3A = arith.constant 0 : i32
    %scan3A_3 = arith.constant 0 : i32
    %scan3A_4 = arith.constant 13 : i32
    %scan3A_5 = arith.addi %scan3A_3, %scan3A_4 : i32
    %scan3A_6 = arith.constant 1 : i32
    scf.for %scan3A_8 = %scan3A_3 to %scan3A_5 step %scan3A_6  : i32 {
      %mul3A_9 = arith.constant 8 : i32
      %mul3A_10 = arith.muli %scan3A_8, %mul3A_9 : i32
      %add3A_11 = arith.constant 0 : i32
      %add3A_12 = arith.addi %mul3A_10, %add3A_11 : i32
      %dma_start3A = arith.constant 0 : i32
      %dma_start3A_13 = arith.constant 0 : i32
      %dma_start3A_14 = tpu.memref_slice %arg9[%dma_start3A, %dma_start3A_13] : memref<1024x16xf32, #tpu.memory_space<vmem>> -> memref<128x16xf32, #tpu.memory_space<vmem>>
      %dma_start3A_15 = arith.constant 0 : i32
      %dma_start3A_16 = tpu.memref_slice %arg7[%add3A_12, %dma_start3A_15] : memref<104x128xi32, #tpu.memory_space<vmem>> -> memref<1x128xi32, #tpu.memory_space<vmem>>
      %dma_start3A_17 = tpu.memref_squeeze %dma_start3A_16 : memref<1x128xi32, #tpu.memory_space<vmem>> -> memref<128xi32, #tpu.memory_space<vmem>>
      %dma_start3A_18 = arith.constant 0 : i32
      %dma_start3A_19 = arith.constant 0 : i32
      %dma_start3A_20 = tpu.memref_slice %arg2[%dma_start3A_18, %dma_start3A_19] : memref<2600000x16xf32, #tpu.memory_space<hbm>> -> memref<2600000x16xf32, #tpu.memory_space<hbm>>
      tpu.enqueue_indirect_dma source(%dma_start3A_20 : memref<2600000x16xf32, #tpu.memory_space<hbm>>) target(%dma_start3A_14 : memref<128x16xf32, #tpu.memory_space<vmem>>) offsets(%dma_start3A_17 : memref<128xi32, #tpu.memory_space<vmem>>) semaphore(%arg10 : memref<!tpu.dma_semaphore, #tpu.memory_space<semaphore_mem>>)
      %dma_start3A_21 = arith.constant 0 : i32
      %dma_start3A_22 = tpu.memref_slice %arg8[%add3A_12, %dma_start3A_21] : memref<104x128xf32, #tpu.memory_space<vmem>> -> memref<1x128xf32, #tpu.memory_space<vmem>>
      %dma_start3A_23 = tpu.memref_squeeze %dma_start3A_22 : memref<1x128xf32, #tpu.memory_space<vmem>> -> memref<128xf32, #tpu.memory_space<vmem>>
      %dma_start3A_24 = arith.constant 0 : i32
      %dma_start3A_25 = tpu.memref_slice %arg7[%add3A_12, %dma_start3A_24] : memref<104x128xi32, #tpu.memory_space<vmem>> -> memref<1x128xi32, #tpu.memory_space<vmem>>
      %dma_start3A_26 = tpu.memref_squeeze %dma_start3A_25 : memref<1x128xi32, #tpu.memory_space<vmem>> -> memref<128xi32, #tpu.memory_space<vmem>>
      %dma_start3A_27 = arith.constant 0 : i32
      %dma_start3A_28 = tpu.memref_slice %arg3[%dma_start3A_27] : memref<2600000xf32, #tpu.memory_space<hbm>> -> memref<2600000xf32, #tpu.memory_space<hbm>>
      tpu.enqueue_indirect_dma source(%dma_start3A_28 : memref<2600000xf32, #tpu.memory_space<hbm>>) target(%dma_start3A_23 : memref<128xf32, #tpu.memory_space<vmem>>) offsets(%dma_start3A_26 : memref<128xi32, #tpu.memory_space<vmem>>) semaphore(%arg11 : memref<!tpu.dma_semaphore, #tpu.memory_space<semaphore_mem>>)
      %mul3A_29 = arith.constant 8 : i32
      %mul3A_30 = arith.muli %scan3A_8, %mul3A_29 : i32
      %add3A_31 = arith.constant 1 : i32
      %add3A_32 = arith.addi %mul3A_30, %add3A_31 : i32
      %dma_start3A_33 = arith.constant 128 : i32
      %dma_start3A_34 = arith.constant 0 : i32
      %dma_start3A_35 = tpu.memref_slice %arg9[%dma_start3A_33, %dma_start3A_34] : memref<1024x16xf32, #tpu.memory_space<vmem>> -> memref<128x16xf32, #tpu.memory_space<vmem>>
      %dma_start3A_36 = arith.constant 0 : i32
      %dma_start3A_37 = tpu.memref_slice %arg7[%add3A_32, %dma_start3A_36] : memref<104x128xi32, #tpu.memory_space<vmem>> -> memref<1x128xi32, #tpu.memory_space<vmem>>
      %dma_start3A_38 = tpu.memref_squeeze %dma_start3A_37 : memref<1x128xi32, #tpu.memory_space<vmem>> -> memref<128xi32, #tpu.memory_space<vmem>>
      %dma_start3A_39 = arith.constant 0 : i32
      %dma_start3A_40 = arith.constant 0 : i32
      %dma_start3A_41 = tpu.memref_slice %arg2[%dma_start3A_39, %dma_start3A_40] : memref<2600000x16xf32, #tpu.memory_space<hbm>> -> memref<2600000x16xf32, #tpu.memory_space<hbm>>
      tpu.enqueue_indirect_dma source(%dma_start3A_41 : memref<2600000x16xf32, #tpu.memory_space<hbm>>) target(%dma_start3A_35 : memref<128x16xf32, #tpu.memory_space<vmem>>) offsets(%dma_start3A_38 : memref<128xi32, #tpu.memory_space<vmem>>) semaphore(%arg10 : memref<!tpu.dma_semaphore, #tpu.memory_space<semaphore_mem>>)
      %dma_start3A_42 = arith.constant 0 : i32
      %dma_start3A_43 = tpu.memref_slice %arg8[%add3A_32, %dma_start3A_42] : memref<104x128xf32, #tpu.memory_space<vmem>> -> memref<1x128xf32, #tpu.memory_space<vmem>>
      %dma_start3A_44 = tpu.memref_squeeze %dma_start3A_43 : memref<1x128xf32, #tpu.memory_space<vmem>> -> memref<128xf32, #tpu.memory_space<vmem>>
      %dma_start3A_45 = arith.constant 0 : i32
      %dma_start3A_46 = tpu.memref_slice %arg7[%add3A_32, %dma_start3A_45] : memref<104x128xi32, #tpu.memory_space<vmem>> -> memref<1x128xi32, #tpu.memory_space<vmem>>
      %dma_start3A_47 = tpu.memref_squeeze %dma_start3A_46 : memref<1x128xi32, #tpu.memory_space<vmem>> -> memref<128xi32, #tpu.memory_space<vmem>>
      %dma_start3A_48 = arith.constant 0 : i32
      %dma_start3A_49 = tpu.memref_slice %arg3[%dma_start3A_48] : memref<2600000xf32, #tpu.memory_space<hbm>> -> memref<2600000xf32, #tpu.memory_space<hbm>>
      tpu.enqueue_indirect_dma source(%dma_start3A_49 : memref<2600000xf32, #tpu.memory_space<hbm>>) target(%dma_start3A_44 : memref<128xf32, #tpu.memory_space<vmem>>) offsets(%dma_start3A_47 : memref<128xi32, #tpu.memory_space<vmem>>) semaphore(%arg11 : memref<!tpu.dma_semaphore, #tpu.memory_space<semaphore_mem>>)
      %mul3A_50 = arith.constant 8 : i32
      %mul3A_51 = arith.muli %scan3A_8, %mul3A_50 : i32
      %add3A_52 = arith.constant 2 : i32
      %add3A_53 = arith.addi %mul3A_51, %add3A_52 : i32
      %dma_start3A_54 = arith.constant 256 : i32
      %dma_start3A_55 = arith.constant 0 : i32
      %dma_start3A_56 = tpu.memref_slice %arg9[%dma_start3A_54, %dma_start3A_55] : memref<1024x16xf32, #tpu.memory_space<vmem>> -> memref<128x16xf32, #tpu.memory_space<vmem>>
      %dma_start3A_57 = arith.constant 0 : i32
      %dma_start3A_58 = tpu.memref_slice %arg7[%add3A_53, %dma_start3A_57] : memref<104x128xi32, #tpu.memory_space<vmem>> -> memref<1x128xi32, #tpu.memory_space<vmem>>
      %dma_start3A_59 = tpu.memref_squeeze %dma_start3A_58 : memref<1x128xi32, #tpu.memory_space<vmem>> -> memref<128xi32, #tpu.memory_space<vmem>>
      %dma_start3A_60 = arith.constant 0 : i32
      %dma_start3A_61 = arith.constant 0 : i32
      %dma_start3A_62 = tpu.memref_slice %arg2[%dma_start3A_60, %dma_start3A_61] : memref<2600000x16xf32, #tpu.memory_space<hbm>> -> memref<2600000x16xf32, #tpu.memory_space<hbm>>
      tpu.enqueue_indirect_dma source(%dma_start3A_62 : memref<2600000x16xf32, #tpu.memory_space<hbm>>) target(%dma_start3A_56 : memref<128x16xf32, #tpu.memory_space<vmem>>) offsets(%dma_start3A_59 : memref<128xi32, #tpu.memory_space<vmem>>) semaphore(%arg10 : memref<!tpu.dma_semaphore, #tpu.memory_space<semaphore_mem>>)
      %dma_start3A_63 = arith.constant 0 : i32
      %dma_start3A_64 = tpu.memref_slice %arg8[%add3A_53, %dma_start3A_63] : memref<104x128xf32, #tpu.memory_space<vmem>> -> memref<1x128xf32, #tpu.memory_space<vmem>>
      %dma_start3A_65 = tpu.memref_squeeze %dma_start3A_64 : memref<1x128xf32, #tpu.memory_space<vmem>> -> memref<128xf32, #tpu.memory_space<vmem>>
      %dma_start3A_66 = arith.constant 0 : i32
      %dma_start3A_67 = tpu.memref_slice %arg7[%add3A_53, %dma_start3A_66] : memref<104x128xi32, #tpu.memory_space<vmem>> -> memref<1x128xi32, #tpu.memory_space<vmem>>
      %dma_start3A_68 = tpu.memref_squeeze %dma_start3A_67 : memref<1x128xi32, #tpu.memory_space<vmem>> -> memref<128xi32, #tpu.memory_space<vmem>>
      %dma_start3A_69 = arith.constant 0 : i32
      %dma_start3A_70 = tpu.memref_slice %arg3[%dma_start3A_69] : memref<2600000xf32, #tpu.memory_space<hbm>> -> memref<2600000xf32, #tpu.memory_space<hbm>>
      tpu.enqueue_indirect_dma source(%dma_start3A_70 : memref<2600000xf32, #tpu.memory_space<hbm>>) target(%dma_start3A_65 : memref<128xf32, #tpu.memory_space<vmem>>) offsets(%dma_start3A_68 : memref<128xi32, #tpu.memory_space<vmem>>) semaphore(%arg11 : memref<!tpu.dma_semaphore, #tpu.memory_space<semaphore_mem>>)
      %mul3A_71 = arith.constant 8 : i32
      %mul3A_72 = arith.muli %scan3A_8, %mul3A_71 : i32
      %add3A_73 = arith.constant 3 : i32
      %add3A_74 = arith.addi %mul3A_72, %add3A_73 : i32
      %dma_start3A_75 = arith.constant 384 : i32
      %dma_start3A_76 = arith.constant 0 : i32
      %dma_start3A_77 = tpu.memref_slice %arg9[%dma_start3A_75, %dma_start3A_76] : memref<1024x16xf32, #tpu.memory_space<vmem>> -> memref<128x16xf32, #tpu.memory_space<vmem>>
      %dma_start3A_78 = arith.constant 0 : i32
      %dma_start3A_79 = tpu.memref_slice %arg7[%add3A_74, %dma_start3A_78] : memref<104x128xi32, #tpu.memory_space<vmem>> -> memref<1x128xi32, #tpu.memory_space<vmem>>
      %dma_start3A_80 = tpu.memref_squeeze %dma_start3A_79 : memref<1x128xi32, #tpu.memory_space<vmem>> -> memref<128xi32, #tpu.memory_space<vmem>>
      %dma_start3A_81 = arith.constant 0 : i32
      %dma_start3A_82 = arith.constant 0 : i32
      %dma_start3A_83 = tpu.memref_slice %arg2[%dma_start3A_81, %dma_start3A_82] : memref<2600000x16xf32, #tpu.memory_space<hbm>> -> memref<2600000x16xf32, #tpu.memory_space<hbm>>
      tpu.enqueue_indirect_dma source(%dma_start3A_83 : memref<2600000x16xf32, #tpu.memory_space<hbm>>) target(%dma_start3A_77 : memref<128x16xf32, #tpu.memory_space<vmem>>) offsets(%dma_start3A_80 : memref<128xi32, #tpu.memory_space<vmem>>) semaphore(%arg10 : memref<!tpu.dma_semaphore, #tpu.memory_space<semaphore_mem>>)
      %dma_start3A_84 = arith.constant 0 : i32
      %dma_start3A_85 = tpu.memref_slice %arg8[%add3A_74, %dma_start3A_84] : memref<104x128xf32, #tpu.memory_space<vmem>> -> memref<1x128xf32, #tpu.memory_space<vmem>>
      %dma_start3A_86 = tpu.memref_squeeze %dma_start3A_85 : memref<1x128xf32, #tpu.memory_space<vmem>> -> memref<128xf32, #tpu.memory_space<vmem>>
      %dma_start3A_87 = arith.constant 0 : i32
      %dma_start3A_88 = tpu.memref_slice %arg7[%add3A_74, %dma_start3A_87] : memref<104x128xi32, #tpu.memory_space<vmem>> -> memref<1x128xi32, #tpu.memory_space<vmem>>
      %dma_start3A_89 = tpu.memref_squeeze %dma_start3A_88 : memref<1x128xi32, #tpu.memory_space<vmem>> -> memref<128xi32, #tpu.memory_space<vmem>>
      %dma_start3A_90 = arith.constant 0 : i32
      %dma_start3A_91 = tpu.memref_slice %arg3[%dma_start3A_90] : memref<2600000xf32, #tpu.memory_space<hbm>> -> memref<2600000xf32, #tpu.memory_space<hbm>>
      tpu.enqueue_indirect_dma source(%dma_start3A_91 : memref<2600000xf32, #tpu.memory_space<hbm>>) target(%dma_start3A_86 : memref<128xf32, #tpu.memory_space<vmem>>) offsets(%dma_start3A_89 : memref<128xi32, #tpu.memory_space<vmem>>) semaphore(%arg11 : memref<!tpu.dma_semaphore, #tpu.memory_space<semaphore_mem>>)
      %mul3A_92 = arith.constant 8 : i32
      %mul3A_93 = arith.muli %scan3A_8, %mul3A_92 : i32
      %add3A_94 = arith.constant 4 : i32
      %add3A_95 = arith.addi %mul3A_93, %add3A_94 : i32
      %dma_start3A_96 = arith.constant 512 : i32
      %dma_start3A_97 = arith.constant 0 : i32
      %dma_start3A_98 = tpu.memref_slice %arg9[%dma_start3A_96, %dma_start3A_97] : memref<1024x16xf32, #tpu.memory_space<vmem>> -> memref<128x16xf32, #tpu.memory_space<vmem>>
      %dma_start3A_99 = arith.constant 0 : i32
      %dma_start3A_100 = tpu.memref_slice %arg7[%add3A_95, %dma_start3A_99] : memref<104x128xi32, #tpu.memory_space<vmem>> -> memref<1x128xi32, #tpu.memory_space<vmem>>
      %dma_start3A_101 = tpu.memref_squeeze %dma_start3A_100 : memref<1x128xi32, #tpu.memory_space<vmem>> -> memref<128xi32, #tpu.memory_space<vmem>>
      %dma_start3A_102 = arith.constant 0 : i32
      %dma_start3A_103 = arith.constant 0 : i32
      %dma_start3A_104 = tpu.memref_slice %arg2[%dma_start3A_102, %dma_start3A_103] : memref<2600000x16xf32, #tpu.memory_space<hbm>> -> memref<2600000x16xf32, #tpu.memory_space<hbm>>
      tpu.enqueue_indirect_dma source(%dma_start3A_104 : memref<2600000x16xf32, #tpu.memory_space<hbm>>) target(%dma_start3A_98 : memref<128x16xf32, #tpu.memory_space<vmem>>) offsets(%dma_start3A_101 : memref<128xi32, #tpu.memory_space<vmem>>) semaphore(%arg10 : memref<!tpu.dma_semaphore, #tpu.memory_space<semaphore_mem>>)
      %dma_start3A_105 = arith.constant 0 : i32
      %dma_start3A_106 = tpu.memref_slice %arg8[%add3A_95, %dma_start3A_105] : memref<104x128xf32, #tpu.memory_space<vmem>> -> memref<1x128xf32, #tpu.memory_space<vmem>>
      %dma_start3A_107 = tpu.memref_squeeze %dma_start3A_106 : memref<1x128xf32, #tpu.memory_space<vmem>> -> memref<128xf32, #tpu.memory_space<vmem>>
      %dma_start3A_108 = arith.constant 0 : i32
      %dma_start3A_109 = tpu.memref_slice %arg7[%add3A_95, %dma_start3A_108] : memref<104x128xi32, #tpu.memory_space<vmem>> -> memref<1x128xi32, #tpu.memory_space<vmem>>
      %dma_start3A_110 = tpu.memref_squeeze %dma_start3A_109 : memref<1x128xi32, #tpu.memory_space<vmem>> -> memref<128xi32, #tpu.memory_space<vmem>>
      %dma_start3A_111 = arith.constant 0 : i32
      %dma_start3A_112 = tpu.memref_slice %arg3[%dma_start3A_111] : memref<2600000xf32, #tpu.memory_space<hbm>> -> memref<2600000xf32, #tpu.memory_space<hbm>>
      tpu.enqueue_indirect_dma source(%dma_start3A_112 : memref<2600000xf32, #tpu.memory_space<hbm>>) target(%dma_start3A_107 : memref<128xf32, #tpu.memory_space<vmem>>) offsets(%dma_start3A_110 : memref<128xi32, #tpu.memory_space<vmem>>) semaphore(%arg11 : memref<!tpu.dma_semaphore, #tpu.memory_space<semaphore_mem>>)
      %mul3A_113 = arith.constant 8 : i32
      %mul3A_114 = arith.muli %scan3A_8, %mul3A_113 : i32
      %add3A_115 = arith.constant 5 : i32
      %add3A_116 = arith.addi %mul3A_114, %add3A_115 : i32
      %dma_start3A_117 = arith.constant 640 : i32
      %dma_start3A_118 = arith.constant 0 : i32
      %dma_start3A_119 = tpu.memref_slice %arg9[%dma_start3A_117, %dma_start3A_118] : memref<1024x16xf32, #tpu.memory_space<vmem>> -> memref<128x16xf32, #tpu.memory_space<vmem>>
      %dma_start3A_120 = arith.constant 0 : i32
      %dma_start3A_121 = tpu.memref_slice %arg7[%add3A_116, %dma_start3A_120] : memref<104x128xi32, #tpu.memory_space<vmem>> -> memref<1x128xi32, #tpu.memory_space<vmem>>
      %dma_start3A_122 = tpu.memref_squeeze %dma_start3A_121 : memref<1x128xi32, #tpu.memory_space<vmem>> -> memref<128xi32, #tpu.memory_space<vmem>>
      %dma_start3A_123 = arith.constant 0 : i32
      %dma_start3A_124 = arith.constant 0 : i32
      %dma_start3A_125 = tpu.memref_slice %arg2[%dma_start3A_123, %dma_start3A_124] : memref<2600000x16xf32, #tpu.memory_space<hbm>> -> memref<2600000x16xf32, #tpu.memory_space<hbm>>
      tpu.enqueue_indirect_dma source(%dma_start3A_125 : memref<2600000x16xf32, #tpu.memory_space<hbm>>) target(%dma_start3A_119 : memref<128x16xf32, #tpu.memory_space<vmem>>) offsets(%dma_start3A_122 : memref<128xi32, #tpu.memory_space<vmem>>) semaphore(%arg10 : memref<!tpu.dma_semaphore, #tpu.memory_space<semaphore_mem>>)
      %dma_start3A_126 = arith.constant 0 : i32
      %dma_start3A_127 = tpu.memref_slice %arg8[%add3A_116, %dma_start3A_126] : memref<104x128xf32, #tpu.memory_space<vmem>> -> memref<1x128xf32, #tpu.memory_space<vmem>>
      %dma_start3A_128 = tpu.memref_squeeze %dma_start3A_127 : memref<1x128xf32, #tpu.memory_space<vmem>> -> memref<128xf32, #tpu.memory_space<vmem>>
      %dma_start3A_129 = arith.constant 0 : i32
      %dma_start3A_130 = tpu.memref_slice %arg7[%add3A_116, %dma_start3A_129] : memref<104x128xi32, #tpu.memory_space<vmem>> -> memref<1x128xi32, #tpu.memory_space<vmem>>
      %dma_start3A_131 = tpu.memref_squeeze %dma_start3A_130 : memref<1x128xi32, #tpu.memory_space<vmem>> -> memref<128xi32, #tpu.memory_space<vmem>>
      %dma_start3A_132 = arith.constant 0 : i32
      %dma_start3A_133 = tpu.memref_slice %arg3[%dma_start3A_132] : memref<2600000xf32, #tpu.memory_space<hbm>> -> memref<2600000xf32, #tpu.memory_space<hbm>>
      tpu.enqueue_indirect_dma source(%dma_start3A_133 : memref<2600000xf32, #tpu.memory_space<hbm>>) target(%dma_start3A_128 : memref<128xf32, #tpu.memory_space<vmem>>) offsets(%dma_start3A_131 : memref<128xi32, #tpu.memory_space<vmem>>) semaphore(%arg11 : memref<!tpu.dma_semaphore, #tpu.memory_space<semaphore_mem>>)
      %mul3A_134 = arith.constant 8 : i32
      %mul3A_135 = arith.muli %scan3A_8, %mul3A_134 : i32
      %add3A_136 = arith.constant 6 : i32
      %add3A_137 = arith.addi %mul3A_135, %add3A_136 : i32
      %dma_start3A_138 = arith.constant 768 : i32
      %dma_start3A_139 = arith.constant 0 : i32
      %dma_start3A_140 = tpu.memref_slice %arg9[%dma_start3A_138, %dma_start3A_139] : memref<1024x16xf32, #tpu.memory_space<vmem>> -> memref<128x16xf32, #tpu.memory_space<vmem>>
      %dma_start3A_141 = arith.constant 0 : i32
      %dma_start3A_142 = tpu.memref_slice %arg7[%add3A_137, %dma_start3A_141] : memref<104x128xi32, #tpu.memory_space<vmem>> -> memref<1x128xi32, #tpu.memory_space<vmem>>
      %dma_start3A_143 = tpu.memref_squeeze %dma_start3A_142 : memref<1x128xi32, #tpu.memory_space<vmem>> -> memref<128xi32, #tpu.memory_space<vmem>>
      %dma_start3A_144 = arith.constant 0 : i32
      %dma_start3A_145 = arith.constant 0 : i32
      %dma_start3A_146 = tpu.memref_slice %arg2[%dma_start3A_144, %dma_start3A_145] : memref<2600000x16xf32, #tpu.memory_space<hbm>> -> memref<2600000x16xf32, #tpu.memory_space<hbm>>
      tpu.enqueue_indirect_dma source(%dma_start3A_146 : memref<2600000x16xf32, #tpu.memory_space<hbm>>) target(%dma_start3A_140 : memref<128x16xf32, #tpu.memory_space<vmem>>) offsets(%dma_start3A_143 : memref<128xi32, #tpu.memory_space<vmem>>) semaphore(%arg10 : memref<!tpu.dma_semaphore, #tpu.memory_space<semaphore_mem>>)
      %dma_start3A_147 = arith.constant 0 : i32
      %dma_start3A_148 = tpu.memref_slice %arg8[%add3A_137, %dma_start3A_147] : memref<104x128xf32, #tpu.memory_space<vmem>> -> memref<1x128xf32, #tpu.memory_space<vmem>>
      %dma_start3A_149 = tpu.memref_squeeze %dma_start3A_148 : memref<1x128xf32, #tpu.memory_space<vmem>> -> memref<128xf32, #tpu.memory_space<vmem>>
      %dma_start3A_150 = arith.constant 0 : i32
      %dma_start3A_151 = tpu.memref_slice %arg7[%add3A_137, %dma_start3A_150] : memref<104x128xi32, #tpu.memory_space<vmem>> -> memref<1x128xi32, #tpu.memory_space<vmem>>
      %dma_start3A_152 = tpu.memref_squeeze %dma_start3A_151 : memref<1x128xi32, #tpu.memory_space<vmem>> -> memref<128xi32, #tpu.memory_space<vmem>>
      %dma_start3A_153 = arith.constant 0 : i32
      %dma_start3A_154 = tpu.memref_slice %arg3[%dma_start3A_153] : memref<2600000xf32, #tpu.memory_space<hbm>> -> memref<2600000xf32, #tpu.memory_space<hbm>>
      tpu.enqueue_indirect_dma source(%dma_start3A_154 : memref<2600000xf32, #tpu.memory_space<hbm>>) target(%dma_start3A_149 : memref<128xf32, #tpu.memory_space<vmem>>) offsets(%dma_start3A_152 : memref<128xi32, #tpu.memory_space<vmem>>) semaphore(%arg11 : memref<!tpu.dma_semaphore, #tpu.memory_space<semaphore_mem>>)
      %mul3A_155 = arith.constant 8 : i32
      %mul3A_156 = arith.muli %scan3A_8, %mul3A_155 : i32
      %add3A_157 = arith.constant 7 : i32
      %add3A_158 = arith.addi %mul3A_156, %add3A_157 : i32
      %dma_start3A_159 = arith.constant 896 : i32
      %dma_start3A_160 = arith.constant 0 : i32
      %dma_start3A_161 = tpu.memref_slice %arg9[%dma_start3A_159, %dma_start3A_160] : memref<1024x16xf32, #tpu.memory_space<vmem>> -> memref<128x16xf32, #tpu.memory_space<vmem>>
      %dma_start3A_162 = arith.constant 0 : i32
      %dma_start3A_163 = tpu.memref_slice %arg7[%add3A_158, %dma_start3A_162] : memref<104x128xi32, #tpu.memory_space<vmem>> -> memref<1x128xi32, #tpu.memory_space<vmem>>
      %dma_start3A_164 = tpu.memref_squeeze %dma_start3A_163 : memref<1x128xi32, #tpu.memory_space<vmem>> -> memref<128xi32, #tpu.memory_space<vmem>>
      %dma_start3A_165 = arith.constant 0 : i32
      %dma_start3A_166 = arith.constant 0 : i32
      %dma_start3A_167 = tpu.memref_slice %arg2[%dma_start3A_165, %dma_start3A_166] : memref<2600000x16xf32, #tpu.memory_space<hbm>> -> memref<2600000x16xf32, #tpu.memory_space<hbm>>
      tpu.enqueue_indirect_dma source(%dma_start3A_167 : memref<2600000x16xf32, #tpu.memory_space<hbm>>) target(%dma_start3A_161 : memref<128x16xf32, #tpu.memory_space<vmem>>) offsets(%dma_start3A_164 : memref<128xi32, #tpu.memory_space<vmem>>) semaphore(%arg10 : memref<!tpu.dma_semaphore, #tpu.memory_space<semaphore_mem>>)
      %dma_start3A_168 = arith.constant 0 : i32
      %dma_start3A_169 = tpu.memref_slice %arg8[%add3A_158, %dma_start3A_168] : memref<104x128xf32, #tpu.memory_space<vmem>> -> memref<1x128xf32, #tpu.memory_space<vmem>>
      %dma_start3A_170 = tpu.memref_squeeze %dma_start3A_169 : memref<1x128xf32, #tpu.memory_space<vmem>> -> memref<128xf32, #tpu.memory_space<vmem>>
      %dma_start3A_171 = arith.constant 0 : i32
      %dma_start3A_172 = tpu.memref_slice %arg7[%add3A_158, %dma_start3A_171] : memref<104x128xi32, #tpu.memory_space<vmem>> -> memref<1x128xi32, #tpu.memory_space<vmem>>
      %dma_start3A_173 = tpu.memref_squeeze %dma_start3A_172 : memref<1x128xi32, #tpu.memory_space<vmem>> -> memref<128xi32, #tpu.memory_space<vmem>>
      %dma_start3A_174 = arith.constant 0 : i32
      %dma_start3A_175 = tpu.memref_slice %arg3[%dma_start3A_174] : memref<2600000xf32, #tpu.memory_space<hbm>> -> memref<2600000xf32, #tpu.memory_space<hbm>>
      tpu.enqueue_indirect_dma source(%dma_start3A_175 : memref<2600000xf32, #tpu.memory_space<hbm>>) target(%dma_start3A_170 : memref<128xf32, #tpu.memory_space<vmem>>) offsets(%dma_start3A_173 : memref<128xi32, #tpu.memory_space<vmem>>) semaphore(%arg11 : memref<!tpu.dma_semaphore, #tpu.memory_space<semaphore_mem>>)
      %dma_wait3A = arith.constant 0 : i32
      %dma_wait3A_176 = arith.constant 0 : i32
      %dma_wait3A_177 = tpu.memref_slice %arg9[%dma_wait3A, %dma_wait3A_176] : memref<1024x16xf32, #tpu.memory_space<vmem>> -> memref<128x16xf32, #tpu.memory_space<vmem>>
      %dma_wait3A_178 = arith.constant 0 : i32
      %dma_wait3A_179 = tpu.memref_slice %arg7[%add3A_12, %dma_wait3A_178] : memref<104x128xi32, #tpu.memory_space<vmem>> -> memref<1x128xi32, #tpu.memory_space<vmem>>
      %dma_wait3A_180 = tpu.memref_squeeze %dma_wait3A_179 : memref<1x128xi32, #tpu.memory_space<vmem>> -> memref<128xi32, #tpu.memory_space<vmem>>
      %dma_wait3A_181 = arith.constant 0 : i32
      %dma_wait3A_182 = arith.constant 0 : i32
      %dma_wait3A_183 = tpu.memref_slice %arg2[%dma_wait3A_181, %dma_wait3A_182] : memref<2600000x16xf32, #tpu.memory_space<hbm>> -> memref<2600000x16xf32, #tpu.memory_space<hbm>>
      tpu.wait_indirect_dma semaphore(%arg10 : memref<!tpu.dma_semaphore, #tpu.memory_space<semaphore_mem>>) src(%dma_wait3A_183 : memref<2600000x16xf32, #tpu.memory_space<hbm>>) dst(%dma_wait3A_177 : memref<128x16xf32, #tpu.memory_space<vmem>>)
      %dma_wait3A_184 = arith.constant 0 : i32
      %dma_wait3A_185 = tpu.memref_slice %arg8[%add3A_12, %dma_wait3A_184] : memref<104x128xf32, #tpu.memory_space<vmem>> -> memref<1x128xf32, #tpu.memory_space<vmem>>
      %dma_wait3A_186 = tpu.memref_squeeze %dma_wait3A_185 : memref<1x128xf32, #tpu.memory_space<vmem>> -> memref<128xf32, #tpu.memory_space<vmem>>
      %dma_wait3A_187 = arith.constant 0 : i32
      %dma_wait3A_188 = tpu.memref_slice %arg7[%add3A_12, %dma_wait3A_187] : memref<104x128xi32, #tpu.memory_space<vmem>> -> memref<1x128xi32, #tpu.memory_space<vmem>>
      %dma_wait3A_189 = tpu.memref_squeeze %dma_wait3A_188 : memref<1x128xi32, #tpu.memory_space<vmem>> -> memref<128xi32, #tpu.memory_space<vmem>>
      %dma_wait3A_190 = arith.constant 0 : i32
      %dma_wait3A_191 = tpu.memref_slice %arg3[%dma_wait3A_190] : memref<2600000xf32, #tpu.memory_space<hbm>> -> memref<2600000xf32, #tpu.memory_space<hbm>>
      tpu.wait_indirect_dma semaphore(%arg11 : memref<!tpu.dma_semaphore, #tpu.memory_space<semaphore_mem>>) src(%dma_wait3A_191 : memref<2600000xf32, #tpu.memory_space<hbm>>) dst(%dma_wait3A_186 : memref<128xf32, #tpu.memory_space<vmem>>)
      %dma_wait3A_192 = arith.constant 128 : i32
      %dma_wait3A_193 = arith.constant 0 : i32
      %dma_wait3A_194 = tpu.memref_slice %arg9[%dma_wait3A_192, %dma_wait3A_193] : memref<1024x16xf32, #tpu.memory_space<vmem>> -> memref<128x16xf32, #tpu.memory_space<vmem>>
      %dma_wait3A_195 = arith.constant 0 : i32
      %dma_wait3A_196 = tpu.memref_slice %arg7[%add3A_32, %dma_wait3A_195] : memref<104x128xi32, #tpu.memory_space<vmem>> -> memref<1x128xi32, #tpu.memory_space<vmem>>
      %dma_wait3A_197 = tpu.memref_squeeze %dma_wait3A_196 : memref<1x128xi32, #tpu.memory_space<vmem>> -> memref<128xi32, #tpu.memory_space<vmem>>
      %dma_wait3A_198 = arith.constant 0 : i32
      %dma_wait3A_199 = arith.constant 0 : i32
      %dma_wait3A_200 = tpu.memref_slice %arg2[%dma_wait3A_198, %dma_wait3A_199] : memref<2600000x16xf32, #tpu.memory_space<hbm>> -> memref<2600000x16xf32, #tpu.memory_space<hbm>>
      tpu.wait_indirect_dma semaphore(%arg10 : memref<!tpu.dma_semaphore, #tpu.memory_space<semaphore_mem>>) src(%dma_wait3A_200 : memref<2600000x16xf32, #tpu.memory_space<hbm>>) dst(%dma_wait3A_194 : memref<128x16xf32, #tpu.memory_space<vmem>>)
      %dma_wait3A_201 = arith.constant 0 : i32
      %dma_wait3A_202 = tpu.memref_slice %arg8[%add3A_32, %dma_wait3A_201] : memref<104x128xf32, #tpu.memory_space<vmem>> -> memref<1x128xf32, #tpu.memory_space<vmem>>
      %dma_wait3A_203 = tpu.memref_squeeze %dma_wait3A_202 : memref<1x128xf32, #tpu.memory_space<vmem>> -> memref<128xf32, #tpu.memory_space<vmem>>
      %dma_wait3A_204 = arith.constant 0 : i32
      %dma_wait3A_205 = tpu.memref_slice %arg7[%add3A_32, %dma_wait3A_204] : memref<104x128xi32, #tpu.memory_space<vmem>> -> memref<1x128xi32, #tpu.memory_space<vmem>>
      %dma_wait3A_206 = tpu.memref_squeeze %dma_wait3A_205 : memref<1x128xi32, #tpu.memory_space<vmem>> -> memref<128xi32, #tpu.memory_space<vmem>>
      %dma_wait3A_207 = arith.constant 0 : i32
      %dma_wait3A_208 = tpu.memref_slice %arg3[%dma_wait3A_207] : memref<2600000xf32, #tpu.memory_space<hbm>> -> memref<2600000xf32, #tpu.memory_space<hbm>>
      tpu.wait_indirect_dma semaphore(%arg11 : memref<!tpu.dma_semaphore, #tpu.memory_space<semaphore_mem>>) src(%dma_wait3A_208 : memref<2600000xf32, #tpu.memory_space<hbm>>) dst(%dma_wait3A_203 : memref<128xf32, #tpu.memory_space<vmem>>)
      %dma_wait3A_209 = arith.constant 256 : i32
      %dma_wait3A_210 = arith.constant 0 : i32
      %dma_wait3A_211 = tpu.memref_slice %arg9[%dma_wait3A_209, %dma_wait3A_210] : memref<1024x16xf32, #tpu.memory_space<vmem>> -> memref<128x16xf32, #tpu.memory_space<vmem>>
      %dma_wait3A_212 = arith.constant 0 : i32
      %dma_wait3A_213 = tpu.memref_slice %arg7[%add3A_53, %dma_wait3A_212] : memref<104x128xi32, #tpu.memory_space<vmem>> -> memref<1x128xi32, #tpu.memory_space<vmem>>
      %dma_wait3A_214 = tpu.memref_squeeze %dma_wait3A_213 : memref<1x128xi32, #tpu.memory_space<vmem>> -> memref<128xi32, #tpu.memory_space<vmem>>
      %dma_wait3A_215 = arith.constant 0 : i32
      %dma_wait3A_216 = arith.constant 0 : i32
      %dma_wait3A_217 = tpu.memref_slice %arg2[%dma_wait3A_215, %dma_wait3A_216] : memref<2600000x16xf32, #tpu.memory_space<hbm>> -> memref<2600000x16xf32, #tpu.memory_space<hbm>>
      tpu.wait_indirect_dma semaphore(%arg10 : memref<!tpu.dma_semaphore, #tpu.memory_space<semaphore_mem>>) src(%dma_wait3A_217 : memref<2600000x16xf32, #tpu.memory_space<hbm>>) dst(%dma_wait3A_211 : memref<128x16xf32, #tpu.memory_space<vmem>>)
      %dma_wait3A_218 = arith.constant 0 : i32
      %dma_wait3A_219 = tpu.memref_slice %arg8[%add3A_53, %dma_wait3A_218] : memref<104x128xf32, #tpu.memory_space<vmem>> -> memref<1x128xf32, #tpu.memory_space<vmem>>
      %dma_wait3A_220 = tpu.memref_squeeze %dma_wait3A_219 : memref<1x128xf32, #tpu.memory_space<vmem>> -> memref<128xf32, #tpu.memory_space<vmem>>
      %dma_wait3A_221 = arith.constant 0 : i32
      %dma_wait3A_222 = tpu.memref_slice %arg7[%add3A_53, %dma_wait3A_221] : memref<104x128xi32, #tpu.memory_space<vmem>> -> memref<1x128xi32, #tpu.memory_space<vmem>>
      %dma_wait3A_223 = tpu.memref_squeeze %dma_wait3A_222 : memref<1x128xi32, #tpu.memory_space<vmem>> -> memref<128xi32, #tpu.memory_space<vmem>>
      %dma_wait3A_224 = arith.constant 0 : i32
      %dma_wait3A_225 = tpu.memref_slice %arg3[%dma_wait3A_224] : memref<2600000xf32, #tpu.memory_space<hbm>> -> memref<2600000xf32, #tpu.memory_space<hbm>>
      tpu.wait_indirect_dma semaphore(%arg11 : memref<!tpu.dma_semaphore, #tpu.memory_space<semaphore_mem>>) src(%dma_wait3A_225 : memref<2600000xf32, #tpu.memory_space<hbm>>) dst(%dma_wait3A_220 : memref<128xf32, #tpu.memory_space<vmem>>)
      %dma_wait3A_226 = arith.constant 384 : i32
      %dma_wait3A_227 = arith.constant 0 : i32
      %dma_wait3A_228 = tpu.memref_slice %arg9[%dma_wait3A_226, %dma_wait3A_227] : memref<1024x16xf32, #tpu.memory_space<vmem>> -> memref<128x16xf32, #tpu.memory_space<vmem>>
      %dma_wait3A_229 = arith.constant 0 : i32
      %dma_wait3A_230 = tpu.memref_slice %arg7[%add3A_74, %dma_wait3A_229] : memref<104x128xi32, #tpu.memory_space<vmem>> -> memref<1x128xi32, #tpu.memory_space<vmem>>
      %dma_wait3A_231 = tpu.memref_squeeze %dma_wait3A_230 : memref<1x128xi32, #tpu.memory_space<vmem>> -> memref<128xi32, #tpu.memory_space<vmem>>
      %dma_wait3A_232 = arith.constant 0 : i32
      %dma_wait3A_233 = arith.constant 0 : i32
      %dma_wait3A_234 = tpu.memref_slice %arg2[%dma_wait3A_232, %dma_wait3A_233] : memref<2600000x16xf32, #tpu.memory_space<hbm>> -> memref<2600000x16xf32, #tpu.memory_space<hbm>>
      tpu.wait_indirect_dma semaphore(%arg10 : memref<!tpu.dma_semaphore, #tpu.memory_space<semaphore_mem>>) src(%dma_wait3A_234 : memref<2600000x16xf32, #tpu.memory_space<hbm>>) dst(%dma_wait3A_228 : memref<128x16xf32, #tpu.memory_space<vmem>>)
      %dma_wait3A_235 = arith.constant 0 : i32
      %dma_wait3A_236 = tpu.memref_slice %arg8[%add3A_74, %dma_wait3A_235] : memref<104x128xf32, #tpu.memory_space<vmem>> -> memref<1x128xf32, #tpu.memory_space<vmem>>
      %dma_wait3A_237 = tpu.memref_squeeze %dma_wait3A_236 : memref<1x128xf32, #tpu.memory_space<vmem>> -> memref<128xf32, #tpu.memory_space<vmem>>
      %dma_wait3A_238 = arith.constant 0 : i32
      %dma_wait3A_239 = tpu.memref_slice %arg7[%add3A_74, %dma_wait3A_238] : memref<104x128xi32, #tpu.memory_space<vmem>> -> memref<1x128xi32, #tpu.memory_space<vmem>>
      %dma_wait3A_240 = tpu.memref_squeeze %dma_wait3A_239 : memref<1x128xi32, #tpu.memory_space<vmem>> -> memref<128xi32, #tpu.memory_space<vmem>>
      %dma_wait3A_241 = arith.constant 0 : i32
      %dma_wait3A_242 = tpu.memref_slice %arg3[%dma_wait3A_241] : memref<2600000xf32, #tpu.memory_space<hbm>> -> memref<2600000xf32, #tpu.memory_space<hbm>>
      tpu.wait_indirect_dma semaphore(%arg11 : memref<!tpu.dma_semaphore, #tpu.memory_space<semaphore_mem>>) src(%dma_wait3A_242 : memref<2600000xf32, #tpu.memory_space<hbm>>) dst(%dma_wait3A_237 : memref<128xf32, #tpu.memory_space<vmem>>)
      %dma_wait3A_243 = arith.constant 512 : i32
      %dma_wait3A_244 = arith.constant 0 : i32
      %dma_wait3A_245 = tpu.memref_slice %arg9[%dma_wait3A_243, %dma_wait3A_244] : memref<1024x16xf32, #tpu.memory_space<vmem>> -> memref<128x16xf32, #tpu.memory_space<vmem>>
      %dma_wait3A_246 = arith.constant 0 : i32
      %dma_wait3A_247 = tpu.memref_slice %arg7[%add3A_95, %dma_wait3A_246] : memref<104x128xi32, #tpu.memory_space<vmem>> -> memref<1x128xi32, #tpu.memory_space<vmem>>
      %dma_wait3A_248 = tpu.memref_squeeze %dma_wait3A_247 : memref<1x128xi32, #tpu.memory_space<vmem>> -> memref<128xi32, #tpu.memory_space<vmem>>
      %dma_wait3A_249 = arith.constant 0 : i32
      %dma_wait3A_250 = arith.constant 0 : i32
      %dma_wait3A_251 = tpu.memref_slice %arg2[%dma_wait3A_249, %dma_wait3A_250] : memref<2600000x16xf32, #tpu.memory_space<hbm>> -> memref<2600000x16xf32, #tpu.memory_space<hbm>>
      tpu.wait_indirect_dma semaphore(%arg10 : memref<!tpu.dma_semaphore, #tpu.memory_space<semaphore_mem>>) src(%dma_wait3A_251 : memref<2600000x16xf32, #tpu.memory_space<hbm>>) dst(%dma_wait3A_245 : memref<128x16xf32, #tpu.memory_space<vmem>>)
      %dma_wait3A_252 = arith.constant 0 : i32
      %dma_wait3A_253 = tpu.memref_slice %arg8[%add3A_95, %dma_wait3A_252] : memref<104x128xf32, #tpu.memory_space<vmem>> -> memref<1x128xf32, #tpu.memory_space<vmem>>
      %dma_wait3A_254 = tpu.memref_squeeze %dma_wait3A_253 : memref<1x128xf32, #tpu.memory_space<vmem>> -> memref<128xf32, #tpu.memory_space<vmem>>
      %dma_wait3A_255 = arith.constant 0 : i32
      %dma_wait3A_256 = tpu.memref_slice %arg7[%add3A_95, %dma_wait3A_255] : memref<104x128xi32, #tpu.memory_space<vmem>> -> memref<1x128xi32, #tpu.memory_space<vmem>>
      %dma_wait3A_257 = tpu.memref_squeeze %dma_wait3A_256 : memref<1x128xi32, #tpu.memory_space<vmem>> -> memref<128xi32, #tpu.memory_space<vmem>>
      %dma_wait3A_258 = arith.constant 0 : i32
      %dma_wait3A_259 = tpu.memref_slice %arg3[%dma_wait3A_258] : memref<2600000xf32, #tpu.memory_space<hbm>> -> memref<2600000xf32, #tpu.memory_space<hbm>>
      tpu.wait_indirect_dma semaphore(%arg11 : memref<!tpu.dma_semaphore, #tpu.memory_space<semaphore_mem>>) src(%dma_wait3A_259 : memref<2600000xf32, #tpu.memory_space<hbm>>) dst(%dma_wait3A_254 : memref<128xf32, #tpu.memory_space<vmem>>)
      %dma_wait3A_260 = arith.constant 640 : i32
      %dma_wait3A_261 = arith.constant 0 : i32
      %dma_wait3A_262 = tpu.memref_slice %arg9[%dma_wait3A_260, %dma_wait3A_261] : memref<1024x16xf32, #tpu.memory_space<vmem>> -> memref<128x16xf32, #tpu.memory_space<vmem>>
      %dma_wait3A_263 = arith.constant 0 : i32
      %dma_wait3A_264 = tpu.memref_slice %arg7[%add3A_116, %dma_wait3A_263] : memref<104x128xi32, #tpu.memory_space<vmem>> -> memref<1x128xi32, #tpu.memory_space<vmem>>
      %dma_wait3A_265 = tpu.memref_squeeze %dma_wait3A_264 : memref<1x128xi32, #tpu.memory_space<vmem>> -> memref<128xi32, #tpu.memory_space<vmem>>
      %dma_wait3A_266 = arith.constant 0 : i32
      %dma_wait3A_267 = arith.constant 0 : i32
      %dma_wait3A_268 = tpu.memref_slice %arg2[%dma_wait3A_266, %dma_wait3A_267] : memref<2600000x16xf32, #tpu.memory_space<hbm>> -> memref<2600000x16xf32, #tpu.memory_space<hbm>>
      tpu.wait_indirect_dma semaphore(%arg10 : memref<!tpu.dma_semaphore, #tpu.memory_space<semaphore_mem>>) src(%dma_wait3A_268 : memref<2600000x16xf32, #tpu.memory_space<hbm>>) dst(%dma_wait3A_262 : memref<128x16xf32, #tpu.memory_space<vmem>>)
      %dma_wait3A_269 = arith.constant 0 : i32
      %dma_wait3A_270 = tpu.memref_slice %arg8[%add3A_116, %dma_wait3A_269] : memref<104x128xf32, #tpu.memory_space<vmem>> -> memref<1x128xf32, #tpu.memory_space<vmem>>
      %dma_wait3A_271 = tpu.memref_squeeze %dma_wait3A_270 : memref<1x128xf32, #tpu.memory_space<vmem>> -> memref<128xf32, #tpu.memory_space<vmem>>
      %dma_wait3A_272 = arith.constant 0 : i32
      %dma_wait3A_273 = tpu.memref_slice %arg7[%add3A_116, %dma_wait3A_272] : memref<104x128xi32, #tpu.memory_space<vmem>> -> memref<1x128xi32, #tpu.memory_space<vmem>>
      %dma_wait3A_274 = tpu.memref_squeeze %dma_wait3A_273 : memref<1x128xi32, #tpu.memory_space<vmem>> -> memref<128xi32, #tpu.memory_space<vmem>>
      %dma_wait3A_275 = arith.constant 0 : i32
      %dma_wait3A_276 = tpu.memref_slice %arg3[%dma_wait3A_275] : memref<2600000xf32, #tpu.memory_space<hbm>> -> memref<2600000xf32, #tpu.memory_space<hbm>>
      tpu.wait_indirect_dma semaphore(%arg11 : memref<!tpu.dma_semaphore, #tpu.memory_space<semaphore_mem>>) src(%dma_wait3A_276 : memref<2600000xf32, #tpu.memory_space<hbm>>) dst(%dma_wait3A_271 : memref<128xf32, #tpu.memory_space<vmem>>)
      %dma_wait3A_277 = arith.constant 768 : i32
      %dma_wait3A_278 = arith.constant 0 : i32
      %dma_wait3A_279 = tpu.memref_slice %arg9[%dma_wait3A_277, %dma_wait3A_278] : memref<1024x16xf32, #tpu.memory_space<vmem>> -> memref<128x16xf32, #tpu.memory_space<vmem>>
      %dma_wait3A_280 = arith.constant 0 : i32
      %dma_wait3A_281 = tpu.memref_slice %arg7[%add3A_137, %dma_wait3A_280] : memref<104x128xi32, #tpu.memory_space<vmem>> -> memref<1x128xi32, #tpu.memory_space<vmem>>
      %dma_wait3A_282 = tpu.memref_squeeze %dma_wait3A_281 : memref<1x128xi32, #tpu.memory_space<vmem>> -> memref<128xi32, #tpu.memory_space<vmem>>
      %dma_wait3A_283 = arith.constant 0 : i32
      %dma_wait3A_284 = arith.constant 0 : i32
      %dma_wait3A_285 = tpu.memref_slice %arg2[%dma_wait3A_283, %dma_wait3A_284] : memref<2600000x16xf32, #tpu.memory_space<hbm>> -> memref<2600000x16xf32, #tpu.memory_space<hbm>>
      tpu.wait_indirect_dma semaphore(%arg10 : memref<!tpu.dma_semaphore, #tpu.memory_space<semaphore_mem>>) src(%dma_wait3A_285 : memref<2600000x16xf32, #tpu.memory_space<hbm>>) dst(%dma_wait3A_279 : memref<128x16xf32, #tpu.memory_space<vmem>>)
      %dma_wait3A_286 = arith.constant 0 : i32
      %dma_wait3A_287 = tpu.memref_slice %arg8[%add3A_137, %dma_wait3A_286] : memref<104x128xf32, #tpu.memory_space<vmem>> -> memref<1x128xf32, #tpu.memory_space<vmem>>
      %dma_wait3A_288 = tpu.memref_squeeze %dma_wait3A_287 : memref<1x128xf32, #tpu.memory_space<vmem>> -> memref<128xf32, #tpu.memory_space<vmem>>
      %dma_wait3A_289 = arith.constant 0 : i32
      %dma_wait3A_290 = tpu.memref_slice %arg7[%add3A_137, %dma_wait3A_289] : memref<104x128xi32, #tpu.memory_space<vmem>> -> memref<1x128xi32, #tpu.memory_space<vmem>>
      %dma_wait3A_291 = tpu.memref_squeeze %dma_wait3A_290 : memref<1x128xi32, #tpu.memory_space<vmem>> -> memref<128xi32, #tpu.memory_space<vmem>>
      %dma_wait3A_292 = arith.constant 0 : i32
      %dma_wait3A_293 = tpu.memref_slice %arg3[%dma_wait3A_292] : memref<2600000xf32, #tpu.memory_space<hbm>> -> memref<2600000xf32, #tpu.memory_space<hbm>>
      tpu.wait_indirect_dma semaphore(%arg11 : memref<!tpu.dma_semaphore, #tpu.memory_space<semaphore_mem>>) src(%dma_wait3A_293 : memref<2600000xf32, #tpu.memory_space<hbm>>) dst(%dma_wait3A_288 : memref<128xf32, #tpu.memory_space<vmem>>)
      %dma_wait3A_294 = arith.constant 896 : i32
      %dma_wait3A_295 = arith.constant 0 : i32
      %dma_wait3A_296 = tpu.memref_slice %arg9[%dma_wait3A_294, %dma_wait3A_295] : memref<1024x16xf32, #tpu.memory_space<vmem>> -> memref<128x16xf32, #tpu.memory_space<vmem>>
      %dma_wait3A_297 = arith.constant 0 : i32
      %dma_wait3A_298 = tpu.memref_slice %arg7[%add3A_158, %dma_wait3A_297] : memref<104x128xi32, #tpu.memory_space<vmem>> -> memref<1x128xi32, #tpu.memory_space<vmem>>
      %dma_wait3A_299 = tpu.memref_squeeze %dma_wait3A_298 : memref<1x128xi32, #tpu.memory_space<vmem>> -> memref<128xi32, #tpu.memory_space<vmem>>
      %dma_wait3A_300 = arith.constant 0 : i32
      %dma_wait3A_301 = arith.constant 0 : i32
      %dma_wait3A_302 = tpu.memref_slice %arg2[%dma_wait3A_300, %dma_wait3A_301] : memref<2600000x16xf32, #tpu.memory_space<hbm>> -> memref<2600000x16xf32, #tpu.memory_space<hbm>>
      tpu.wait_indirect_dma semaphore(%arg10 : memref<!tpu.dma_semaphore, #tpu.memory_space<semaphore_mem>>) src(%dma_wait3A_302 : memref<2600000x16xf32, #tpu.memory_space<hbm>>) dst(%dma_wait3A_296 : memref<128x16xf32, #tpu.memory_space<vmem>>)
      %dma_wait3A_303 = arith.constant 0 : i32
      %dma_wait3A_304 = tpu.memref_slice %arg8[%add3A_158, %dma_wait3A_303] : memref<104x128xf32, #tpu.memory_space<vmem>> -> memref<1x128xf32, #tpu.memory_space<vmem>>
      %dma_wait3A_305 = tpu.memref_squeeze %dma_wait3A_304 : memref<1x128xf32, #tpu.memory_space<vmem>> -> memref<128xf32, #tpu.memory_space<vmem>>
      %dma_wait3A_306 = arith.constant 0 : i32
      %dma_wait3A_307 = tpu.memref_slice %arg7[%add3A_158, %dma_wait3A_306] : memref<104x128xi32, #tpu.memory_space<vmem>> -> memref<1x128xi32, #tpu.memory_space<vmem>>
      %dma_wait3A_308 = tpu.memref_squeeze %dma_wait3A_307 : memref<1x128xi32, #tpu.memory_space<vmem>> -> memref<128xi32, #tpu.memory_space<vmem>>
      %dma_wait3A_309 = arith.constant 0 : i32
      %dma_wait3A_310 = tpu.memref_slice %arg3[%dma_wait3A_309] : memref<2600000xf32, #tpu.memory_space<hbm>> -> memref<2600000xf32, #tpu.memory_space<hbm>>
      tpu.wait_indirect_dma semaphore(%arg11 : memref<!tpu.dma_semaphore, #tpu.memory_space<semaphore_mem>>) src(%dma_wait3A_310 : memref<2600000xf32, #tpu.memory_space<hbm>>) dst(%dma_wait3A_305 : memref<128xf32, #tpu.memory_space<vmem>>)
      %mul3A_311 = arith.constant 13312 : i32
      %mul3A_312 = arith.muli %add3A, %mul3A_311 : i32
      %mul3A_313 = arith.constant 1024 : i32
      %mul3A_314 = arith.muli %scan3A_8, %mul3A_313 : i32
      %add3A_315 = arith.addi %mul3A_312, %mul3A_314 : i32
      "tpu.region"() ({
        %run_scoped3A = tpu.sem_alloc : memref<!tpu.dma_semaphore, #tpu.memory_space<semaphore_mem>>
        %dma_start3A_316 = arith.constant 0 : i32
        %dma_start3A_317 = tpu.memref_slice %arg5[%add3A_315, %dma_start3A_316] : memref<425984x16xf32, #tpu.memory_space<hbm>> -> memref<1024x16xf32, #tpu.memory_space<hbm>>
        %dma_start3A_318 = arith.constant 0 : i32
        %dma_start3A_319 = tpu.memref_slice %arg5[%add3A_315, %dma_start3A_318] : memref<425984x16xf32, #tpu.memory_space<hbm>> -> memref<1024x16xf32, #tpu.memory_space<hbm>>
        tpu.enqueue_dma source(%arg9 : memref<1024x16xf32, #tpu.memory_space<vmem>>) target(%dma_start3A_319 : memref<1024x16xf32, #tpu.memory_space<hbm>>) target_semaphore(%run_scoped3A : memref<!tpu.dma_semaphore, #tpu.memory_space<semaphore_mem>>)
        %dma_wait3A_320 = arith.constant 0 : i32
        %dma_wait3A_321 = tpu.memref_slice %arg5[%add3A_315, %dma_wait3A_320] : memref<425984x16xf32, #tpu.memory_space<hbm>> -> memref<1024x16xf32, #tpu.memory_space<hbm>>
        %dma_wait3A_322 = arith.constant 0 : i32
        %dma_wait3A_323 = tpu.memref_slice %arg5[%add3A_315, %dma_wait3A_322] : memref<425984x16xf32, #tpu.memory_space<hbm>> -> memref<1024x16xf32, #tpu.memory_space<hbm>>
        tpu.wait_dma2 semaphore(%run_scoped3A : memref<!tpu.dma_semaphore, #tpu.memory_space<semaphore_mem>>) src(%arg9 : memref<1024x16xf32, #tpu.memory_space<vmem>>) dst(%dma_wait3A_323 : memref<1024x16xf32, #tpu.memory_space<hbm>>)
        tpu.yield
      }) : () -> ()
    }
    %scan3A_7 = arith.constant 13 : i32
    "tpu.region"() ({
      %run_scoped3A = tpu.sem_alloc : memref<!tpu.dma_semaphore, #tpu.memory_space<semaphore_mem>>
      %dma_start3A = arith.constant 0 : i32
      %dma_start3A_8 = tpu.memref_slice %arg6[%mul3A_2, %dma_start3A] : memref<3328x128xf32, #tpu.memory_space<hbm>> -> memref<104x128xf32, #tpu.memory_space<hbm>>
      %dma_start3A_9 = arith.constant 0 : i32
      %dma_start3A_10 = tpu.memref_slice %arg6[%mul3A_2, %dma_start3A_9] : memref<3328x128xf32, #tpu.memory_space<hbm>> -> memref<104x128xf32, #tpu.memory_space<hbm>>
      tpu.enqueue_dma source(%arg8 : memref<104x128xf32, #tpu.memory_space<vmem>>) target(%dma_start3A_10 : memref<104x128xf32, #tpu.memory_space<hbm>>) target_semaphore(%run_scoped3A : memref<!tpu.dma_semaphore, #tpu.memory_space<semaphore_mem>>)
      %dma_wait3A = arith.constant 0 : i32
      %dma_wait3A_11 = tpu.memref_slice %arg6[%mul3A_2, %dma_wait3A] : memref<3328x128xf32, #tpu.memory_space<hbm>> -> memref<104x128xf32, #tpu.memory_space<hbm>>
      %dma_wait3A_12 = arith.constant 0 : i32
      %dma_wait3A_13 = tpu.memref_slice %arg6[%mul3A_2, %dma_wait3A_12] : memref<3328x128xf32, #tpu.memory_space<hbm>> -> memref<104x128xf32, #tpu.memory_space<hbm>>
      tpu.wait_dma2 semaphore(%run_scoped3A : memref<!tpu.dma_semaphore, #tpu.memory_space<semaphore_mem>>) src(%arg8 : memref<104x128xf32, #tpu.memory_space<vmem>>) dst(%dma_wait3A_13 : memref<104x128xf32, #tpu.memory_space<hbm>>)
      tpu.yield
    }) : () -> ()
    return
  }
}

module attributes {stable_mosaic.version = 14 : i64} {
  func.func @_mlp_body(%arg0: i32, %arg1: memref<1024x416xf32, #tpu.memory_space<vmem>>, %arg2: memref<1024x26xf32, #tpu.memory_space<vmem>>, %arg3: memref<416x400xf32, #tpu.memory_space<vmem>>, %arg4: memref<1x400xf32, #tpu.memory_space<vmem>>, %arg5: memref<400x400xf32, #tpu.memory_space<vmem>>, %arg6: memref<1x400xf32, #tpu.memory_space<vmem>>, %arg7: memref<400x400xf32, #tpu.memory_space<vmem>>, %arg8: memref<1x400xf32, #tpu.memory_space<vmem>>, %arg9: memref<400x1xf32, #tpu.memory_space<vmem>>, %arg10: memref<1x1xf32, #tpu.memory_space<vmem>>, %arg11: memref<416x16xf32, #tpu.memory_space<vmem>>, %arg12: memref<1024x1xf32, #tpu.memory_space<vmem>>) attributes {dimension_semantics = [#tpu.dimension_semantics<arbitrary>], iteration_bounds = array<i64: 16>, scalar_prefetch = 0 : i64, scratch_operands = 0 : i64, tpu.core_type = #tpu.core_type<tc>, window_params = [{transform_indices = @transform_0, window_bounds = array<i64: 1024, 416>}, {transform_indices = @transform_1, window_bounds = array<i64: 1024, 26>}, {pipeline_mode = #tpu.pipeline_mode<synchronous>, transform_indices = @transform_2, window_bounds = array<i64: 416, 400>}, {pipeline_mode = #tpu.pipeline_mode<synchronous>, transform_indices = @transform_3, window_bounds = array<i64: 1, 400>}, {pipeline_mode = #tpu.pipeline_mode<synchronous>, transform_indices = @transform_4, window_bounds = array<i64: 400, 400>}, {pipeline_mode = #tpu.pipeline_mode<synchronous>, transform_indices = @transform_5, window_bounds = array<i64: 1, 400>}, {pipeline_mode = #tpu.pipeline_mode<synchronous>, transform_indices = @transform_6, window_bounds = array<i64: 400, 400>}, {pipeline_mode = #tpu.pipeline_mode<synchronous>, transform_indices = @transform_7, window_bounds = array<i64: 1, 400>}, {pipeline_mode = #tpu.pipeline_mode<synchronous>, transform_indices = @transform_8, window_bounds = array<i64: 400, 1>}, {pipeline_mode = #tpu.pipeline_mode<synchronous>, transform_indices = @transform_9, window_bounds = array<i64: 1, 1>}, {pipeline_mode = #tpu.pipeline_mode<synchronous>, transform_indices = @transform_10, window_bounds = array<i64: 416, 16>}, {transform_indices = @transform_11, window_bounds = array<i64: 1024, 1>}]} {
    %get3A = arith.constant 0 : index
    %get3A_0 = arith.constant 0 : index
    %get3A_1 = vector.load %arg1[%get3A, %get3A_0] : memref<1024x416xf32, #tpu.memory_space<vmem>>, vector<1024x416xf32>
    %get3A_2 = arith.constant 0 : index
    %get3A_3 = arith.constant 0 : index
    %get3A_4 = vector.load %arg11[%get3A_2, %get3A_3] : memref<416x16xf32, #tpu.memory_space<vmem>>, vector<416x16xf32>
    %dot_general3A = arith.constant dense<0.000000e+00> : vector<1024x16xf32>
    %dot_general3A_5 = tpu.matmul %get3A_1, %get3A_4, %dot_general3A {dimension_numbers = #tpu.dot_dimension_numbers<[1], [0], [0], [1], [0, 0, 1, 1], [], []>, transpose_lhs_hint = false} : vector<1024x416xf32>, vector<416x16xf32>, vector<1024x16xf32> -> vector<1024x16xf32>
    %mul3A = arith.mulf %get3A_1, %get3A_1 : vector<1024x416xf32>
    %reduce_sum3A = arith.constant dense<0.000000e+00> : vector<1024xf32>
    %reduce_sum3A_6 = vector.multi_reduction <add>, %mul3A, %reduce_sum3A [1] : vector<1024x416xf32> to vector<1024xf32>
    %broadcast_in_dim3A = vector.shape_cast %reduce_sum3A_6 : vector<1024xf32> to vector<1024x1xf32>
    %mul3A_7 = arith.mulf %dot_general3A_5, %dot_general3A_5 : vector<1024x16xf32>
    %reduce_sum3A_8 = arith.constant dense<0.000000e+00> : vector<1024xf32>
    %reduce_sum3A_9 = vector.multi_reduction <add>, %mul3A_7, %reduce_sum3A_8 [1] : vector<1024x16xf32> to vector<1024xf32>
    %broadcast_in_dim3A_10 = vector.shape_cast %reduce_sum3A_9 : vector<1024xf32> to vector<1024x1xf32>
    %sub3A = arith.subf %broadcast_in_dim3A_10, %broadcast_in_dim3A : vector<1024x1xf32>
    %mul3A_11 = arith.constant 5.000000e-01 : f32
    %mul3A_12 = vector.broadcast %mul3A_11 : f32 to vector<1024x1xf32>
    %mul3A_13 = arith.mulf %mul3A_12, %sub3A : vector<1024x1xf32>
    %get3A_14 = arith.constant 0 : index
    %get3A_15 = arith.constant 0 : index
    %get3A_16 = vector.load %arg2[%get3A_14, %get3A_15] : memref<1024x26xf32, #tpu.memory_space<vmem>>, vector<1024x26xf32>
    %reduce_sum3A_17 = arith.constant dense<0.000000e+00> : vector<1024xf32>
    %reduce_sum3A_18 = vector.multi_reduction <add>, %get3A_16, %reduce_sum3A_17 [1] : vector<1024x26xf32> to vector<1024xf32>
    %broadcast_in_dim3A_19 = vector.shape_cast %reduce_sum3A_18 : vector<1024xf32> to vector<1024x1xf32>
    %get3A_20 = arith.constant 0 : index
    %get3A_21 = arith.constant 0 : index
    %get3A_22 = vector.load %arg3[%get3A_20, %get3A_21] : memref<416x400xf32, #tpu.memory_space<vmem>>, vector<416x400xf32>
    %dot_general3A_23 = arith.constant dense<0.000000e+00> : vector<1024x400xf32>
    %dot_general3A_24 = tpu.matmul %get3A_1, %get3A_22, %dot_general3A_23 {dimension_numbers = #tpu.dot_dimension_numbers<[1], [0], [0], [1], [0, 0, 1, 1], [], []>, transpose_lhs_hint = false} : vector<1024x416xf32>, vector<416x400xf32>, vector<1024x400xf32> -> vector<1024x400xf32>
    %get3A_25 = arith.constant 0 : index
    %get3A_26 = arith.constant 0 : index
    %get3A_27 = vector.load %arg4[%get3A_25, %get3A_26] : memref<1x400xf32, #tpu.memory_space<vmem>>, vector<1x400xf32>
    %add3A = vector.broadcast %get3A_27 : vector<1x400xf32> to vector<1024x400xf32>
    %add3A_28 = arith.addf %dot_general3A_24, %add3A : vector<1024x400xf32>
    %mul3A_29 = arith.constant 0.999994993 : f32
    %mul3A_30 = vector.broadcast %mul3A_29 : f32 to vector<1024x400xf32>
    %mul3A_31 = arith.mulf %add3A_28, %mul3A_30 : vector<1024x400xf32>
    %max3A = arith.constant 0.000000e+00 : f32
    %max3A_32 = vector.broadcast %max3A : f32 to vector<1024x400xf32>
    %max3A_33 = arith.maximumf %mul3A_31, %max3A_32 : vector<1024x400xf32>
    %get3A_34 = arith.constant 0 : index
    %get3A_35 = arith.constant 0 : index
    %get3A_36 = vector.load %arg5[%get3A_34, %get3A_35] : memref<400x400xf32, #tpu.memory_space<vmem>>, vector<400x400xf32>
    %dot_general3A_37 = arith.constant dense<0.000000e+00> : vector<1024x400xf32>
    %dot_general3A_38 = tpu.matmul %max3A_33, %get3A_36, %dot_general3A_37 {dimension_numbers = #tpu.dot_dimension_numbers<[1], [0], [0], [1], [0, 0, 1, 1], [], []>, transpose_lhs_hint = false} : vector<1024x400xf32>, vector<400x400xf32>, vector<1024x400xf32> -> vector<1024x400xf32>
    %get3A_39 = arith.constant 0 : index
    %get3A_40 = arith.constant 0 : index
    %get3A_41 = vector.load %arg6[%get3A_39, %get3A_40] : memref<1x400xf32, #tpu.memory_space<vmem>>, vector<1x400xf32>
    %add3A_42 = vector.broadcast %get3A_41 : vector<1x400xf32> to vector<1024x400xf32>
    %add3A_43 = arith.addf %dot_general3A_38, %add3A_42 : vector<1024x400xf32>
    %mul3A_44 = arith.constant 0.999994993 : f32
    %mul3A_45 = vector.broadcast %mul3A_44 : f32 to vector<1024x400xf32>
    %mul3A_46 = arith.mulf %add3A_43, %mul3A_45 : vector<1024x400xf32>
    %max3A_47 = arith.constant 0.000000e+00 : f32
    %max3A_48 = vector.broadcast %max3A_47 : f32 to vector<1024x400xf32>
    %max3A_49 = arith.maximumf %mul3A_46, %max3A_48 : vector<1024x400xf32>
    %get3A_50 = arith.constant 0 : index
    %get3A_51 = arith.constant 0 : index
    %get3A_52 = vector.load %arg7[%get3A_50, %get3A_51] : memref<400x400xf32, #tpu.memory_space<vmem>>, vector<400x400xf32>
    %dot_general3A_53 = arith.constant dense<0.000000e+00> : vector<1024x400xf32>
    %dot_general3A_54 = tpu.matmul %max3A_49, %get3A_52, %dot_general3A_53 {dimension_numbers = #tpu.dot_dimension_numbers<[1], [0], [0], [1], [0, 0, 1, 1], [], []>, transpose_lhs_hint = false} : vector<1024x400xf32>, vector<400x400xf32>, vector<1024x400xf32> -> vector<1024x400xf32>
    %get3A_55 = arith.constant 0 : index
    %get3A_56 = arith.constant 0 : index
    %get3A_57 = vector.load %arg8[%get3A_55, %get3A_56] : memref<1x400xf32, #tpu.memory_space<vmem>>, vector<1x400xf32>
    %add3A_58 = vector.broadcast %get3A_57 : vector<1x400xf32> to vector<1024x400xf32>
    %add3A_59 = arith.addf %dot_general3A_54, %add3A_58 : vector<1024x400xf32>
    %mul3A_60 = arith.constant 0.999994993 : f32
    %mul3A_61 = vector.broadcast %mul3A_60 : f32 to vector<1024x400xf32>
    %mul3A_62 = arith.mulf %add3A_59, %mul3A_61 : vector<1024x400xf32>
    %max3A_63 = arith.constant 0.000000e+00 : f32
    %max3A_64 = vector.broadcast %max3A_63 : f32 to vector<1024x400xf32>
    %max3A_65 = arith.maximumf %mul3A_62, %max3A_64 : vector<1024x400xf32>
    %get3A_66 = arith.constant 0 : index
    %get3A_67 = arith.constant 0 : index
    %get3A_68 = vector.load %arg9[%get3A_66, %get3A_67] : memref<400x1xf32, #tpu.memory_space<vmem>>, vector<400x1xf32>
    %dot_general3A_69 = arith.constant dense<0.000000e+00> : vector<1024x1xf32>
    %dot_general3A_70 = tpu.matmul %max3A_65, %get3A_68, %dot_general3A_69 {dimension_numbers = #tpu.dot_dimension_numbers<[1], [0], [0], [1], [0, 0, 1, 1], [], []>, transpose_lhs_hint = false} : vector<1024x400xf32>, vector<400x1xf32>, vector<1024x1xf32> -> vector<1024x1xf32>
    %add3A_71 = arith.addf %broadcast_in_dim3A_19, %mul3A_13 : vector<1024x1xf32>
    %add3A_72 = arith.addf %add3A_71, %dot_general3A_70 : vector<1024x1xf32>
    %get3A_73 = arith.constant 0 : index
    %get3A_74 = arith.constant 0 : index
    %get3A_75 = vector.load %arg10[%get3A_73, %get3A_74] : memref<1x1xf32, #tpu.memory_space<vmem>>, vector<1x1xf32>
    %add3A_76 = vector.broadcast %get3A_75 : vector<1x1xf32> to vector<1024x1xf32>
    %add3A_77 = arith.addf %add3A_72, %add3A_76 : vector<1024x1xf32>
    %swap3A = arith.constant 0 : index
    %swap3A_78 = arith.constant 0 : index
    %swap3A_79 = vector.load %arg12[%swap3A, %swap3A_78] : memref<1024x1xf32, #tpu.memory_space<vmem>>, vector<1024x1xf32>
    tpu.vector_store %arg12[%swap3A, %swap3A_78], %add3A_77 {strides = array<i32>} : memref<1024x1xf32, #tpu.memory_space<vmem>>, vector<1024x1xf32>,
    return
  }
  func.func @transform_0(%arg0: i32) -> (i32, i32) {
    %c0_i32 = arith.constant 0 : i32
    %c0_i32_0 = arith.constant 0 : i32
    return %arg0, %c0_i32 : i32, i32
  }
  func.func @transform_1(%arg0: i32) -> (i32, i32) {
    %c0_i32 = arith.constant 0 : i32
    %c0_i32_0 = arith.constant 0 : i32
    return %arg0, %c0_i32 : i32, i32
  }
  func.func @transform_2(%arg0: i32) -> (i32, i32) {
    %c0_i32 = arith.constant 0 : i32
    %c0_i32_0 = arith.constant 0 : i32
    %c0_i32_1 = arith.constant 0 : i32
    return %c0_i32, %c0_i32_0 : i32, i32
  }
  func.func @transform_3(%arg0: i32) -> (i32, i32) {
    %c0_i32 = arith.constant 0 : i32
    %c0_i32_0 = arith.constant 0 : i32
    %c0_i32_1 = arith.constant 0 : i32
    return %c0_i32, %c0_i32_0 : i32, i32
  }
  func.func @transform_4(%arg0: i32) -> (i32, i32) {
    %c0_i32 = arith.constant 0 : i32
    %c0_i32_0 = arith.constant 0 : i32
    %c0_i32_1 = arith.constant 0 : i32
    return %c0_i32, %c0_i32_0 : i32, i32
  }
  func.func @transform_5(%arg0: i32) -> (i32, i32) {
    %c0_i32 = arith.constant 0 : i32
    %c0_i32_0 = arith.constant 0 : i32
    %c0_i32_1 = arith.constant 0 : i32
    return %c0_i32, %c0_i32_0 : i32, i32
  }
  func.func @transform_6(%arg0: i32) -> (i32, i32) {
    %c0_i32 = arith.constant 0 : i32
    %c0_i32_0 = arith.constant 0 : i32
    %c0_i32_1 = arith.constant 0 : i32
    return %c0_i32, %c0_i32_0 : i32, i32
  }
  func.func @transform_7(%arg0: i32) -> (i32, i32) {
    %c0_i32 = arith.constant 0 : i32
    %c0_i32_0 = arith.constant 0 : i32
    %c0_i32_1 = arith.constant 0 : i32
    return %c0_i32, %c0_i32_0 : i32, i32
  }
  func.func @transform_8(%arg0: i32) -> (i32, i32) {
    %c0_i32 = arith.constant 0 : i32
    %c0_i32_0 = arith.constant 0 : i32
    %c0_i32_1 = arith.constant 0 : i32
    return %c0_i32, %c0_i32_0 : i32, i32
  }
  func.func @transform_9(%arg0: i32) -> (i32, i32) {
    %c0_i32 = arith.constant 0 : i32
    %c0_i32_0 = arith.constant 0 : i32
    %c0_i32_1 = arith.constant 0 : i32
    return %c0_i32, %c0_i32_0 : i32, i32
  }
  func.func @transform_10(%arg0: i32) -> (i32, i32) {
    %c0_i32 = arith.constant 0 : i32
    %c0_i32_0 = arith.constant 0 : i32
    %c0_i32_1 = arith.constant 0 : i32
    return %c0_i32, %c0_i32_0 : i32, i32
  }
  func.func @transform_11(%arg0: i32) -> (i32, i32) {
    %c0_i32 = arith.constant 0 : i32
    %c0_i32_0 = arith.constant 0 : i32
    return %arg0, %c0_i32 : i32, i32
  }
}

</mosaic_0001>

<sc_bundles>
// kernel: kernel.5.cloned.1.call-start
scs
__scs_entry_jumppad:
0x0: {  	(pc) =	sbr.rel $0x88, $3  }
0x1: {  	(tag) =	ssettag $0x0;
	lr =	simm.s32 $0x1  }
0x2: {  	[smem:$0x3F95] =	sst lr;
	_ =	strace $0xD0000000  }
0x3: {  	_ = 	snop  }
0x4: {  	_ = 	snop  }
0x5: {  	_ = 	snop  }
0x6: {  	_ = 	snop  }
0x7: {  	_ = 	snop  }
__scs_overlays_trampoline_lowered:
0x8: {  	[smem:$0x3FA4] =	sst s0  }
0x9: {  	[smem:$0x3FA5] =	sst s1  }
0xa: {  	[smem:$0x3FA6] =	sst s2  }
0xb: {  	[smem:$0x3FA7] =	sst s3  }
0xc: {  	[smem:$0x3FA8] =	sst s4  }
0xd: {  	[smem:$0x3FA9] =	sst s5  }
0xe: {  	[smem:$0x3FAA] =	sst s6  }
0xf: {  	[smem:$0x3FAB] =	sst s7  }
0x10: {  	[smem:$0x3FAC] =	sst s8  }
0x11: {  	[smem:$0x3FAD] =	sst s9;
	s0 =	simm.s32 @!p0 $0x0  }
0x12: {  	s1 =	sld [smem:$0x3F93];
	s0 =	simm.s32 @p0 $0x1  }
0x13: {  	[smem:$0x3FAE] =	sst s0;
	s0 =	simm.s32 @!p1 $0x0  }
0x14: {  	s2 =	sld [smem:$0x3F92];
	s0 =	simm.s32 @p1 $0x1  }
0x15: {  	[smem:$0x3FAF] =	sst s0;
	s0 =	simm.s32 @!p2 $0x0  }
0x16: {  	s3 =	sld [smem:$0x3FDB];
	s0 =	simm.s32 @p2 $0x1  }
0x17: {  	s4 =	simm.s32 $0x1BF5;
	[smem:$0x3FB1] =	sst s0  }
0x18: {  	s0 =	sld [smem:$0x3F94];
	_ =	swait.ge [sflag:s4], $0x0  }
0x19: {  	s7 =	sld [smem:$0x3F95]  }
0x1a: {  	s8 =	sadd.s32 $0xFFFFE003, lr  }
0x1b: {  	s9 =	sadd.s32 $0xFFFFFEF7, lr;
	s5 =	simm.s32 $0xFFFFFFFF;
	p2 =	slt.u32 s8, $0xFFFFF086  }
0x1c: {  	p1 =	slt.u32 s9, $0xF7A;
	s5 =	simm.s32 @!p2 $0x0  }
0x1d: {  	s5 =	simm.s32 @p1 $0x1;
	p0 =	seq.s32 s7, s2  }
0x1e: {  	s7 =	smul.u32 @!p0 $0xF7A, s2;
	p2 =	seq.s32 @!p0 s5, $0x0  }
0x1f: {  	s9 =	smul.u32 $0xF7A, s1;
	s8 =	simm.s32 @!p0 $0x1BF5;
	p2 =	por !p2, p0  }
0x20: {  	[sflag:s8] =	ssyncset.s32 @!p0 $0xFFFFF086;
	s6 =	sadd.s32 @!p0 s3, s7;
	s7 =	simm.s32 @!p0 $0x108  }
0x21: {  	s3 =	sadd.s32 s3, s9;
	s6 =	sadd.s32 @!p0 $0x88, s6;
	s7 =	simm.s32 @p2 $0x1082  }
0x22: {  	[simem:s7], [sflag:s8] =	dma.local @!p0 [hbm:s6], $0xF7A  }
0x23: {  	s9 =	sor.u32 $0xD0000000, s2;
	s6 =	simm.s32 $0x108;
	_ =	swait.ge @!p0 [sflag:s8], $0x0  }
0x24: {  	s3 =	sadd.s32 $0x88, s3;
	s6 =	simm.s32 @!p1 $0x1082;
	[sflag:s4] =	ssyncset.s32 $0xFFFFF086  }
0x25: {  	[simem:s6], [sflag:s4] =	dma.local [hbm:s3], $0xF7A  }
0x26: {  	[smem:$0x3F95] =	sst s1;
	(tag) =	ssettag s2;
	_ =	strace s9  }
0x27: {  	s1 =	sld [smem:$0x3FA5]  }
0x28: {  	s2 =	sld [smem:$0x3FA6]  }
0x29: {  	s4 =	sld [smem:$0x3FA8]  }
0x2a: {  	p0 =	seq.s32 s5, $0x0;
	s5 =	sld [smem:$0x3FA9]  }
0x2b: {  	s6 =	sld [smem:$0x3FAA]  }
0x2c: {  	s7 =	sld [smem:$0x3FAB]  }
0x2d: {  	s3 =	simm.s32 $0x108;
	s8 =	sld [smem:$0x3FAC]  }
0x2e: {  	s3 =	simm.s32 @!p0 $0x1082;
	s9 =	sld [smem:$0x3FAD]  }
0x2f: {  	lr =	sadd.s32 s0, s3;
	s0 =	sld [smem:$0x3FA4]  }
0x30: {  	s3 =	sld [smem:$0x3FA7]  }
0x31: {  	[smem:$0x3FB0] =	sst s10  }
0x32: {  	s10 =	sld [smem:$0x3FAE];
	_ =	sdelay $0x3  }
0x33: {  	p0 =	seq.s32 s10, $0x1;
	s10 =	sld [smem:$0x3FB0];
	_ =	sdelay $0x3  }
0x34: {  	[smem:$0x3FB0] =	sst s10  }
0x35: {  	s10 =	sld [smem:$0x3FAF];
	_ =	sdelay $0x3  }
0x36: {  	p1 =	seq.s32 s10, $0x1;
	s10 =	sld [smem:$0x3FB0];
	_ =	sdelay $0x3  }
0x37: {  	[smem:$0x3FB0] =	sst s10  }
0x38: {  	s10 =	sld [smem:$0x3FB1]  }
0x39: {  	_ = 	snop;
	(pc) =	sbr.ind lr, $3  }
0x3a: {  	_ = 	snop  }
0x3b: {  	_ = 	snop  }
0x3c: {  	p2 =	seq.s32 s10, $0x1;
	s10 =	sld [smem:$0x3FB0]  }
0x3d: {  	_ =	shalt  }
0x3e: {  	_ =	shalt  }
0x3f: {  	_ =	shalt  }
0x40: {  	_ =	shalt  }
0x41: {  	_ =	shalt  }
0x42: {  	_ =	shalt  }
0x43: {  	_ =	shalt  }
0x44: {  	_ =	shalt  }
0x45: {  	_ =	shalt  }
0x46: {  	_ =	shalt  }
0x47: {  	_ =	shalt  }
0x48: {  	_ =	shalt  }
0x49: {  	_ =	shalt  }
0x4a: {  	_ =	shalt  }
0x4b: {  	_ =	shalt  }
0x4c: {  	_ =	shalt  }
0x4d: {  	_ =	shalt  }
0x4e: {  	_ =	shalt  }
0x4f: {  	_ =	shalt  }
0x50: {  	_ =	shalt  }
0x51: {  	_ =	shalt  }
0x52: {  	_ =	shalt  }
0x53: {  	_ =	shalt  }
0x54: {  	_ =	shalt  }
0x55: {  	_ =	shalt  }
0x56: {  	_ =	shalt  }
0x57: {  	_ =	shalt  }
0x58: {  	_ =	shalt  }
0x59: {  	_ =	shalt  }
0x5a: {  	_ =	shalt  }
0x5b: {  	_ =	shalt  }
0x5c: {  	_ =	shalt  }
0x5d: {  	_ =	shalt  }
0x5e: {  	_ =	shalt  }
0x5f: {  	_ =	shalt  }
0x60: {  	_ =	shalt  }
0x61: {  	_ =	shalt  }
0x62: {  	_ =	shalt  }
0x63: {  	_ =	shalt  }
0x64: {  	_ =	shalt  }
0x65: {  	_ =	shalt  }
0x66: {  	_ =	shalt  }
0x67: {  	_ =	shalt  }
0x68: {  	_ =	shalt  }
0x69: {  	_ =	shalt  }
0x6a: {  	_ =	shalt  }
0x6b: {  	_ =	shalt  }
0x6c: {  	_ =	shalt  }
0x6d: {  	_ =	shalt  }
0x6e: {  	_ =	shalt  }
0x6f: {  	_ =	shalt  }
0x70: {  	_ =	shalt  }
0x71: {  	_ =	shalt  }
0x72: {  	_ =	shalt  }
0x73: {  	_ =	shalt  }
0x74: {  	_ =	shalt  }
0x75: {  	_ =	shalt  }
0x76: {  	_ =	shalt  }
0x77: {  	_ =	shalt  }
0x78: {  	_ =	shalt  }
0x79: {  	_ =	shalt  }
0x7a: {  	_ =	shalt  }
0x7b: {  	_ =	shalt  }
0x7c: {  	_ =	shalt  }
0x7d: {  	_ =	shalt  }
0x7e: {  	_ =	shalt  }
0x7f: {  	_ =	shalt  }
0x80: {  	_ =	shalt  }
0x81: {  	_ =	shalt  }
0x82: {  	_ =	shalt  }
0x83: {  	_ =	shalt  }
0x84: {  	_ =	shalt  }
0x85: {  	_ =	shalt  }
0x86: {  	_ =	shalt  }
0x87: {  	_ =	shalt  }
.Lfunc_end0:
.L_simem_size_0:
called_computation_lowered:
.L_overlay_start_0:
0x88: {  	s2 =	sld [smem:$0x3FD9]  }
0x89: {  	s3 =	sld [smem:$0x3FFE];
	_ =	sdelay $0x1  }
0x8a: {  	s1 =	srdreg.scid  }
0x8b: {  	s0 =	sand.u32 $0x1, s1  }
0x8c: {  	s17 =	sshll.u32 s0, $0xA;
	s2 =	sadd.s32 s3, s2  }
0x8d: {  	s2 =	sadd.s32 s2, s17  }
0x8e: {  	[smem:$0x3FBC] =	sst s2  }
0x8f: {  	_ = 	snop  }
0x90: {  	s2 =	sld [smem:$0x3FC8];
	(tm) =	ssettm $0x1  }
0x91: {  	s18 =	sld [smem:$0x3FFB];
	_ =	sdelay $0x3  }
0x92: {  	_ =	strace s18  }
0x93: {  	s3 =	sld [smem:$0x3FFC];
	_ =	sdelay $0x3  }
0x94: {  	_ =	strace s3  }
0x95: {  	s3 =	sld [smem:$0x3FFD];
	_ =	sdelay $0x3  }
0x96: {  	_ =	strace s3  }
0x97: {  	_ =	strace $0x8FFFFFFF  }
0x98: {  	s19 =	sld [smem:$0x3FDB];
	_ =	sdelay $0x1  }
0x99: {  	s4 =	simm.s32 $_scs_section_size  }
0x9a: {  	s5 =	simm.s32 $_size__tile_overlayer_lowered;
	s6 =	simm.s32 $_tile_overlayer_lowered  }
0x9b: {  	s22 =	simm.s32 $0x1BFF;
	s21 =	sshll.u32 s6, $0x1;
	s3 =	sadd.s32 s4, s19  }
0x9c: {  	s7 =	simm.s32 $0x0;
	s20 =	sshll.u32 s5, $0x1;
	s5 =	sadd.s32 s21, s3  }
0x9d: {  	[timem:s7], [sflag:s22] =	dma.local [hbm:s5], s20  }
0x9e: {  	_ =	swait.ge [sflag:s22], s20  }
0x9f: {  	s4 =	ssub.s32 $0x0, s20;
	[sflag:s22] =	ssyncset.done $0x0  }
0xa0: {  	[sflag:s22] =	ssyncadd.s32 s4;
	_ =	sdelay $0x1  }
0xa1: {  	s23 =	simm.s32 $0x1B8B  }
0xa2: {  	_ =	swait.ge [sflag:s23], $0x1  }
0xa3: {  	[sflag:s23] =	ssyncset.done $0x0  }
0xa4: {  	s25 =	simm.s32 $0x1B8E;
	s24 =	sld [smem:$0x3FFE];
	[sflag:s23] =	ssyncadd.s32 $0xFFFFFFFF  }
0xa5: {  	s26 =	simm.s32 $execute0_lowered;
	[smem:$0x3FD2] =	sst s25  }
0xa6: {  	s5 =	sshll.u32 s26, $0x1;
	_ =	strace $0x80000046;
	[dreg:$0x1] =	wrdreg $0xFFFFFFFF  }
0xa7: {  	s28 =	simm.s32 $_size_execute0_lowered;
	s3 =	sadd.s32 s3, s5;
	[dreg:$0x0] =	wrdreg $0x0  }
0xa8: {  	s5 =	sshll.u32 s28, $0x1;
	[dreg:$0x2] =	wrdreg s3  }
0xa9: {  	[dreg:$0x3] =	wrdreg s5  }
0xaa: {  	[dreg:$0x4] =	wrdreg $0xC0  }
0xab: {  	_ =	task [dreg:s7], $0x5FFFF  }
0xac: {  	[dreg:$0x1] =	wrdreg $0xFFFFFFFF  }
0xad: {  	[dreg:$0x0] =	wrdreg $0x60  }
0xae: {  	[dreg:$0x2] =	wrdreg s2  }
0xaf: {  	[dreg:$0x3] =	wrdreg s24  }
0xb0: {  	[dreg:$0x4] =	wrdreg $0x9  }
0xb1: {  	_ =	task.clear_ibuf [dreg:s7], $0x5FFFF;
	_ =	strace $0x90000046  }
0xb2: {  	s29 =	simm.s32 $0x9;
	_ =	strace $0x80000048  }
0xb3: {  	_ =	swait.ge [sflag:s29], $0x1  }
0xb4: {  	[sflag:s29] =	ssyncadd.s32 $0xFFFFFFFF  }
0xb5: {  	_ =	strace $0x90000048  }
0xb6: {  	_ =	sfence  }
0xb7: {  	s30 =	sld [smem:$0x0];
	_ =	sdelay $0x2  }
0xb8: {  	s31 =	sshll.u32 s1, $0xD;
	s1 =	sshrl.u32 s1, $0x2  }
0xb9: {  	s3 =	sand.u32 $0x4000, s31;
	s1 =	sadd.s32 s1, s30  }
0xba: {  	s0 =	sor.u32 s3, s0;
	s1 =	sshll.u32 s1, $0x11  }
0xbb: {  	s0 =	sor.u32 s1, s0  }
0xbc: {  	s0 =	sadd.s32 $0x8F2B, s0  }
0xbd: {  	[sflag:s0] =	ssyncadd.remote.s32 $0x1  }
0xbe: {  	_ =	sfence.sel $0xFFFF  }
0xbf: {  	[dreg:$0x0] =	wrdreg $0xFFFFFFFF;
	(pc) =	sbr.abs _section_cstart, $3  }
0xc0: {  	[dreg:$0x1] =	wrdreg $0xFFFFFFFF  }
0xc1: {  	_ =	task.clear_ibuf [dreg:s7], $0x2FFFF;
	_ =	strace $0x9FFFFFFF  }
0xc2: {  	(tm) =	ssettm $0x7FFFFFFF  }
0xc3: {  	_ =	shalt  }
tec
execute0_lowered:
.L_overlay_start_1:
0x0: {  	(tag) =	ssettag $0x1  }
0x1: {  	s0 =	rddreg [dreg:$0x0]  }
0x2: {  	s1 =	rddreg [dreg:$0x1]  }
0x3: {  	s2 =	srdreg.scid;
	s15 =	stileid.u32;
	s16 =	simm.s32 $0x800  }
0x4: {  	s17 =	simm.s32 $0xC00;
	s18 =	simm.s32 $0x1;
	s19 =	simm.s32 $0x2  }
0x5: {  	s28 =	simm.s32 $0x4;
	s29 =	simm.s32 $0x0;
	s3 =	smul.u32 $0x4F4, s15  }
0x6: {  	s7 =	sand.u32 $0x1, s2;
	s2 =	simm.s32 $0x0;
	s13 =	smul.u32 $0x13D000, s15  }
0x7: {  	s4 =	sshll.u32 s15, $0x1;
	s8 =	sadd.s32 $0x27AC00, s0;
	s23 =	smul.u32 $0x27A00, s15  }
0x8: {  	p0 =	slt.u32 s15, $0xC;
	s14 =	sadd.s32 $0x4F5880, s0;
	s5 =	smul.u32 $0x27A, s7  }
0x9: {  	[smem:$0x7FF] =	sst s2;
	s9 =	sor.u32 s7, s4;
	s22 =	smul.u32 $0x9E800, s7  }
0xa: {  	s21 =	ssub.s32 $0x2, s7;
	s7 =	smul.u32 $0x13D00, s7;
	s10 =	smin.u32 s9, $0x18  }
0xb: {  	s4 =	smul.u32 $0x27A, s9;
	_ =	strace $0x80000047;
	[dreg:$0x4] =	wrdreg s8  }
0xc: {  	s6 =	sshrl.u32 s21, $0x1;
	[dreg:$0x5] =	wrdreg s14;
	s3 =	sadd.s32 s5, s3  }
0xd: {  	s11 =	ssub.s32 s21, s6;
	s13 =	sadd.s32 s22, s13;
	s24 =	sshll.u32 s10, $0xA  }
0xe: {  	s26 =	sshll.u32 s10, $0x7;
	s21 =	simm.s32 $0x3;
	s3 =	sadd.s32 s10, s3  }
0xf: {  	s4 =	sadd.s32 s10, s4;
	s11 =	smax.u32 s11, $0x1;
	s13 =	sadd.s32 s24, s13  }
0x10: {  	s24 =	simm.s32 $0x3100;
	s3 =	sshll.u32 s3, $0x8;
	s4 =	sshll.u32 s4, $0x7  }
0x11: {  	v0 =	vlaneseq.u32;
	s30 =	sadd.s32 $0x13D6C00, s13;
	s12 =	sadd.s32 s3, s1;
	s4 =	sadd.s32 s0, s4  }
0x12: {  	v0 =	vmul.u32 $0x10, v0;
	s3 =	simm.s32 $0x27B;
	s1 =	sadd.s32 $0x4F8000, s1;
	s5 =	sadd.s32 $0x27AC80, s4  }
0x13: {  	s31 =	sshrl.u32 s30, $0x3;
	s6 =	sadd.s32 $0x27AD00, s4;
	s3 =	simm.s32 @!p0 $0x27A  }
.Ltmp0:
0x14: {  	v1 =	vor.u32 $0x1, v0;
	v2 =	vor.u32 $0x2, v0;
	v3 =	vor.u32 $0x3, v0;
	s8 =	sadd.s32 $0x80, s4;
	[dreg:$0x6] =	wrdreg s1;
	(pc) =	sbr.rel .LBB2_1-.Ltmp0, $4  }
0x15: {  	v4 =	vor.u32 $0x4, v0;
	v5 =	vor.u32 $0x5, v0;
	v6 =	vor.u32 $0x6, v0;
	s1 =	sadd.s32 s23, s0;
	s0 =	sadd.s32 s31, s0;
	s14 =	sadd.s32 $0x2800, s12  }
0x16: {  	v7 =	vor.u32 $0x7, v0;
	v8 =	vor.u32 $0x8, v0;
	v9 =	vor.u32 $0x9, v0;
	p0 =	sne.s32 s9, $0x1F;
	s25 =	sshll.u32 s3, $0xD;
	s1 =	sadd.s32 s7, s1  }
0x17: {  	v10 =	vor.u32 $0xA, v0;
	v11 =	vor.u32 $0xB, v0;
	v12 =	vor.u32 $0xC, v0;
	s23 =	simm.s32 $0x3000;
	[dreg:$0x3] =	wrdreg s25;
	s1 =	sadd.s32 s26, s1  }
0x18: {  	v13 =	vor.u32 $0xD, v0;
	v14 =	vor.u32 $0xE, v0;
	v15 =	vor.u32 $0xF, v0;
	s25 =	simm.s32 $0x3200;
	s26 =	simm.s32 $0x3300;
	s1 =	sadd.s32 $0x100, s1  }
.LBB2_5:
0x19: {  	s29 =	sadd.s32 $0x1, s29  }
0x1a: {  	p1 =	sne.s32 s29, s11  }
.Ltmp1:
0x1b: {  	_ = 	snop;
	(pc) =	sbr.rel @!p1 .LBB2_6-.Ltmp1, $1  }
0x1c: {  	_ =	sdelay $0x3  }
.LBB2_1:
0x1d: {  	[tilespmem:s2], [sflag:$0x1] =	stream.linear.gather [hbm4b:s4+s2], $0x400, $0x38;
	[tilespmem:$0x3400] =	vst v63  }
0x1e: {  	s7 =	simm.s32 $0x400;
	s30 =	simm.s32 $0x2  }
0x1f: {  	[tilespmem:s7], [sflag:$0x1] =	stream.linear.gather [hbm4b:s5+s2], $0x400, $0x38;
	[tilespmem:$0x3400] =	vst v63  }
0x20: {  	s31 =	smov.u32 s14;
	s13 =	smov.u32 s0;
	s12 =	smov.u32 s1  }
0x21: {  	[tilespmem:s16], [sflag:$0x1] =	stream.linear.gather [hbm4b:s8+s2], $0x400, $0x38;
	[tilespmem:$0x3400] =	vst v63  }
0x22: {  	s20 =	simm.s32 $0x0;
	s22 =	simm.s32 $0x0;
	s7 =	simm.s32 $0x0  }
0x23: {  	[tilespmem:s17], [sflag:$0x1] =	stream.linear.gather [hbm4b:s6+s2], $0x400, $0x38;
	[tilespmem:$0x3400] =	vst v63  }
.LBB2_2:
0x24: {  	s9 =	smulhi.u32 $0xAAAAAAAB, s30;
	_ =	sdelay $0x1  }
0x25: {  	_ =	swait.ge [sflag:s18], $0x400;
	s9 =	sshrl.u32 s9, $0x1  }
0x26: {  	s10 =	sadd.s32 $0x2, s7;
	[sflag:s18] =	ssyncset.done $0x0;
	s9 =	smul.u32 $0xFFFFA000, s9  }
0x27: {  	p1 =	sge.u32 s10, s3;
	[sflag:s18] =	ssyncadd.s32 $0xFFFFFC00  }
0x28: {  	s10 =	sshra.s32 @!p1 s22, $0x2;
	_ =	swait.ge [sflag:s18], $0x400;
	s9 =	sshra.s32 s9, $0x2  }
0x29: {  	[sflag:s18] =	ssyncset.done $0x0;
	s9 =	sadd.s32 @!p1 s10, s9  }
0x2a: {  	s15 =	simm.s32 @!p1 $0x0;
	[sflag:s18] =	ssyncadd.s32 $0xFFFFFC00;
	s10 =	sadd.s32 @!p1 $0x1000, s9  }
0x2b: {  	[tilespmem:s10], [sflag:$0x1] =	stream.linear.gather @!p1 [hbm4b:s12+s15], $0x400, $0x38;
	[tilespmem:$0x3400] =	vst v63  }
0x2c: {  	s9 =	sadd.s32 @!p1 $0x1400, s9;
	s10 =	smulhi.u32 $0xAAAAAAAB, s7  }
0x2d: {  	[tilespmem:s9], [sflag:$0x1] =	stream.linear.gather @!p1 [hbm4b:s13+s15], $0x400, $0x38;
	[tilespmem:$0x3400] =	vst v63  }
0x2e: {  	s10 =	sshrl.u32 s10, $0x1;
	p1 =	slt.u32 s7, $0x2  }
0x2f: {  	s9 =	smul.u32 $0xFFFFA000, s10;
	s10 =	simm.s32 @!p1 $0x2  }
0x30: {  	_ =	swait.ge @!p1 [sflag:s10], $0x800  }
0x31: {  	s15 =	sshra.s32 s22, $0x2;
	s9 =	sshra.s32 s9, $0x2;
	[sflag:s10] =	ssyncset.done @!p1 $0x0  }
0x32: {  	s9 =	sadd.s32 s15, s9;
	[sflag:s10] =	ssyncadd.s32 @!p1 $0xFFFFF800  }
0x33: {  	v16 =	vld [tilespmem:s9+$0x0];
	_ =	sdelay $0x3  }
0x34: {  	s15 =	sand.u32 $0x800, s20  }
0x35: {  	[tilespmem:v0+s15+$0x1800] =	vst.idx.msk $0xffff, v16  }
0x36: {  	v16 =	vld [tilespmem:s9+$0x80];
	_ =	sdelay $0x4  }
0x37: {  	[tilespmem:v1+s15+$0x1800] =	vst.idx.msk $0xffff, v16  }
0x38: {  	v16 =	vld [tilespmem:s9+$0x100];
	_ =	sdelay $0x4  }
0x39: {  	[tilespmem:v2+s15+$0x1800] =	vst.idx.msk $0xffff, v16  }
0x3a: {  	v16 =	vld [tilespmem:s9+$0x180];
	_ =	sdelay $0x4  }
0x3b: {  	[tilespmem:v3+s15+$0x1800] =	vst.idx.msk $0xffff, v16  }
0x3c: {  	v16 =	vld [tilespmem:s9+$0x200];
	_ =	sdelay $0x4  }
0x3d: {  	[tilespmem:v4+s15+$0x1800] =	vst.idx.msk $0xffff, v16  }
0x3e: {  	v16 =	vld [tilespmem:s9+$0x280];
	_ =	sdelay $0x4  }
0x3f: {  	[tilespmem:v5+s15+$0x1800] =	vst.idx.msk $0xffff, v16  }
0x40: {  	v16 =	vld [tilespmem:s9+$0x300];
	_ =	sdelay $0x4  }
0x41: {  	[tilespmem:v6+s15+$0x1800] =	vst.idx.msk $0xffff, v16  }
0x42: {  	v16 =	vld [tilespmem:s9+$0x380];
	_ =	sdelay $0x4  }
0x43: {  	[tilespmem:v7+s15+$0x1800] =	vst.idx.msk $0xffff, v16  }
0x44: {  	v16 =	vld [tilespmem:s9+$0x400];
	_ =	sdelay $0x4  }
0x45: {  	[tilespmem:v8+s15+$0x1800] =	vst.idx.msk $0xffff, v16  }
0x46: {  	v16 =	vld [tilespmem:s9+$0x480];
	_ =	sdelay $0x4  }
0x47: {  	[tilespmem:v9+s15+$0x1800] =	vst.idx.msk $0xffff, v16  }
0x48: {  	v16 =	vld [tilespmem:s9+$0x500];
	_ =	sdelay $0x4  }
0x49: {  	[tilespmem:v10+s15+$0x1800] =	vst.idx.msk $0xffff, v16  }
0x4a: {  	v16 =	vld [tilespmem:s9+$0x580];
	_ =	sdelay $0x4  }
0x4b: {  	[tilespmem:v11+s15+$0x1800] =	vst.idx.msk $0xffff, v16  }
0x4c: {  	v16 =	vld [tilespmem:s9+$0x600];
	_ =	sdelay $0x4  }
0x4d: {  	[tilespmem:v12+s15+$0x1800] =	vst.idx.msk $0xffff, v16  }
0x4e: {  	v16 =	vld [tilespmem:s9+$0x680];
	_ =	sdelay $0x4  }
0x4f: {  	[tilespmem:v13+s15+$0x1800] =	vst.idx.msk $0xffff, v16  }
0x50: {  	v16 =	vld [tilespmem:s9+$0x700];
	_ =	sdelay $0x4  }
0x51: {  	[tilespmem:v14+s15+$0x1800] =	vst.idx.msk $0xffff, v16  }
0x52: {  	v16 =	vld [tilespmem:s9+$0x780];
	_ =	sdelay $0x4  }
0x53: {  	[tilespmem:v15+s15+$0x1800] =	vst.idx.msk $0xffff, v16  }
0x54: {  	v16 =	vld [tilespmem:s9+$0x10];
	_ =	sdelay $0x4  }
0x55: {  	[tilespmem:v0+s15+$0x1900] =	vst.idx.msk $0xffff, v16  }
0x56: {  	v16 =	vld [tilespmem:s9+$0x90];
	_ =	sdelay $0x4  }
0x57: {  	[tilespmem:v1+s15+$0x1900] =	vst.idx.msk $0xffff, v16  }
0x58: {  	v16 =	vld [tilespmem:s9+$0x110];
	_ =	sdelay $0x4  }
0x59: {  	[tilespmem:v2+s15+$0x1900] =	vst.idx.msk $0xffff, v16  }
0x5a: {  	v16 =	vld [tilespmem:s9+$0x190];
	_ =	sdelay $0x4  }
0x5b: {  	[tilespmem:v3+s15+$0x1900] =	vst.idx.msk $0xffff, v16  }
0x5c: {  	v16 =	vld [tilespmem:s9+$0x210];
	_ =	sdelay $0x4  }
0x5d: {  	[tilespmem:v4+s15+$0x1900] =	vst.idx.msk $0xffff, v16  }
0x5e: {  	v16 =	vld [tilespmem:s9+$0x290];
	_ =	sdelay $0x4  }
0x5f: {  	[tilespmem:v5+s15+$0x1900] =	vst.idx.msk $0xffff, v16  }
0x60: {  	v16 =	vld [tilespmem:s9+$0x310];
	_ =	sdelay $0x4  }
0x61: {  	[tilespmem:v6+s15+$0x1900] =	vst.idx.msk $0xffff, v16  }
0x62: {  	v16 =	vld [tilespmem:s9+$0x390];
	_ =	sdelay $0x4  }
0x63: {  	[tilespmem:v7+s15+$0x1900] =	vst.idx.msk $0xffff, v16  }
0x64: {  	v16 =	vld [tilespmem:s9+$0x410];
	_ =	sdelay $0x4  }
0x65: {  	[tilespmem:v8+s15+$0x1900] =	vst.idx.msk $0xffff, v16  }
0x66: {  	v16 =	vld [tilespmem:s9+$0x490];
	_ =	sdelay $0x4  }
0x67: {  	[tilespmem:v9+s15+$0x1900] =	vst.idx.msk $0xffff, v16  }
0x68: {  	v16 =	vld [tilespmem:s9+$0x510];
	_ =	sdelay $0x4  }
0x69: {  	[tilespmem:v10+s15+$0x1900] =	vst.idx.msk $0xffff, v16  }
0x6a: {  	v16 =	vld [tilespmem:s9+$0x590];
	_ =	sdelay $0x4  }
0x6b: {  	[tilespmem:v11+s15+$0x1900] =	vst.idx.msk $0xffff, v16  }
0x6c: {  	v16 =	vld [tilespmem:s9+$0x610];
	_ =	sdelay $0x4  }
0x6d: {  	[tilespmem:v12+s15+$0x1900] =	vst.idx.msk $0xffff, v16  }
0x6e: {  	v16 =	vld [tilespmem:s9+$0x690];
	_ =	sdelay $0x4  }
0x6f: {  	[tilespmem:v13+s15+$0x1900] =	vst.idx.msk $0xffff, v16  }
0x70: {  	v16 =	vld [tilespmem:s9+$0x710];
	_ =	sdelay $0x4  }
0x71: {  	[tilespmem:v14+s15+$0x1900] =	vst.idx.msk $0xffff, v16  }
0x72: {  	v16 =	vld [tilespmem:s9+$0x790];
	_ =	sdelay $0x4  }
0x73: {  	[tilespmem:v15+s15+$0x1900] =	vst.idx.msk $0xffff, v16  }
0x74: {  	v16 =	vld [tilespmem:s9+$0x20];
	_ =	sdelay $0x4  }
0x75: {  	[tilespmem:v0+s15+$0x1A00] =	vst.idx.msk $0xffff, v16  }
0x76: {  	v16 =	vld [tilespmem:s9+$0xA0];
	_ =	sdelay $0x4  }
0x77: {  	[tilespmem:v1+s15+$0x1A00] =	vst.idx.msk $0xffff, v16  }
0x78: {  	v16 =	vld [tilespmem:s9+$0x120];
	_ =	sdelay $0x4  }
0x79: {  	[tilespmem:v2+s15+$0x1A00] =	vst.idx.msk $0xffff, v16  }
0x7a: {  	v16 =	vld [tilespmem:s9+$0x1A0];
	_ =	sdelay $0x4  }
0x7b: {  	[tilespmem:v3+s15+$0x1A00] =	vst.idx.msk $0xffff, v16  }
0x7c: {  	v16 =	vld [tilespmem:s9+$0x220];
	_ =	sdelay $0x4  }
0x7d: {  	[tilespmem:v4+s15+$0x1A00] =	vst.idx.msk $0xffff, v16  }
0x7e: {  	v16 =	vld [tilespmem:s9+$0x2A0];
	_ =	sdelay $0x4  }
0x7f: {  	[tilespmem:v5+s15+$0x1A00] =	vst.idx.msk $0xffff, v16  }
0x80: {  	v16 =	vld [tilespmem:s9+$0x320];
	_ =	sdelay $0x4  }
0x81: {  	[tilespmem:v6+s15+$0x1A00] =	vst.idx.msk $0xffff, v16  }
0x82: {  	v16 =	vld [tilespmem:s9+$0x3A0];
	_ =	sdelay $0x4  }
0x83: {  	[tilespmem:v7+s15+$0x1A00] =	vst.idx.msk $0xffff, v16  }
0x84: {  	v16 =	vld [tilespmem:s9+$0x420];
	_ =	sdelay $0x4  }
0x85: {  	[tilespmem:v8+s15+$0x1A00] =	vst.idx.msk $0xffff, v16  }
0x86: {  	v16 =	vld [tilespmem:s9+$0x4A0];
	_ =	sdelay $0x4  }
0x87: {  	[tilespmem:v9+s15+$0x1A00] =	vst.idx.msk $0xffff, v16  }
0x88: {  	v16 =	vld [tilespmem:s9+$0x520];
	_ =	sdelay $0x4  }
0x89: {  	[tilespmem:v10+s15+$0x1A00] =	vst.idx.msk $0xffff, v16  }
0x8a: {  	v16 =	vld [tilespmem:s9+$0x5A0];
	_ =	sdelay $0x4  }
0x8b: {  	[tilespmem:v11+s15+$0x1A00] =	vst.idx.msk $0xffff, v16  }
0x8c: {  	v16 =	vld [tilespmem:s9+$0x620];
	_ =	sdelay $0x4  }
0x8d: {  	[tilespmem:v12+s15+$0x1A00] =	vst.idx.msk $0xffff, v16  }
0x8e: {  	v16 =	vld [tilespmem:s9+$0x6A0];
	_ =	sdelay $0x4  }
0x8f: {  	[tilespmem:v13+s15+$0x1A00] =	vst.idx.msk $0xffff, v16  }
0x90: {  	v16 =	vld [tilespmem:s9+$0x720];
	_ =	sdelay $0x4  }
0x91: {  	[tilespmem:v14+s15+$0x1A00] =	vst.idx.msk $0xffff, v16  }
0x92: {  	v16 =	vld [tilespmem:s9+$0x7A0];
	_ =	sdelay $0x4  }
0x93: {  	[tilespmem:v15+s15+$0x1A00] =	vst.idx.msk $0xffff, v16  }
0x94: {  	v16 =	vld [tilespmem:s9+$0x30];
	_ =	sdelay $0x4  }
0x95: {  	[tilespmem:v0+s15+$0x1B00] =	vst.idx.msk $0xffff, v16  }
0x96: {  	v16 =	vld [tilespmem:s9+$0xB0];
	_ =	sdelay $0x4  }
0x97: {  	[tilespmem:v1+s15+$0x1B00] =	vst.idx.msk $0xffff, v16  }
0x98: {  	v16 =	vld [tilespmem:s9+$0x130];
	_ =	sdelay $0x4  }
0x99: {  	[tilespmem:v2+s15+$0x1B00] =	vst.idx.msk $0xffff, v16  }
0x9a: {  	v16 =	vld [tilespmem:s9+$0x1B0];
	_ =	sdelay $0x4  }
0x9b: {  	[tilespmem:v3+s15+$0x1B00] =	vst.idx.msk $0xffff, v16  }
0x9c: {  	v16 =	vld [tilespmem:s9+$0x230];
	_ =	sdelay $0x4  }
0x9d: {  	[tilespmem:v4+s15+$0x1B00] =	vst.idx.msk $0xffff, v16  }
0x9e: {  	v16 =	vld [tilespmem:s9+$0x2B0];
	_ =	sdelay $0x4  }
0x9f: {  	[tilespmem:v5+s15+$0x1B00] =	vst.idx.msk $0xffff, v16  }
0xa0: {  	v16 =	vld [tilespmem:s9+$0x330];
	_ =	sdelay $0x4  }
0xa1: {  	[tilespmem:v6+s15+$0x1B00] =	vst.idx.msk $0xffff, v16  }
0xa2: {  	v16 =	vld [tilespmem:s9+$0x3B0];
	_ =	sdelay $0x4  }
0xa3: {  	[tilespmem:v7+s15+$0x1B00] =	vst.idx.msk $0xffff, v16  }
0xa4: {  	v16 =	vld [tilespmem:s9+$0x430];
	_ =	sdelay $0x4  }
0xa5: {  	[tilespmem:v8+s15+$0x1B00] =	vst.idx.msk $0xffff, v16  }
0xa6: {  	v16 =	vld [tilespmem:s9+$0x4B0];
	_ =	sdelay $0x4  }
0xa7: {  	[tilespmem:v9+s15+$0x1B00] =	vst.idx.msk $0xffff, v16  }
0xa8: {  	v16 =	vld [tilespmem:s9+$0x530];
	_ =	sdelay $0x4  }
0xa9: {  	[tilespmem:v10+s15+$0x1B00] =	vst.idx.msk $0xffff, v16  }
0xaa: {  	v16 =	vld [tilespmem:s9+$0x5B0];
	_ =	sdelay $0x4  }
0xab: {  	[tilespmem:v11+s15+$0x1B00] =	vst.idx.msk $0xffff, v16  }
0xac: {  	v16 =	vld [tilespmem:s9+$0x630];
	_ =	sdelay $0x4  }
0xad: {  	[tilespmem:v12+s15+$0x1B00] =	vst.idx.msk $0xffff, v16  }
0xae: {  	v16 =	vld [tilespmem:s9+$0x6B0];
	_ =	sdelay $0x4  }
0xaf: {  	[tilespmem:v13+s15+$0x1B00] =	vst.idx.msk $0xffff, v16  }
0xb0: {  	v16 =	vld [tilespmem:s9+$0x730];
	_ =	sdelay $0x4  }
0xb1: {  	[tilespmem:v14+s15+$0x1B00] =	vst.idx.msk $0xffff, v16  }
0xb2: {  	v16 =	vld [tilespmem:s9+$0x7B0];
	_ =	sdelay $0x4  }
0xb3: {  	[tilespmem:v15+s15+$0x1B00] =	vst.idx.msk $0xffff, v16  }
0xb4: {  	v16 =	vld [tilespmem:s9+$0x40];
	_ =	sdelay $0x4  }
0xb5: {  	[tilespmem:v0+s15+$0x1C00] =	vst.idx.msk $0xffff, v16  }
0xb6: {  	v16 =	vld [tilespmem:s9+$0xC0];
	_ =	sdelay $0x4  }
0xb7: {  	[tilespmem:v1+s15+$0x1C00] =	vst.idx.msk $0xffff, v16  }
0xb8: {  	v16 =	vld [tilespmem:s9+$0x140];
	_ =	sdelay $0x4  }
0xb9: {  	[tilespmem:v2+s15+$0x1C00] =	vst.idx.msk $0xffff, v16  }
0xba: {  	v16 =	vld [tilespmem:s9+$0x1C0];
	_ =	sdelay $0x4  }
0xbb: {  	[tilespmem:v3+s15+$0x1C00] =	vst.idx.msk $0xffff, v16  }
0xbc: {  	v16 =	vld [tilespmem:s9+$0x240];
	_ =	sdelay $0x4  }
0xbd: {  	[tilespmem:v4+s15+$0x1C00] =	vst.idx.msk $0xffff, v16  }
0xbe: {  	v16 =	vld [tilespmem:s9+$0x2C0];
	_ =	sdelay $0x4  }
0xbf: {  	[tilespmem:v5+s15+$0x1C00] =	vst.idx.msk $0xffff, v16  }
0xc0: {  	v16 =	vld [tilespmem:s9+$0x340];
	_ =	sdelay $0x4  }
0xc1: {  	[tilespmem:v6+s15+$0x1C00] =	vst.idx.msk $0xffff, v16  }
0xc2: {  	v16 =	vld [tilespmem:s9+$0x3C0];
	_ =	sdelay $0x4  }
0xc3: {  	[tilespmem:v7+s15+$0x1C00] =	vst.idx.msk $0xffff, v16  }
0xc4: {  	v16 =	vld [tilespmem:s9+$0x440];
	_ =	sdelay $0x4  }
0xc5: {  	[tilespmem:v8+s15+$0x1C00] =	vst.idx.msk $0xffff, v16  }
0xc6: {  	v16 =	vld [tilespmem:s9+$0x4C0];
	_ =	sdelay $0x4  }
0xc7: {  	[tilespmem:v9+s15+$0x1C00] =	vst.idx.msk $0xffff, v16  }
0xc8: {  	v16 =	vld [tilespmem:s9+$0x540];
	_ =	sdelay $0x4  }
0xc9: {  	[tilespmem:v10+s15+$0x1C00] =	vst.idx.msk $0xffff, v16  }
0xca: {  	v16 =	vld [tilespmem:s9+$0x5C0];
	_ =	sdelay $0x4  }
0xcb: {  	[tilespmem:v11+s15+$0x1C00] =	vst.idx.msk $0xffff, v16  }
0xcc: {  	v16 =	vld [tilespmem:s9+$0x640];
	_ =	sdelay $0x4  }
0xcd: {  	[tilespmem:v12+s15+$0x1C00] =	vst.idx.msk $0xffff, v16  }
0xce: {  	v16 =	vld [tilespmem:s9+$0x6C0];
	_ =	sdelay $0x4  }
0xcf: {  	[tilespmem:v13+s15+$0x1C00] =	vst.idx.msk $0xffff, v16  }
0xd0: {  	v16 =	vld [tilespmem:s9+$0x740];
	_ =	sdelay $0x4  }
0xd1: {  	[tilespmem:v14+s15+$0x1C00] =	vst.idx.msk $0xffff, v16  }
0xd2: {  	v16 =	vld [tilespmem:s9+$0x7C0];
	_ =	sdelay $0x4  }
0xd3: {  	[tilespmem:v15+s15+$0x1C00] =	vst.idx.msk $0xffff, v16  }
0xd4: {  	v16 =	vld [tilespmem:s9+$0x50];
	_ =	sdelay $0x4  }
0xd5: {  	[tilespmem:v0+s15+$0x1D00] =	vst.idx.msk $0xffff, v16  }
0xd6: {  	v16 =	vld [tilespmem:s9+$0xD0];
	_ =	sdelay $0x4  }
0xd7: {  	[tilespmem:v1+s15+$0x1D00] =	vst.idx.msk $0xffff, v16  }
0xd8: {  	v16 =	vld [tilespmem:s9+$0x150];
	_ =	sdelay $0x4  }
0xd9: {  	[tilespmem:v2+s15+$0x1D00] =	vst.idx.msk $0xffff, v16  }
0xda: {  	v16 =	vld [tilespmem:s9+$0x1D0];
	_ =	sdelay $0x4  }
0xdb: {  	[tilespmem:v3+s15+$0x1D00] =	vst.idx.msk $0xffff, v16  }
0xdc: {  	v16 =	vld [tilespmem:s9+$0x250];
	_ =	sdelay $0x4  }
0xdd: {  	[tilespmem:v4+s15+$0x1D00] =	vst.idx.msk $0xffff, v16  }
0xde: {  	v16 =	vld [tilespmem:s9+$0x2D0];
	_ =	sdelay $0x4  }
0xdf: {  	[tilespmem:v5+s15+$0x1D00] =	vst.idx.msk $0xffff, v16  }
0xe0: {  	v16 =	vld [tilespmem:s9+$0x350];
	_ =	sdelay $0x4  }
0xe1: {  	[tilespmem:v6+s15+$0x1D00] =	vst.idx.msk $0xffff, v16  }
0xe2: {  	v16 =	vld [tilespmem:s9+$0x3D0];
	_ =	sdelay $0x4  }
0xe3: {  	[tilespmem:v7+s15+$0x1D00] =	vst.idx.msk $0xffff, v16  }
0xe4: {  	v16 =	vld [tilespmem:s9+$0x450];
	_ =	sdelay $0x4  }
0xe5: {  	[tilespmem:v8+s15+$0x1D00] =	vst.idx.msk $0xffff, v16  }
0xe6: {  	v16 =	vld [tilespmem:s9+$0x4D0];
	_ =	sdelay $0x4  }
0xe7: {  	[tilespmem:v9+s15+$0x1D00] =	vst.idx.msk $0xffff, v16  }
0xe8: {  	v16 =	vld [tilespmem:s9+$0x550];
	_ =	sdelay $0x4  }
0xe9: {  	[tilespmem:v10+s15+$0x1D00] =	vst.idx.msk $0xffff, v16  }
0xea: {  	v16 =	vld [tilespmem:s9+$0x5D0];
	_ =	sdelay $0x4  }
0xeb: {  	[tilespmem:v11+s15+$0x1D00] =	vst.idx.msk $0xffff, v16  }
0xec: {  	v16 =	vld [tilespmem:s9+$0x650];
	_ =	sdelay $0x4  }
0xed: {  	[tilespmem:v12+s15+$0x1D00] =	vst.idx.msk $0xffff, v16  }
0xee: {  	v16 =	vld [tilespmem:s9+$0x6D0];
	_ =	sdelay $0x4  }
0xef: {  	[tilespmem:v13+s15+$0x1D00] =	vst.idx.msk $0xffff, v16  }
0xf0: {  	v16 =	vld [tilespmem:s9+$0x750];
	_ =	sdelay $0x4  }
0xf1: {  	[tilespmem:v14+s15+$0x1D00] =	vst.idx.msk $0xffff, v16  }
0xf2: {  	v16 =	vld [tilespmem:s9+$0x7D0];
	_ =	sdelay $0x4  }
0xf3: {  	[tilespmem:v15+s15+$0x1D00] =	vst.idx.msk $0xffff, v16  }
0xf4: {  	v16 =	vld [tilespmem:s9+$0x60];
	_ =	sdelay $0x4  }
0xf5: {  	[tilespmem:v0+s15+$0x1E00] =	vst.idx.msk $0xffff, v16  }
0xf6: {  	v16 =	vld [tilespmem:s9+$0xE0];
	_ =	sdelay $0x4  }
0xf7: {  	[tilespmem:v1+s15+$0x1E00] =	vst.idx.msk $0xffff, v16  }
0xf8: {  	v16 =	vld [tilespmem:s9+$0x160];
	_ =	sdelay $0x4  }
0xf9: {  	[tilespmem:v2+s15+$0x1E00] =	vst.idx.msk $0xffff, v16  }
0xfa: {  	v16 =	vld [tilespmem:s9+$0x1E0];
	_ =	sdelay $0x4  }
0xfb: {  	[tilespmem:v3+s15+$0x1E00] =	vst.idx.msk $0xffff, v16  }
0xfc: {  	v16 =	vld [tilespmem:s9+$0x260];
	_ =	sdelay $0x4  }
0xfd: {  	[tilespmem:v4+s15+$0x1E00] =	vst.idx.msk $0xffff, v16  }
0xfe: {  	v16 =	vld [tilespmem:s9+$0x2E0];
	_ =	sdelay $0x4  }
0xff: {  	[tilespmem:v5+s15+$0x1E00] =	vst.idx.msk $0xffff, v16  }
0x100: {  	v16 =	vld [tilespmem:s9+$0x360];
	_ =	sdelay $0x4  }
0x101: {  	[tilespmem:v6+s15+$0x1E00] =	vst.idx.msk $0xffff, v16  }
0x102: {  	v16 =	vld [tilespmem:s9+$0x3E0];
	_ =	sdelay $0x4  }
0x103: {  	[tilespmem:v7+s15+$0x1E00] =	vst.idx.msk $0xffff, v16  }
0x104: {  	v16 =	vld [tilespmem:s9+$0x460];
	_ =	sdelay $0x4  }
0x105: {  	[tilespmem:v8+s15+$0x1E00] =	vst.idx.msk $0xffff, v16  }
0x106: {  	v16 =	vld [tilespmem:s9+$0x4E0];
	_ =	sdelay $0x4  }
0x107: {  	[tilespmem:v9+s15+$0x1E00] =	vst.idx.msk $0xffff, v16  }
0x108: {  	v16 =	vld [tilespmem:s9+$0x560];
	_ =	sdelay $0x4  }
0x109: {  	[tilespmem:v10+s15+$0x1E00] =	vst.idx.msk $0xffff, v16  }
0x10a: {  	v16 =	vld [tilespmem:s9+$0x5E0];
	_ =	sdelay $0x4  }
0x10b: {  	[tilespmem:v11+s15+$0x1E00] =	vst.idx.msk $0xffff, v16  }
0x10c: {  	v16 =	vld [tilespmem:s9+$0x660];
	_ =	sdelay $0x4  }
0x10d: {  	[tilespmem:v12+s15+$0x1E00] =	vst.idx.msk $0xffff, v16  }
0x10e: {  	v16 =	vld [tilespmem:s9+$0x6E0];
	_ =	sdelay $0x4  }
0x10f: {  	[tilespmem:v13+s15+$0x1E00] =	vst.idx.msk $0xffff, v16  }
0x110: {  	v16 =	vld [tilespmem:s9+$0x760];
	_ =	sdelay $0x4  }
0x111: {  	[tilespmem:v14+s15+$0x1E00] =	vst.idx.msk $0xffff, v16  }
0x112: {  	v16 =	vld [tilespmem:s9+$0x7E0];
	_ =	sdelay $0x4  }
0x113: {  	[tilespmem:v15+s15+$0x1E00] =	vst.idx.msk $0xffff, v16  }
0x114: {  	v16 =	vld [tilespmem:s9+$0x70];
	_ =	sdelay $0x4  }
0x115: {  	[tilespmem:v0+s15+$0x1F00] =	vst.idx.msk $0xffff, v16  }
0x116: {  	v16 =	vld [tilespmem:s9+$0xF0];
	_ =	sdelay $0x4  }
0x117: {  	[tilespmem:v1+s15+$0x1F00] =	vst.idx.msk $0xffff, v16  }
0x118: {  	v16 =	vld [tilespmem:s9+$0x170];
	_ =	sdelay $0x4  }
0x119: {  	[tilespmem:v2+s15+$0x1F00] =	vst.idx.msk $0xffff, v16  }
0x11a: {  	v16 =	vld [tilespmem:s9+$0x1F0];
	_ =	sdelay $0x4  }
0x11b: {  	[tilespmem:v3+s15+$0x1F00] =	vst.idx.msk $0xffff, v16  }
0x11c: {  	v16 =	vld [tilespmem:s9+$0x270];
	_ =	sdelay $0x4  }
0x11d: {  	[tilespmem:v4+s15+$0x1F00] =	vst.idx.msk $0xffff, v16  }
0x11e: {  	v16 =	vld [tilespmem:s9+$0x2F0];
	_ =	sdelay $0x4  }
0x11f: {  	[tilespmem:v5+s15+$0x1F00] =	vst.idx.msk $0xffff, v16  }
0x120: {  	v16 =	vld [tilespmem:s9+$0x370];
	_ =	sdelay $0x4  }
0x121: {  	[tilespmem:v6+s15+$0x1F00] =	vst.idx.msk $0xffff, v16  }
0x122: {  	v16 =	vld [tilespmem:s9+$0x3F0];
	_ =	sdelay $0x4  }
0x123: {  	[tilespmem:v7+s15+$0x1F00] =	vst.idx.msk $0xffff, v16  }
0x124: {  	v16 =	vld [tilespmem:s9+$0x470];
	_ =	sdelay $0x4  }
0x125: {  	[tilespmem:v8+s15+$0x1F00] =	vst.idx.msk $0xffff, v16  }
0x126: {  	v16 =	vld [tilespmem:s9+$0x4F0];
	_ =	sdelay $0x4  }
0x127: {  	[tilespmem:v9+s15+$0x1F00] =	vst.idx.msk $0xffff, v16  }
0x128: {  	v16 =	vld [tilespmem:s9+$0x570];
	_ =	sdelay $0x4  }
0x129: {  	[tilespmem:v10+s15+$0x1F00] =	vst.idx.msk $0xffff, v16  }
0x12a: {  	v16 =	vld [tilespmem:s9+$0x5F0];
	_ =	sdelay $0x4  }
0x12b: {  	[tilespmem:v11+s15+$0x1F00] =	vst.idx.msk $0xffff, v16  }
0x12c: {  	v16 =	vld [tilespmem:s9+$0x670];
	_ =	sdelay $0x4  }
0x12d: {  	[tilespmem:v12+s15+$0x1F00] =	vst.idx.msk $0xffff, v16  }
0x12e: {  	v16 =	vld [tilespmem:s9+$0x6F0];
	_ =	sdelay $0x4  }
0x12f: {  	[tilespmem:v13+s15+$0x1F00] =	vst.idx.msk $0xffff, v16  }
0x130: {  	v16 =	vld [tilespmem:s9+$0x770];
	_ =	sdelay $0x4  }
0x131: {  	[tilespmem:v14+s15+$0x1F00] =	vst.idx.msk $0xffff, v16  }
0x132: {  	v16 =	vld [tilespmem:s9+$0x7F0];
	_ =	sdelay $0x4  }
0x133: {  	s22 =	sadd.s32 $0x2000, s22;
	s9 =	sadd.s32 $0x1800, s15;
	[tilespmem:v15+s15+$0x1F00] =	vst.idx.msk $0xffff, v16;
	s15 =	rddreg [dreg:$0x3]  }
0x134: {  	p1 =	sne.s32 s15, s22  }
.Ltmp2:
0x135: {  	_ = 	snop;
	(pc) =	sbr.rel @p1 .LBB2_2-.Ltmp2, $4  }
0x136: {  	_ = 	snop  }
0x137: {  	s30 =	sadd.s32 $0x1, s30;
	s12 =	sadd.s32 $0x80, s12;
	s7 =	sadd.s32 $0x1, s7  }
0x138: {  	[hbm4b:s31+s2] =	stream.linear.scatter [tilespmem:s9], [sflag:$0x2], $0x800, $0x38;
	[tilespmem:$0x3400] =	vst v63  }
0x139: {  	s13 =	sadd.s32 $0x80, s13;
	s20 =	sadd.s32 $0x800, s20;
	s31 =	sadd.s32 $0x100, s31  }
0x13a: {  	_ =	swait.ge [sflag:s19], $0x800  }
.Ltmp3:
0x13b: {  	[sflag:s19] =	ssyncset.done $0x0;
	(pc) =	sbr.rel @p0 .LBB2_5-.Ltmp3, $4  }
0x13c: {  	[sflag:s19] =	ssyncadd.s32 $0xFFFFF800  }
0x13d: {  	_ =	swait.ge [sflag:s19], $0x800  }
0x13e: {  	[sflag:s19] =	ssyncset.done $0x0  }
0x13f: {  	[sflag:s19] =	ssyncadd.s32 $0xFFFFF800  }
0x140: {  	s7 =	rddreg [dreg:$0x4];
	s9 =	simm.s32 $0x2800  }
0x141: {  	[tilespmem:s9], [sflag:$0x3] =	stream.linear.gather [hbm4b:s7+s2], $0x400, $0x38;
	[tilespmem:$0x3400] =	vst v63  }
0x142: {  	_ =	swait.ge [sflag:s21], $0x400  }
0x143: {  	[sflag:s21] =	ssyncset.done $0x0  }
0x144: {  	s30 =	simm.s32 $0x2C00;
	s22 =	rddreg [dreg:$0x5];
	[sflag:s21] =	ssyncadd.s32 $0xFFFFFC00  }
0x145: {  	[tilespmem:s30], [sflag:$0x3] =	stream.linear.gather [hbm4b:s22+s2], $0x400, $0x38;
	[tilespmem:$0x3400] =	vst v63  }
0x146: {  	_ =	swait.ge [sflag:s21], $0x400  }
0x147: {  	[sflag:s21] =	ssyncset.done $0x0  }
0x148: {  	[sflag:s21] =	ssyncadd.s32 $0xFFFFFC00  }
0x149: {  	v16 =	vld [tilespmem:$0x2800];
	_ =	sdelay $0x4  }
0x14a: {  	[tilespmem:v0+s23+$0x0] =	vst.idx.msk $0xffff, v16  }
0x14b: {  	v16 =	vld [tilespmem:$0x2880];
	_ =	sdelay $0x4  }
0x14c: {  	[tilespmem:v1+s23+$0x0] =	vst.idx.msk $0xffff, v16  }
0x14d: {  	v16 =	vld [tilespmem:$0x2900];
	_ =	sdelay $0x4  }
0x14e: {  	[tilespmem:v2+s23+$0x0] =	vst.idx.msk $0xffff, v16  }
0x14f: {  	v16 =	vld [tilespmem:$0x2980];
	_ =	sdelay $0x4  }
0x150: {  	[tilespmem:v3+s23+$0x0] =	vst.idx.msk $0xffff, v16  }
0x151: {  	v16 =	vld [tilespmem:$0x2A00];
	_ =	sdelay $0x4  }
0x152: {  	[tilespmem:v4+s23+$0x0] =	vst.idx.msk $0xffff, v16  }
0x153: {  	v16 =	vld [tilespmem:$0x2A80];
	_ =	sdelay $0x4  }
0x154: {  	[tilespmem:v5+s23+$0x0] =	vst.idx.msk $0xffff, v16  }
0x155: {  	v16 =	vld [tilespmem:$0x2B00];
	_ =	sdelay $0x4  }
0x156: {  	[tilespmem:v6+s23+$0x0] =	vst.idx.msk $0xffff, v16  }
0x157: {  	v16 =	vld [tilespmem:$0x2B80];
	_ =	sdelay $0x4  }
0x158: {  	[tilespmem:v7+s23+$0x0] =	vst.idx.msk $0xffff, v16  }
0x159: {  	v16 =	vld [tilespmem:$0x2C00];
	_ =	sdelay $0x4  }
0x15a: {  	[tilespmem:v8+s23+$0x0] =	vst.idx.msk $0xffff, v16  }
0x15b: {  	v16 =	vld [tilespmem:$0x2C80];
	_ =	sdelay $0x4  }
0x15c: {  	[tilespmem:v9+s23+$0x0] =	vst.idx.msk $0xffff, v16  }
0x15d: {  	v16 =	vld [tilespmem:$0x2D00];
	_ =	sdelay $0x4  }
0x15e: {  	[tilespmem:v10+s23+$0x0] =	vst.idx.msk $0xffff, v16  }
0x15f: {  	v16 =	vld [tilespmem:$0x2D80];
	_ =	sdelay $0x4  }
0x160: {  	[tilespmem:v11+s23+$0x0] =	vst.idx.msk $0xffff, v16  }
0x161: {  	v16 =	vld [tilespmem:$0x2E00];
	_ =	sdelay $0x4  }
0x162: {  	[tilespmem:v12+s23+$0x0] =	vst.idx.msk $0xffff, v16  }
0x163: {  	v16 =	vld [tilespmem:$0x2E80];
	_ =	sdelay $0x4  }
0x164: {  	[tilespmem:v13+s23+$0x0] =	vst.idx.msk $0xffff, v16  }
0x165: {  	v16 =	vld [tilespmem:$0x2F00];
	_ =	sdelay $0x4  }
0x166: {  	[tilespmem:v14+s23+$0x0] =	vst.idx.msk $0xffff, v16  }
0x167: {  	v16 =	vld [tilespmem:$0x2F80];
	_ =	sdelay $0x4  }
0x168: {  	[tilespmem:v15+s23+$0x0] =	vst.idx.msk $0xffff, v16  }
0x169: {  	v16 =	vld [tilespmem:$0x2810];
	_ =	sdelay $0x4  }
0x16a: {  	[tilespmem:v0+s24+$0x0] =	vst.idx.msk $0xffff, v16  }
0x16b: {  	v16 =	vld [tilespmem:$0x2890];
	_ =	sdelay $0x4  }
0x16c: {  	[tilespmem:v1+s24+$0x0] =	vst.idx.msk $0xffff, v16  }
0x16d: {  	v16 =	vld [tilespmem:$0x2910];
	_ =	sdelay $0x4  }
0x16e: {  	[tilespmem:v2+s24+$0x0] =	vst.idx.msk $0xffff, v16  }
0x16f: {  	v16 =	vld [tilespmem:$0x2990];
	_ =	sdelay $0x4  }
0x170: {  	[tilespmem:v3+s24+$0x0] =	vst.idx.msk $0xffff, v16  }
0x171: {  	v16 =	vld [tilespmem:$0x2A10];
	_ =	sdelay $0x4  }
0x172: {  	[tilespmem:v4+s24+$0x0] =	vst.idx.msk $0xffff, v16  }
0x173: {  	v16 =	vld [tilespmem:$0x2A90];
	_ =	sdelay $0x4  }
0x174: {  	[tilespmem:v5+s24+$0x0] =	vst.idx.msk $0xffff, v16  }
0x175: {  	v16 =	vld [tilespmem:$0x2B10];
	_ =	sdelay $0x4  }
0x176: {  	[tilespmem:v6+s24+$0x0] =	vst.idx.msk $0xffff, v16  }
0x177: {  	v16 =	vld [tilespmem:$0x2B90];
	_ =	sdelay $0x4  }
0x178: {  	[tilespmem:v7+s24+$0x0] =	vst.idx.msk $0xffff, v16  }
0x179: {  	v16 =	vld [tilespmem:$0x2C10];
	_ =	sdelay $0x4  }
0x17a: {  	[tilespmem:v8+s24+$0x0] =	vst.idx.msk $0xffff, v16  }
0x17b: {  	v16 =	vld [tilespmem:$0x2C90];
	_ =	sdelay $0x4  }
0x17c: {  	[tilespmem:v9+s24+$0x0] =	vst.idx.msk $0xffff, v16  }
0x17d: {  	v16 =	vld [tilespmem:$0x2D10];
	_ =	sdelay $0x4  }
0x17e: {  	[tilespmem:v10+s24+$0x0] =	vst.idx.msk $0xffff, v16  }
0x17f: {  	v16 =	vld [tilespmem:$0x2D90];
	_ =	sdelay $0x4  }
0x180: {  	[tilespmem:v11+s24+$0x0] =	vst.idx.msk $0xffff, v16  }
0x181: {  	v16 =	vld [tilespmem:$0x2E10];
	_ =	sdelay $0x4  }
0x182: {  	[tilespmem:v12+s24+$0x0] =	vst.idx.msk $0xffff, v16  }
0x183: {  	v16 =	vld [tilespmem:$0x2E90];
	_ =	sdelay $0x4  }
0x184: {  	[tilespmem:v13+s24+$0x0] =	vst.idx.msk $0xffff, v16  }
0x185: {  	v16 =	vld [tilespmem:$0x2F10];
	_ =	sdelay $0x4  }
0x186: {  	[tilespmem:v14+s24+$0x0] =	vst.idx.msk $0xffff, v16  }
0x187: {  	v16 =	vld [tilespmem:$0x2F90];
	_ =	sdelay $0x4  }
0x188: {  	[tilespmem:v15+s24+$0x0] =	vst.idx.msk $0xffff, v16  }
0x189: {  	v16 =	vld [tilespmem:$0x2820];
	_ =	sdelay $0x4  }
0x18a: {  	[tilespmem:v0+s25+$0x0] =	vst.idx.msk $0xffff, v16  }
0x18b: {  	v16 =	vld [tilespmem:$0x28A0];
	_ =	sdelay $0x4  }
0x18c: {  	[tilespmem:v1+s25+$0x0] =	vst.idx.msk $0xffff, v16  }
0x18d: {  	v16 =	vld [tilespmem:$0x2920];
	_ =	sdelay $0x4  }
0x18e: {  	[tilespmem:v2+s25+$0x0] =	vst.idx.msk $0xffff, v16  }
0x18f: {  	v16 =	vld [tilespmem:$0x29A0];
	_ =	sdelay $0x4  }
0x190: {  	[tilespmem:v3+s25+$0x0] =	vst.idx.msk $0xffff, v16  }
0x191: {  	v16 =	vld [tilespmem:$0x2A20];
	_ =	sdelay $0x4  }
0x192: {  	[tilespmem:v4+s25+$0x0] =	vst.idx.msk $0xffff, v16  }
0x193: {  	v16 =	vld [tilespmem:$0x2AA0];
	_ =	sdelay $0x4  }
0x194: {  	[tilespmem:v5+s25+$0x0] =	vst.idx.msk $0xffff, v16  }
0x195: {  	v16 =	vld [tilespmem:$0x2B20];
	_ =	sdelay $0x4  }
0x196: {  	[tilespmem:v6+s25+$0x0] =	vst.idx.msk $0xffff, v16  }
0x197: {  	v16 =	vld [tilespmem:$0x2BA0];
	_ =	sdelay $0x4  }
0x198: {  	[tilespmem:v7+s25+$0x0] =	vst.idx.msk $0xffff, v16  }
0x199: {  	v16 =	vld [tilespmem:$0x2C20];
	_ =	sdelay $0x4  }
0x19a: {  	[tilespmem:v8+s25+$0x0] =	vst.idx.msk $0xffff, v16  }
0x19b: {  	v16 =	vld [tilespmem:$0x2CA0];
	_ =	sdelay $0x4  }
0x19c: {  	[tilespmem:v9+s25+$0x0] =	vst.idx.msk $0xffff, v16  }
0x19d: {  	v16 =	vld [tilespmem:$0x2D20];
	_ =	sdelay $0x4  }
0x19e: {  	[tilespmem:v10+s25+$0x0] =	vst.idx.msk $0xffff, v16  }
0x19f: {  	v16 =	vld [tilespmem:$0x2DA0];
	_ =	sdelay $0x4  }
0x1a0: {  	[tilespmem:v11+s25+$0x0] =	vst.idx.msk $0xffff, v16  }
0x1a1: {  	v16 =	vld [tilespmem:$0x2E20];
	_ =	sdelay $0x4  }
0x1a2: {  	[tilespmem:v12+s25+$0x0] =	vst.idx.msk $0xffff, v16  }
0x1a3: {  	v16 =	vld [tilespmem:$0x2EA0];
	_ =	sdelay $0x4  }
0x1a4: {  	[tilespmem:v13+s25+$0x0] =	vst.idx.msk $0xffff, v16  }
0x1a5: {  	v16 =	vld [tilespmem:$0x2F20];
	_ =	sdelay $0x4  }
0x1a6: {  	[tilespmem:v14+s25+$0x0] =	vst.idx.msk $0xffff, v16  }
0x1a7: {  	v16 =	vld [tilespmem:$0x2FA0];
	_ =	sdelay $0x4  }
0x1a8: {  	[tilespmem:v15+s25+$0x0] =	vst.idx.msk $0xffff, v16  }
0x1a9: {  	v16 =	vld [tilespmem:$0x2830];
	_ =	sdelay $0x4  }
0x1aa: {  	[tilespmem:v0+s26+$0x0] =	vst.idx.msk $0xffff, v16  }
0x1ab: {  	v16 =	vld [tilespmem:$0x28B0];
	_ =	sdelay $0x4  }
0x1ac: {  	[tilespmem:v1+s26+$0x0] =	vst.idx.msk $0xffff, v16  }
0x1ad: {  	v16 =	vld [tilespmem:$0x2930];
	_ =	sdelay $0x4  }
0x1ae: {  	[tilespmem:v2+s26+$0x0] =	vst.idx.msk $0xffff, v16  }
0x1af: {  	v16 =	vld [tilespmem:$0x29B0];
	_ =	sdelay $0x4  }
0x1b0: {  	[tilespmem:v3+s26+$0x0] =	vst.idx.msk $0xffff, v16  }
0x1b1: {  	v16 =	vld [tilespmem:$0x2A30];
	_ =	sdelay $0x4  }
0x1b2: {  	[tilespmem:v4+s26+$0x0] =	vst.idx.msk $0xffff, v16  }
0x1b3: {  	v16 =	vld [tilespmem:$0x2AB0];
	_ =	sdelay $0x4  }
0x1b4: {  	[tilespmem:v5+s26+$0x0] =	vst.idx.msk $0xffff, v16  }
0x1b5: {  	v16 =	vld [tilespmem:$0x2B30];
	_ =	sdelay $0x4  }
0x1b6: {  	[tilespmem:v6+s26+$0x0] =	vst.idx.msk $0xffff, v16  }
0x1b7: {  	v16 =	vld [tilespmem:$0x2BB0];
	_ =	sdelay $0x4  }
0x1b8: {  	[tilespmem:v7+s26+$0x0] =	vst.idx.msk $0xffff, v16  }
0x1b9: {  	v16 =	vld [tilespmem:$0x2C30];
	_ =	sdelay $0x4  }
0x1ba: {  	[tilespmem:v8+s26+$0x0] =	vst.idx.msk $0xffff, v16  }
0x1bb: {  	v16 =	vld [tilespmem:$0x2CB0];
	_ =	sdelay $0x4  }
0x1bc: {  	[tilespmem:v9+s26+$0x0] =	vst.idx.msk $0xffff, v16  }
0x1bd: {  	v16 =	vld [tilespmem:$0x2D30];
	_ =	sdelay $0x4  }
0x1be: {  	[tilespmem:v10+s26+$0x0] =	vst.idx.msk $0xffff, v16  }
0x1bf: {  	v16 =	vld [tilespmem:$0x2DB0];
	_ =	sdelay $0x4  }
0x1c0: {  	[tilespmem:v11+s26+$0x0] =	vst.idx.msk $0xffff, v16  }
0x1c1: {  	v16 =	vld [tilespmem:$0x2E30];
	_ =	sdelay $0x4  }
0x1c2: {  	[tilespmem:v12+s26+$0x0] =	vst.idx.msk $0xffff, v16  }
0x1c3: {  	v16 =	vld [tilespmem:$0x2EB0];
	_ =	sdelay $0x4  }
0x1c4: {  	[tilespmem:v13+s26+$0x0] =	vst.idx.msk $0xffff, v16  }
0x1c5: {  	v16 =	vld [tilespmem:$0x2F30];
	_ =	sdelay $0x4  }
0x1c6: {  	[tilespmem:v14+s26+$0x0] =	vst.idx.msk $0xffff, v16  }
0x1c7: {  	v16 =	vld [tilespmem:$0x2FB0];
	_ =	sdelay $0x4  }
.Ltmp4:
0x1c8: {  	s31 =	rddreg [dreg:$0x6];
	[tilespmem:v15+s26+$0x0] =	vst.idx.msk $0xffff, v16;
	(pc) =	sbr.rel .LBB2_5-.Ltmp4, $4  }
0x1c9: {  	[hbm4b:s31+s2] =	stream.linear.scatter [tilespmem:s23], [sflag:$0x4], $0x400, $0x38;
	[tilespmem:$0x3400] =	vst v63  }
0x1ca: {  	_ =	swait.ge [sflag:s28], $0x400  }
0x1cb: {  	[sflag:s28] =	ssyncset.done $0x0  }
0x1cc: {  	[sflag:s28] =	ssyncadd.s32 $0xFFFFFC00  }
.LBB2_6:
0x1cd: {  	_ =	sfence.sel $0x180000  }
0x1ce: {  	[bflag:$0x0] =	sbarrier.arrive $0xFFFF  }
0x1cf: {  	_ =	strace $0x90000047  }
0x1d0: {  	s0 =	stileid.u32;
	[bflag:$0x2] =	sbarrier.arrive $0xFFFF  }
0x1d1: {  	p0 =	sne.s32 s0, $0x0;
	s0 =	rddreg [dreg:$0x2]  }
0x1d2: {  	s0 =	sadd.s32 @!p0 $0x100000, s0  }
0x1d3: {  	[sflag:s0] =	ssyncadd.tile.s32 @!p0 $0x1;
	_ =	shalt  }
.Lfunc_end2:
_tile_overlayer_lowered:
.L_overlay_start_2:
0x1d4: {  	(tag) =	ssettag $0x2  }
0x1d5: {  	s0 =	rddreg [dreg:$0x0];
	s2 =	stileid.u32  }
0x1d6: {  	s1 =	rddreg [dreg:$0x1];
	p0 =	sne.s32 s2, $0x0  }
0x1d7: {  	s3 =	rddreg [dreg:$0x2];
	[bflag:$0x3] =	sbarrier.arrive $0xFFFF;
	s2 =	simm.s32 @!p0 $0x1C04  }
0x1d8: {  	[timem:s3], [sflag:s2] =	dma.local @!p0 [hbm:s0], s1  }
0x1d9: {  	s0 =	simm.s32 @!p0 $0x4  }
0x1da: {  	_ =	swait.ge @!p0 [sflag:s0], s1  }
0x1db: {  	s1 =	ssub.s32 @!p0 $0x0, s1;
	[sflag:s0] =	ssyncset.done @!p0 $0x0  }
0x1dc: {  	[sflag:s0] =	ssyncadd.s32 @!p0 s1  }
0x1dd: {  	[bflag:$0x3] =	sbarrier.arrive $0xFFFF  }
0x1de: {  	_ =	shalt  }

// kernel: kernel.8.cloned.1.call-start
scs
__scs_entry_jumppad:
0x0: {  	(pc) =	sbr.rel $0x88, $3  }
0x1: {  	(tag) =	ssettag $0x0;
	lr =	simm.s32 $0x1  }
0x2: {  	[smem:$0x3F95] =	sst lr;
	_ =	strace $0xD0000000  }
0x3: {  	_ = 	snop  }
0x4: {  	_ = 	snop  }
0x5: {  	_ = 	snop  }
0x6: {  	_ = 	snop  }
0x7: {  	_ = 	snop  }
__scs_overlays_trampoline_lowered:
0x8: {  	[smem:$0x3FA4] =	sst s0  }
0x9: {  	[smem:$0x3FA5] =	sst s1  }
0xa: {  	[smem:$0x3FA6] =	sst s2  }
0xb: {  	[smem:$0x3FA7] =	sst s3  }
0xc: {  	[smem:$0x3FA8] =	sst s4  }
0xd: {  	[smem:$0x3FA9] =	sst s5  }
0xe: {  	[smem:$0x3FAA] =	sst s6  }
0xf: {  	[smem:$0x3FAB] =	sst s7  }
0x10: {  	[smem:$0x3FAC] =	sst s8  }
0x11: {  	[smem:$0x3FAD] =	sst s9;
	s0 =	simm.s32 @!p0 $0x0  }
0x12: {  	s1 =	sld [smem:$0x3F93];
	s0 =	simm.s32 @p0 $0x1  }
0x13: {  	[smem:$0x3FAE] =	sst s0;
	s0 =	simm.s32 @!p1 $0x0  }
0x14: {  	s2 =	sld [smem:$0x3F92];
	s0 =	simm.s32 @p1 $0x1  }
0x15: {  	[smem:$0x3FAF] =	sst s0;
	s0 =	simm.s32 @!p2 $0x0  }
0x16: {  	s3 =	sld [smem:$0x3FDB];
	s0 =	simm.s32 @p2 $0x1  }
0x17: {  	s4 =	simm.s32 $0x1BF5;
	[smem:$0x3FB1] =	sst s0  }
0x18: {  	s0 =	sld [smem:$0x3F94];
	_ =	swait.ge [sflag:s4], $0x0  }
0x19: {  	s7 =	sld [smem:$0x3F95]  }
0x1a: {  	s8 =	sadd.s32 $0xFFFFE003, lr  }
0x1b: {  	s9 =	sadd.s32 $0xFFFFFEF7, lr;
	s5 =	simm.s32 $0xFFFFFFFF;
	p2 =	slt.u32 s8, $0xFFFFF086  }
0x1c: {  	p1 =	slt.u32 s9, $0xF7A;
	s5 =	simm.s32 @!p2 $0x0  }
0x1d: {  	s5 =	simm.s32 @p1 $0x1;
	p0 =	seq.s32 s7, s2  }
0x1e: {  	s7 =	smul.u32 @!p0 $0xF7A, s2;
	p2 =	seq.s32 @!p0 s5, $0x0  }
0x1f: {  	s9 =	smul.u32 $0xF7A, s1;
	s8 =	simm.s32 @!p0 $0x1BF5;
	p2 =	por !p2, p0  }
0x20: {  	[sflag:s8] =	ssyncset.s32 @!p0 $0xFFFFF086;
	s6 =	sadd.s32 @!p0 s3, s7;
	s7 =	simm.s32 @!p0 $0x108  }
0x21: {  	s3 =	sadd.s32 s3, s9;
	s6 =	sadd.s32 @!p0 $0x88, s6;
	s7 =	simm.s32 @p2 $0x1082  }
0x22: {  	[simem:s7], [sflag:s8] =	dma.local @!p0 [hbm:s6], $0xF7A  }
0x23: {  	s9 =	sor.u32 $0xD0000000, s2;
	s6 =	simm.s32 $0x108;
	_ =	swait.ge @!p0 [sflag:s8], $0x0  }
0x24: {  	s3 =	sadd.s32 $0x88, s3;
	s6 =	simm.s32 @!p1 $0x1082;
	[sflag:s4] =	ssyncset.s32 $0xFFFFF086  }
0x25: {  	[simem:s6], [sflag:s4] =	dma.local [hbm:s3], $0xF7A  }
0x26: {  	[smem:$0x3F95] =	sst s1;
	(tag) =	ssettag s2;
	_ =	strace s9  }
0x27: {  	s1 =	sld [smem:$0x3FA5]  }
0x28: {  	s2 =	sld [smem:$0x3FA6]  }
0x29: {  	s4 =	sld [smem:$0x3FA8]  }
0x2a: {  	p0 =	seq.s32 s5, $0x0;
	s5 =	sld [smem:$0x3FA9]  }
0x2b: {  	s6 =	sld [smem:$0x3FAA]  }
0x2c: {  	s7 =	sld [smem:$0x3FAB]  }
0x2d: {  	s3 =	simm.s32 $0x108;
	s8 =	sld [smem:$0x3FAC]  }
0x2e: {  	s3 =	simm.s32 @!p0 $0x1082;
	s9 =	sld [smem:$0x3FAD]  }
0x2f: {  	lr =	sadd.s32 s0, s3;
	s0 =	sld [smem:$0x3FA4]  }
0x30: {  	s3 =	sld [smem:$0x3FA7]  }
0x31: {  	[smem:$0x3FB0] =	sst s10  }
0x32: {  	s10 =	sld [smem:$0x3FAE];
	_ =	sdelay $0x3  }
0x33: {  	p0 =	seq.s32 s10, $0x1;
	s10 =	sld [smem:$0x3FB0];
	_ =	sdelay $0x3  }
0x34: {  	[smem:$0x3FB0] =	sst s10  }
0x35: {  	s10 =	sld [smem:$0x3FAF];
	_ =	sdelay $0x3  }
0x36: {  	p1 =	seq.s32 s10, $0x1;
	s10 =	sld [smem:$0x3FB0];
	_ =	sdelay $0x3  }
0x37: {  	[smem:$0x3FB0] =	sst s10  }
0x38: {  	s10 =	sld [smem:$0x3FB1]  }
0x39: {  	_ = 	snop;
	(pc) =	sbr.ind lr, $3  }
0x3a: {  	_ = 	snop  }
0x3b: {  	_ = 	snop  }
0x3c: {  	p2 =	seq.s32 s10, $0x1;
	s10 =	sld [smem:$0x3FB0]  }
0x3d: {  	_ =	shalt  }
0x3e: {  	_ =	shalt  }
0x3f: {  	_ =	shalt  }
0x40: {  	_ =	shalt  }
0x41: {  	_ =	shalt  }
0x42: {  	_ =	shalt  }
0x43: {  	_ =	shalt  }
0x44: {  	_ =	shalt  }
0x45: {  	_ =	shalt  }
0x46: {  	_ =	shalt  }
0x47: {  	_ =	shalt  }
0x48: {  	_ =	shalt  }
0x49: {  	_ =	shalt  }
0x4a: {  	_ =	shalt  }
0x4b: {  	_ =	shalt  }
0x4c: {  	_ =	shalt  }
0x4d: {  	_ =	shalt  }
0x4e: {  	_ =	shalt  }
0x4f: {  	_ =	shalt  }
0x50: {  	_ =	shalt  }
0x51: {  	_ =	shalt  }
0x52: {  	_ =	shalt  }
0x53: {  	_ =	shalt  }
0x54: {  	_ =	shalt  }
0x55: {  	_ =	shalt  }
0x56: {  	_ =	shalt  }
0x57: {  	_ =	shalt  }
0x58: {  	_ =	shalt  }
0x59: {  	_ =	shalt  }
0x5a: {  	_ =	shalt  }
0x5b: {  	_ =	shalt  }
0x5c: {  	_ =	shalt  }
0x5d: {  	_ =	shalt  }
0x5e: {  	_ =	shalt  }
0x5f: {  	_ =	shalt  }
0x60: {  	_ =	shalt  }
0x61: {  	_ =	shalt  }
0x62: {  	_ =	shalt  }
0x63: {  	_ =	shalt  }
0x64: {  	_ =	shalt  }
0x65: {  	_ =	shalt  }
0x66: {  	_ =	shalt  }
0x67: {  	_ =	shalt  }
0x68: {  	_ =	shalt  }
0x69: {  	_ =	shalt  }
0x6a: {  	_ =	shalt  }
0x6b: {  	_ =	shalt  }
0x6c: {  	_ =	shalt  }
0x6d: {  	_ =	shalt  }
0x6e: {  	_ =	shalt  }
0x6f: {  	_ =	shalt  }
0x70: {  	_ =	shalt  }
0x71: {  	_ =	shalt  }
0x72: {  	_ =	shalt  }
0x73: {  	_ =	shalt  }
0x74: {  	_ =	shalt  }
0x75: {  	_ =	shalt  }
0x76: {  	_ =	shalt  }
0x77: {  	_ =	shalt  }
0x78: {  	_ =	shalt  }
0x79: {  	_ =	shalt  }
0x7a: {  	_ =	shalt  }
0x7b: {  	_ =	shalt  }
0x7c: {  	_ =	shalt  }
0x7d: {  	_ =	shalt  }
0x7e: {  	_ =	shalt  }
0x7f: {  	_ =	shalt  }
0x80: {  	_ =	shalt  }
0x81: {  	_ =	shalt  }
0x82: {  	_ =	shalt  }
0x83: {  	_ =	shalt  }
0x84: {  	_ =	shalt  }
0x85: {  	_ =	shalt  }
0x86: {  	_ =	shalt  }
0x87: {  	_ =	shalt  }
.Lfunc_end0:
.L_simem_size_0:
called_computation.1_lowered:
.L_overlay_start_0:
0x88: {  	s2 =	sld [smem:$0x3FD9]  }
0x89: {  	s3 =	sld [smem:$0x3FFE];
	_ =	sdelay $0x1  }
0x8a: {  	s1 =	srdreg.scid  }
0x8b: {  	s0 =	sand.u32 $0x1, s1  }
0x8c: {  	s16 =	sshll.u32 s0, $0xA;
	s2 =	sadd.s32 s3, s2  }
0x8d: {  	s2 =	sadd.s32 s2, s16  }
0x8e: {  	[smem:$0x3FBC] =	sst s2  }
0x8f: {  	_ = 	snop  }
0x90: {  	(tm) =	ssettm $0x1  }
0x91: {  	s17 =	sld [smem:$0x3FFB];
	_ =	sdelay $0x3  }
0x92: {  	_ =	strace s17  }
0x93: {  	s2 =	sld [smem:$0x3FFC];
	_ =	sdelay $0x3  }
0x94: {  	_ =	strace s2  }
0x95: {  	s2 =	sld [smem:$0x3FFD];
	_ =	sdelay $0x3  }
0x96: {  	_ =	strace s2  }
0x97: {  	_ =	strace $0x8FFFFFFF  }
0x98: {  	s18 =	sld [smem:$0x3FDB];
	_ =	sdelay $0x1  }
0x99: {  	s19 =	simm.s32 $_scs_section_size  }
0x9a: {  	s4 =	simm.s32 $_size__tile_overlayer_lowered;
	s5 =	simm.s32 $_tile_overlayer_lowered  }
0x9b: {  	s22 =	simm.s32 $0x1BFF;
	s21 =	sshll.u32 s5, $0x1;
	s2 =	sadd.s32 s19, s18  }
0x9c: {  	s6 =	simm.s32 $0x0;
	s20 =	sshll.u32 s4, $0x1;
	s4 =	sadd.s32 s21, s2  }
0x9d: {  	[timem:s6], [sflag:s22] =	dma.local [hbm:s4], s20  }
0x9e: {  	_ =	swait.ge [sflag:s22], s20  }
0x9f: {  	s3 =	ssub.s32 $0x0, s20;
	[sflag:s22] =	ssyncset.done $0x0  }
0xa0: {  	[sflag:s22] =	ssyncadd.s32 s3;
	_ =	sdelay $0x1  }
0xa1: {  	s23 =	simm.s32 $0x1B8B  }
0xa2: {  	_ =	swait.ge [sflag:s23], $0x1  }
0xa3: {  	[sflag:s23] =	ssyncset.done $0x0  }
0xa4: {  	s25 =	simm.s32 $0x1B8E;
	s24 =	sld [smem:$0x3FFE];
	[sflag:s23] =	ssyncadd.s32 $0xFFFFFFFF  }
0xa5: {  	s26 =	simm.s32 $execute0_lowered;
	[smem:$0x3FD2] =	sst s25  }
0xa6: {  	s4 =	sshll.u32 s26, $0x1;
	_ =	strace $0x80000049;
	[dreg:$0x1] =	wrdreg $0xFFFFFFFF  }
0xa7: {  	s28 =	simm.s32 $_size_execute0_lowered;
	s2 =	sadd.s32 s2, s4;
	[dreg:$0x0] =	wrdreg $0x0  }
0xa8: {  	s4 =	sshll.u32 s28, $0x1;
	[dreg:$0x2] =	wrdreg s2  }
0xa9: {  	[dreg:$0x3] =	wrdreg s4  }
0xaa: {  	[dreg:$0x4] =	wrdreg $0xC0  }
0xab: {  	_ =	task [dreg:s6], $0x5FFFF  }
0xac: {  	[dreg:$0x1] =	wrdreg $0xFFFFFFFF  }
0xad: {  	[dreg:$0x0] =	wrdreg $0x60  }
0xae: {  	[dreg:$0x2] =	wrdreg s24  }
0xaf: {  	[dreg:$0x3] =	wrdreg $0x9  }
0xb0: {  	_ =	task.clear_ibuf [dreg:s6], $0x4FFFF;
	_ =	strace $0x90000049  }
0xb1: {  	s29 =	simm.s32 $0x9;
	_ =	strace $0x8000004B  }
0xb2: {  	_ =	swait.ge [sflag:s29], $0x1  }
0xb3: {  	[sflag:s29] =	ssyncadd.s32 $0xFFFFFFFF  }
0xb4: {  	_ =	strace $0x9000004B  }
0xb5: {  	_ =	sfence  }
0xb6: {  	s30 =	sld [smem:$0x0];
	_ =	sdelay $0x2  }
0xb7: {  	s31 =	sshll.u32 s1, $0xD;
	s1 =	sshrl.u32 s1, $0x2  }
0xb8: {  	s3 =	sand.u32 $0x4000, s31;
	s1 =	sadd.s32 s1, s30  }
0xb9: {  	s0 =	sor.u32 s3, s0;
	s1 =	sshll.u32 s1, $0x11  }
0xba: {  	s0 =	sor.u32 s1, s0  }
0xbb: {  	s0 =	sadd.s32 $0x8F2B, s0  }
0xbc: {  	[sflag:s0] =	ssyncadd.remote.s32 $0x1  }
0xbd: {  	_ =	sfence.sel $0xFFFF  }
0xbe: {  	[dreg:$0x0] =	wrdreg $0xFFFFFFFF;
	(pc) =	sbr.abs _section_cstart, $3  }
0xbf: {  	[dreg:$0x1] =	wrdreg $0xFFFFFFFF  }
0xc0: {  	_ =	task.clear_ibuf [dreg:s6], $0x2FFFF;
	_ =	strace $0x9FFFFFFF  }
0xc1: {  	(tm) =	ssettm $0x7FFFFFFF  }
tec
execute0_lowered:
.L_overlay_start_1:
0x0: {  	(tag) =	ssettag $0x1  }
0x1: {  	s5 =	rddreg [dreg:$0x0]  }
0x2: {  	s0 =	rddreg [dreg:$0x1]  }
0x3: {  	s2 =	simm.s32 $0x0;
	s3 =	srdreg.scid;
	s1 =	stileid.u32  }
0x4: {  	s12 =	simm.s32 $0x7000;
	s11 =	simm.s32 $0x6800;
	s13 =	simm.s32 $0x8000  }
0x5: {  	s14 =	simm.s32 $0x8800;
	s15 =	simm.s32 $0x9000;
	s16 =	simm.s32 $0x9800  }
0x6: {  	s17 =	simm.s32 $0xA000;
	s18 =	simm.s32 $0x1;
	s19 =	simm.s32 $0x2  }
0x7: {  	s20 =	simm.s32 $0x3400;
	s21 =	simm.s32 $0x0;
	s6 =	sand.u32 $0x1, s3  }
0x8: {  	s7 =	smul.u32 $0x68000, s1;
	s28 =	sshll.u32 s1, $0x1;
	[smem:$0x7FF] =	sst s2  }
0x9: {  	s3 =	sadd.s32 $0x2800, s5;
	s8 =	smul.u32 $0x34000, s6;
	s4 =	sor.u32 s6, s28  }
0xa: {  	_ =	strace $0x8000004A;
	s6 =	ssub.s32 $0x2, s6;
	[dreg:$0x2] =	wrdreg s12  }
0xb: {  	s12 =	simm.s32 $0x7800;
	s9 =	smul.u32 $0x680, s4;
	s30 =	sshrl.u32 s6, $0x1  }
0xc: {  	s4 =	sadd.s32 $0x505200, s5;
	s7 =	sadd.s32 s8, s7;
	s31 =	ssub.s32 s6, s30  }
0xd: {  	s7 =	sshrl.u32 s7, $0x3;
	s29 =	sadd.s32 s9, s5;
	s9 =	simm.s32 $0x3  }
0xe: {  	s10 =	sadd.s32 s7, s5;
	s5 =	sadd.s32 $0x4F8200, s29;
	s6 =	sadd.s32 $0x624800, s29  }
0xf: {  	s7 =	smax.u32 s31, $0x1;
	s8 =	sadd.s32 $0x554800, s10;
	s10 =	simm.s32 $0x80  }
.LBB2_1:
0x10: {  	[tilespmem:s2], [sflag:$0x3] =	stream.linear.gather [hbm4b:s5+s2], $0x3400, $0x38;
	[tilespmem:$0xA800] =	vst v63  }
0x11: {  	_ =	swait.ge [sflag:s9], $0x3400  }
0x12: {  	[sflag:s9] =	ssyncset.done $0x0  }
0x13: {  	s22 =	simm.s32 $0x0;
	[sflag:s9] =	ssyncadd.s32 $0xFFFFCC00  }
0x14: {  	[tilespmem:s11], [sflag:$0x1] =	stream.indirect.gather [hbm4b:s3+s10], $0x10, s22, s10, $0xb8;
	[tilespmem:$0xA800] =	vst v63  }
0x15: {  	s23 =	simm.s32 $0x3400  }
0x16: {  	[tilespmem:s23], [sflag:$0x2] =	stream.indirect.gather [hbm4b:s4+s10], $0x1, s22, s10, $0xb8;
	[tilespmem:$0xA800] =	vst v63  }
0x17: {  	s25 =	simm.s32 $0x80;
	s24 =	rddreg [dreg:$0x2]  }
0x18: {  	[tilespmem:s24], [sflag:$0x1] =	stream.indirect.gather [hbm4b:s3+s10], $0x10, s25, s10, $0xb8;
	[tilespmem:$0xA800] =	vst v63  }
0x19: {  	s26 =	simm.s32 $0x3480  }
0x1a: {  	[tilespmem:s26], [sflag:$0x2] =	stream.indirect.gather [hbm4b:s4+s10], $0x1, s25, s10, $0xb8;
	[tilespmem:$0xA800] =	vst v63  }
0x1b: {  	s28 =	simm.s32 $0x100  }
0x1c: {  	[tilespmem:s12], [sflag:$0x1] =	stream.indirect.gather [hbm4b:s3+s10], $0x10, s28, s10, $0xb8;
	[tilespmem:$0xA800] =	vst v63  }
0x1d: {  	s29 =	simm.s32 $0x3500  }
0x1e: {  	[tilespmem:s29], [sflag:$0x2] =	stream.indirect.gather [hbm4b:s4+s10], $0x1, s28, s10, $0xb8;
	[tilespmem:$0xA800] =	vst v63  }
0x1f: {  	s30 =	simm.s32 $0x180  }
0x20: {  	[tilespmem:s13], [sflag:$0x1] =	stream.indirect.gather [hbm4b:s3+s10], $0x10, s30, s10, $0xb8;
	[tilespmem:$0xA800] =	vst v63  }
0x21: {  	s31 =	simm.s32 $0x3580  }
0x22: {  	[tilespmem:s31], [sflag:$0x2] =	stream.indirect.gather [hbm4b:s4+s10], $0x1, s30, s10, $0xb8;
	[tilespmem:$0xA800] =	vst v63  }
0x23: {  	s23 =	simm.s32 $0x200  }
0x24: {  	[tilespmem:s14], [sflag:$0x1] =	stream.indirect.gather [hbm4b:s3+s10], $0x10, s23, s10, $0xb8;
	[tilespmem:$0xA800] =	vst v63  }
0x25: {  	s24 =	simm.s32 $0x3600  }
0x26: {  	[tilespmem:s24], [sflag:$0x2] =	stream.indirect.gather [hbm4b:s4+s10], $0x1, s23, s10, $0xb8;
	[tilespmem:$0xA800] =	vst v63  }
0x27: {  	s25 =	simm.s32 $0x280  }
0x28: {  	[tilespmem:s15], [sflag:$0x1] =	stream.indirect.gather [hbm4b:s3+s10], $0x10, s25, s10, $0xb8;
	[tilespmem:$0xA800] =	vst v63  }
0x29: {  	s26 =	simm.s32 $0x3680  }
0x2a: {  	[tilespmem:s26], [sflag:$0x2] =	stream.indirect.gather [hbm4b:s4+s10], $0x1, s25, s10, $0xb8;
	[tilespmem:$0xA800] =	vst v63  }
0x2b: {  	s28 =	simm.s32 $0x300  }
0x2c: {  	[tilespmem:s16], [sflag:$0x1] =	stream.indirect.gather [hbm4b:s3+s10], $0x10, s28, s10, $0xb8;
	[tilespmem:$0xA800] =	vst v63  }
0x2d: {  	s29 =	simm.s32 $0x3700  }
0x2e: {  	[tilespmem:s29], [sflag:$0x2] =	stream.indirect.gather [hbm4b:s4+s10], $0x1, s28, s10, $0xb8;
	[tilespmem:$0xA800] =	vst v63  }
0x2f: {  	s30 =	simm.s32 $0x380  }
0x30: {  	[tilespmem:s17], [sflag:$0x1] =	stream.indirect.gather [hbm4b:s3+s10], $0x10, s30, s10, $0xb8;
	[tilespmem:$0xA800] =	vst v63  }
0x31: {  	s31 =	simm.s32 $0x3780  }
0x32: {  	[tilespmem:s31], [sflag:$0x2] =	stream.indirect.gather [hbm4b:s4+s10], $0x1, s30, s10, $0xb8;
	[tilespmem:$0xA800] =	vst v63  }
0x33: {  	_ =	swait.ge [sflag:s18], $0x800  }
0x34: {  	[sflag:s18] =	ssyncset.done $0x0  }
0x35: {  	[sflag:s18] =	ssyncadd.s32 $0xFFFFF800  }
0x36: {  	_ =	swait.ge [sflag:s19], $0x80  }
0x37: {  	[sflag:s19] =	ssyncset.done $0x0  }
0x38: {  	[sflag:s19] =	ssyncadd.s32 $0xFFFFFF80  }
0x39: {  	_ =	swait.ge [sflag:s18], $0x800  }
0x3a: {  	[sflag:s18] =	ssyncset.done $0x0  }
0x3b: {  	[sflag:s18] =	ssyncadd.s32 $0xFFFFF800  }
0x3c: {  	_ =	swait.ge [sflag:s19], $0x80  }
0x3d: {  	[sflag:s19] =	ssyncset.done $0x0  }
0x3e: {  	[sflag:s19] =	ssyncadd.s32 $0xFFFFFF80  }
0x3f: {  	_ =	swait.ge [sflag:s18], $0x800  }
0x40: {  	[sflag:s18] =	ssyncset.done $0x0  }
0x41: {  	[sflag:s18] =	ssyncadd.s32 $0xFFFFF800  }
0x42: {  	_ =	swait.ge [sflag:s19], $0x80  }
0x43: {  	[sflag:s19] =	ssyncset.done $0x0  }
0x44: {  	[sflag:s19] =	ssyncadd.s32 $0xFFFFFF80  }
0x45: {  	_ =	swait.ge [sflag:s18], $0x800  }
0x46: {  	[sflag:s18] =	ssyncset.done $0x0  }
0x47: {  	[sflag:s18] =	ssyncadd.s32 $0xFFFFF800  }
0x48: {  	_ =	swait.ge [sflag:s19], $0x80  }
0x49: {  	[sflag:s19] =	ssyncset.done $0x0  }
0x4a: {  	[sflag:s19] =	ssyncadd.s32 $0xFFFFFF80  }
0x4b: {  	_ =	swait.ge [sflag:s18], $0x800  }
0x4c: {  	[sflag:s18] =	ssyncset.done $0x0  }
0x4d: {  	[sflag:s18] =	ssyncadd.s32 $0xFFFFF800  }
0x4e: {  	_ =	swait.ge [sflag:s19], $0x80  }
0x4f: {  	[sflag:s19] =	ssyncset.done $0x0  }
0x50: {  	[sflag:s19] =	ssyncadd.s32 $0xFFFFFF80  }
0x51: {  	_ =	swait.ge [sflag:s18], $0x800  }
0x52: {  	[sflag:s18] =	ssyncset.done $0x0  }
0x53: {  	[sflag:s18] =	ssyncadd.s32 $0xFFFFF800  }
0x54: {  	_ =	swait.ge [sflag:s19], $0x80  }
0x55: {  	[sflag:s19] =	ssyncset.done $0x0  }
0x56: {  	[sflag:s19] =	ssyncadd.s32 $0xFFFFFF80  }
0x57: {  	_ =	swait.ge [sflag:s18], $0x800  }
0x58: {  	[sflag:s18] =	ssyncset.done $0x0  }
0x59: {  	[sflag:s18] =	ssyncadd.s32 $0xFFFFF800  }
0x5a: {  	_ =	swait.ge [sflag:s19], $0x80  }
0x5b: {  	[sflag:s19] =	ssyncset.done $0x0  }
0x5c: {  	[sflag:s19] =	ssyncadd.s32 $0xFFFFFF80  }
0x5d: {  	_ =	swait.ge [sflag:s18], $0x800  }
0x5e: {  	[sflag:s18] =	ssyncset.done $0x0  }
0x5f: {  	[sflag:s18] =	ssyncadd.s32 $0xFFFFF800  }
0x60: {  	_ =	swait.ge [sflag:s19], $0x80  }
0x61: {  	[sflag:s19] =	ssyncset.done $0x0  }
0x62: {  	[sflag:s19] =	ssyncadd.s32 $0xFFFFFF80  }
0x63: {  	[hbm4b:s8+s2] =	stream.linear.scatter [tilespmem:s11], [sflag:$0x3], $0x4000, $0x38;
	[tilespmem:$0xA800] =	vst v63  }
0x64: {  	s22 =	sadd.s32 $0x800, s8;
	_ =	swait.ge [sflag:s9], $0x4000  }
0x65: {  	s23 =	simm.s32 $0x1000;
	s26 =	simm.s32 $0x2000;
	[sflag:s9] =	ssyncset.done $0x0  }
.LBB2_2:
0x66: {  	s25 =	sshra.s32 s23, $0x2;
	[sflag:s9] =	ssyncadd.s32 $0xFFFFC000  }
0x67: {  	[tilespmem:s11], [sflag:$0x1] =	stream.indirect.gather [hbm4b:s3+s10], $0x10, s25, s10, $0xb8;
	[tilespmem:$0xA800] =	vst v63  }
0x68: {  	s30 =	sadd.s32 $0x3400, s25  }
0x69: {  	[tilespmem:s30], [sflag:$0x2] =	stream.indirect.gather [hbm4b:s4+s10], $0x1, s25, s10, $0xb8;
	[tilespmem:$0xA800] =	vst v63  }
0x6a: {  	s28 =	rddreg [dreg:$0x2];
	s31 =	sadd.s32 $0x80, s25  }
0x6b: {  	[tilespmem:s28], [sflag:$0x1] =	stream.indirect.gather [hbm4b:s3+s10], $0x10, s31, s10, $0xb8;
	[tilespmem:$0xA800] =	vst v63  }
0x6c: {  	s29 =	sadd.s32 $0x3480, s25  }
0x6d: {  	[tilespmem:s29], [sflag:$0x2] =	stream.indirect.gather [hbm4b:s4+s10], $0x1, s31, s10, $0xb8;
	[tilespmem:$0xA800] =	vst v63  }
0x6e: {  	s30 =	sadd.s32 $0x100, s25  }
0x6f: {  	[tilespmem:s12], [sflag:$0x1] =	stream.indirect.gather [hbm4b:s3+s10], $0x10, s30, s10, $0xb8;
	[tilespmem:$0xA800] =	vst v63  }
0x70: {  	s31 =	sadd.s32 $0x3500, s25  }
0x71: {  	[tilespmem:s31], [sflag:$0x2] =	stream.indirect.gather [hbm4b:s4+s10], $0x1, s30, s10, $0xb8;
	[tilespmem:$0xA800] =	vst v63  }
0x72: {  	s29 =	sadd.s32 $0x180, s25  }
0x73: {  	[tilespmem:s13], [sflag:$0x1] =	stream.indirect.gather [hbm4b:s3+s10], $0x10, s29, s10, $0xb8;
	[tilespmem:$0xA800] =	vst v63  }
0x74: {  	s30 =	sadd.s32 $0x3580, s25  }
0x75: {  	[tilespmem:s30], [sflag:$0x2] =	stream.indirect.gather [hbm4b:s4+s10], $0x1, s29, s10, $0xb8;
	[tilespmem:$0xA800] =	vst v63  }
0x76: {  	s31 =	sadd.s32 $0x200, s25  }
0x77: {  	[tilespmem:s14], [sflag:$0x1] =	stream.indirect.gather [hbm4b:s3+s10], $0x10, s31, s10, $0xb8;
	[tilespmem:$0xA800] =	vst v63  }
0x78: {  	s29 =	sadd.s32 $0x3600, s25  }
0x79: {  	[tilespmem:s29], [sflag:$0x2] =	stream.indirect.gather [hbm4b:s4+s10], $0x1, s31, s10, $0xb8;
	[tilespmem:$0xA800] =	vst v63  }
0x7a: {  	s30 =	sadd.s32 $0x280, s25  }
0x7b: {  	[tilespmem:s15], [sflag:$0x1] =	stream.indirect.gather [hbm4b:s3+s10], $0x10, s30, s10, $0xb8;
	[tilespmem:$0xA800] =	vst v63  }
0x7c: {  	s31 =	sadd.s32 $0x3680, s25  }
0x7d: {  	[tilespmem:s31], [sflag:$0x2] =	stream.indirect.gather [hbm4b:s4+s10], $0x1, s30, s10, $0xb8;
	[tilespmem:$0xA800] =	vst v63  }
0x7e: {  	s29 =	sadd.s32 $0x300, s25  }
0x7f: {  	[tilespmem:s16], [sflag:$0x1] =	stream.indirect.gather [hbm4b:s3+s10], $0x10, s29, s10, $0xb8;
	[tilespmem:$0xA800] =	vst v63  }
0x80: {  	s30 =	sadd.s32 $0x3700, s25  }
0x81: {  	[tilespmem:s30], [sflag:$0x2] =	stream.indirect.gather [hbm4b:s4+s10], $0x1, s29, s10, $0xb8;
	[tilespmem:$0xA800] =	vst v63  }
0x82: {  	s31 =	sadd.s32 $0x380, s25  }
0x83: {  	[tilespmem:s17], [sflag:$0x1] =	stream.indirect.gather [hbm4b:s3+s10], $0x10, s31, s10, $0xb8;
	[tilespmem:$0xA800] =	vst v63  }
0x84: {  	s25 =	sadd.s32 $0x3780, s25  }
0x85: {  	[tilespmem:s25], [sflag:$0x2] =	stream.indirect.gather [hbm4b:s4+s10], $0x1, s31, s10, $0xb8;
	[tilespmem:$0xA800] =	vst v63  }
0x86: {  	_ =	swait.ge [sflag:s18], $0x800  }
0x87: {  	[sflag:s18] =	ssyncset.done $0x0  }
0x88: {  	[sflag:s18] =	ssyncadd.s32 $0xFFFFF800  }
0x89: {  	_ =	swait.ge [sflag:s19], $0x80  }
0x8a: {  	[sflag:s19] =	ssyncset.done $0x0  }
0x8b: {  	[sflag:s19] =	ssyncadd.s32 $0xFFFFFF80  }
0x8c: {  	_ =	swait.ge [sflag:s18], $0x800  }
0x8d: {  	[sflag:s18] =	ssyncset.done $0x0  }
0x8e: {  	[sflag:s18] =	ssyncadd.s32 $0xFFFFF800  }
0x8f: {  	_ =	swait.ge [sflag:s19], $0x80  }
0x90: {  	[sflag:s19] =	ssyncset.done $0x0  }
0x91: {  	[sflag:s19] =	ssyncadd.s32 $0xFFFFFF80  }
0x92: {  	_ =	swait.ge [sflag:s18], $0x800  }
0x93: {  	[sflag:s18] =	ssyncset.done $0x0  }
0x94: {  	[sflag:s18] =	ssyncadd.s32 $0xFFFFF800  }
0x95: {  	_ =	swait.ge [sflag:s19], $0x80  }
0x96: {  	[sflag:s19] =	ssyncset.done $0x0  }
0x97: {  	[sflag:s19] =	ssyncadd.s32 $0xFFFFFF80  }
0x98: {  	_ =	swait.ge [sflag:s18], $0x800  }
0x99: {  	[sflag:s18] =	ssyncset.done $0x0  }
0x9a: {  	[sflag:s18] =	ssyncadd.s32 $0xFFFFF800  }
0x9b: {  	_ =	swait.ge [sflag:s19], $0x80  }
0x9c: {  	[sflag:s19] =	ssyncset.done $0x0  }
0x9d: {  	[sflag:s19] =	ssyncadd.s32 $0xFFFFFF80  }
0x9e: {  	_ =	swait.ge [sflag:s18], $0x800  }
0x9f: {  	[sflag:s18] =	ssyncset.done $0x0  }
0xa0: {  	[sflag:s18] =	ssyncadd.s32 $0xFFFFF800  }
0xa1: {  	_ =	swait.ge [sflag:s19], $0x80  }
0xa2: {  	[sflag:s19] =	ssyncset.done $0x0  }
0xa3: {  	[sflag:s19] =	ssyncadd.s32 $0xFFFFFF80  }
0xa4: {  	_ =	swait.ge [sflag:s18], $0x800  }
0xa5: {  	[sflag:s18] =	ssyncset.done $0x0  }
0xa6: {  	[sflag:s18] =	ssyncadd.s32 $0xFFFFF800  }
0xa7: {  	_ =	swait.ge [sflag:s19], $0x80  }
0xa8: {  	[sflag:s19] =	ssyncset.done $0x0  }
0xa9: {  	[sflag:s19] =	ssyncadd.s32 $0xFFFFFF80  }
0xaa: {  	_ =	swait.ge [sflag:s18], $0x800  }
0xab: {  	[sflag:s18] =	ssyncset.done $0x0  }
0xac: {  	[sflag:s18] =	ssyncadd.s32 $0xFFFFF800  }
0xad: {  	_ =	swait.ge [sflag:s19], $0x80  }
0xae: {  	[sflag:s19] =	ssyncset.done $0x0  }
0xaf: {  	[sflag:s19] =	ssyncadd.s32 $0xFFFFFF80  }
0xb0: {  	_ =	swait.ge [sflag:s18], $0x800  }
0xb1: {  	[sflag:s18] =	ssyncset.done $0x0  }
0xb2: {  	[sflag:s18] =	ssyncadd.s32 $0xFFFFF800  }
0xb3: {  	p0 =	sne.s32 s26, $0xC000;
	_ =	swait.ge [sflag:s19], $0x80  }
.Ltmp0:
0xb4: {  	[sflag:s19] =	ssyncset.done $0x0;
	(pc) =	sbr.rel @p0 .LBB2_2-.Ltmp0, $4  }
0xb5: {  	[sflag:s19] =	ssyncadd.s32 $0xFFFFFF80  }
0xb6: {  	[hbm4b:s22+s2] =	stream.linear.scatter [tilespmem:s11], [sflag:$0x3], $0x4000, $0x38;
	[tilespmem:$0xA800] =	vst v63  }
0xb7: {  	s23 =	smov.u32 s26;
	s24 =	sadd.s32 $0x1000, s26;
	_ =	swait.ge [sflag:s9], $0x4000  }
0xb8: {  	s26 =	smov.u32 s24;
	s22 =	sadd.s32 $0x800, s22;
	[sflag:s9] =	ssyncset.done $0x0  }
0xb9: {  	s23 =	sshra.s32 s23, $0x2;
	[sflag:s9] =	ssyncadd.s32 $0xFFFFC000  }
0xba: {  	[tilespmem:s11], [sflag:$0x1] =	stream.indirect.gather [hbm4b:s3+s10], $0x10, s23, s10, $0xb8;
	[tilespmem:$0xA800] =	vst v63  }
0xbb: {  	s24 =	sadd.s32 $0x3400, s23  }
0xbc: {  	[tilespmem:s24], [sflag:$0x2] =	stream.indirect.gather [hbm4b:s4+s10], $0x1, s23, s10, $0xb8;
	[tilespmem:$0xA800] =	vst v63  }
0xbd: {  	s25 =	rddreg [dreg:$0x2];
	s30 =	sadd.s32 $0x80, s23  }
0xbe: {  	[tilespmem:s25], [sflag:$0x1] =	stream.indirect.gather [hbm4b:s3+s10], $0x10, s30, s10, $0xb8;
	[tilespmem:$0xA800] =	vst v63  }
0xbf: {  	s31 =	sadd.s32 $0x3480, s23  }
0xc0: {  	[tilespmem:s31], [sflag:$0x2] =	stream.indirect.gather [hbm4b:s4+s10], $0x1, s30, s10, $0xb8;
	[tilespmem:$0xA800] =	vst v63  }
0xc1: {  	s25 =	sadd.s32 $0x100, s23  }
0xc2: {  	[tilespmem:s12], [sflag:$0x1] =	stream.indirect.gather [hbm4b:s3+s10], $0x10, s25, s10, $0xb8;
	[tilespmem:$0xA800] =	vst v63  }
0xc3: {  	s26 =	sadd.s32 $0x3500, s23  }
0xc4: {  	[tilespmem:s26], [sflag:$0x2] =	stream.indirect.gather [hbm4b:s4+s10], $0x1, s25, s10, $0xb8;
	[tilespmem:$0xA800] =	vst v63  }
0xc5: {  	s28 =	sadd.s32 $0x180, s23  }
0xc6: {  	[tilespmem:s13], [sflag:$0x1] =	stream.indirect.gather [hbm4b:s3+s10], $0x10, s28, s10, $0xb8;
	[tilespmem:$0xA800] =	vst v63  }
0xc7: {  	s29 =	sadd.s32 $0x3580, s23  }
0xc8: {  	[tilespmem:s29], [sflag:$0x2] =	stream.indirect.gather [hbm4b:s4+s10], $0x1, s28, s10, $0xb8;
	[tilespmem:$0xA800] =	vst v63  }
0xc9: {  	s30 =	sadd.s32 $0x200, s23  }
0xca: {  	[tilespmem:s14], [sflag:$0x1] =	stream.indirect.gather [hbm4b:s3+s10], $0x10, s30, s10, $0xb8;
	[tilespmem:$0xA800] =	vst v63  }
0xcb: {  	s31 =	sadd.s32 $0x3600, s23  }
0xcc: {  	[tilespmem:s31], [sflag:$0x2] =	stream.indirect.gather [hbm4b:s4+s10], $0x1, s30, s10, $0xb8;
	[tilespmem:$0xA800] =	vst v63  }
0xcd: {  	s26 =	sadd.s32 $0x280, s23  }
0xce: {  	[tilespmem:s15], [sflag:$0x1] =	stream.indirect.gather [hbm4b:s3+s10], $0x10, s26, s10, $0xb8;
	[tilespmem:$0xA800] =	vst v63  }
0xcf: {  	s28 =	sadd.s32 $0x3680, s23  }
0xd0: {  	[tilespmem:s28], [sflag:$0x2] =	stream.indirect.gather [hbm4b:s4+s10], $0x1, s26, s10, $0xb8;
	[tilespmem:$0xA800] =	vst v63  }
0xd1: {  	s29 =	sadd.s32 $0x300, s23  }
0xd2: {  	[tilespmem:s16], [sflag:$0x1] =	stream.indirect.gather [hbm4b:s3+s10], $0x10, s29, s10, $0xb8;
	[tilespmem:$0xA800] =	vst v63  }
0xd3: {  	s30 =	sadd.s32 $0x3700, s23  }
0xd4: {  	[tilespmem:s30], [sflag:$0x2] =	stream.indirect.gather [hbm4b:s4+s10], $0x1, s29, s10, $0xb8;
	[tilespmem:$0xA800] =	vst v63  }
0xd5: {  	s31 =	sadd.s32 $0x380, s23  }
0xd6: {  	[tilespmem:s17], [sflag:$0x1] =	stream.indirect.gather [hbm4b:s3+s10], $0x10, s31, s10, $0xb8;
	[tilespmem:$0xA800] =	vst v63  }
0xd7: {  	s23 =	sadd.s32 $0x3780, s23  }
0xd8: {  	[tilespmem:s23], [sflag:$0x2] =	stream.indirect.gather [hbm4b:s4+s10], $0x1, s31, s10, $0xb8;
	[tilespmem:$0xA800] =	vst v63  }
0xd9: {  	_ =	swait.ge [sflag:s18], $0x800  }
0xda: {  	[sflag:s18] =	ssyncset.done $0x0  }
0xdb: {  	[sflag:s18] =	ssyncadd.s32 $0xFFFFF800  }
0xdc: {  	_ =	swait.ge [sflag:s19], $0x80  }
0xdd: {  	[sflag:s19] =	ssyncset.done $0x0  }
0xde: {  	[sflag:s19] =	ssyncadd.s32 $0xFFFFFF80  }
0xdf: {  	_ =	swait.ge [sflag:s18], $0x800  }
0xe0: {  	[sflag:s18] =	ssyncset.done $0x0  }
0xe1: {  	[sflag:s18] =	ssyncadd.s32 $0xFFFFF800  }
0xe2: {  	_ =	swait.ge [sflag:s19], $0x80  }
0xe3: {  	[sflag:s19] =	ssyncset.done $0x0  }
0xe4: {  	[sflag:s19] =	ssyncadd.s32 $0xFFFFFF80  }
0xe5: {  	_ =	swait.ge [sflag:s18], $0x800  }
0xe6: {  	[sflag:s18] =	ssyncset.done $0x0  }
0xe7: {  	[sflag:s18] =	ssyncadd.s32 $0xFFFFF800  }
0xe8: {  	_ =	swait.ge [sflag:s19], $0x80  }
0xe9: {  	[sflag:s19] =	ssyncset.done $0x0  }
0xea: {  	[sflag:s19] =	ssyncadd.s32 $0xFFFFFF80  }
0xeb: {  	_ =	swait.ge [sflag:s18], $0x800  }
0xec: {  	[sflag:s18] =	ssyncset.done $0x0  }
0xed: {  	[sflag:s18] =	ssyncadd.s32 $0xFFFFF800  }
0xee: {  	_ =	swait.ge [sflag:s19], $0x80  }
0xef: {  	[sflag:s19] =	ssyncset.done $0x0  }
0xf0: {  	[sflag:s19] =	ssyncadd.s32 $0xFFFFFF80  }
0xf1: {  	_ =	swait.ge [sflag:s18], $0x800  }
0xf2: {  	[sflag:s18] =	ssyncset.done $0x0  }
0xf3: {  	[sflag:s18] =	ssyncadd.s32 $0xFFFFF800  }
0xf4: {  	_ =	swait.ge [sflag:s19], $0x80  }
0xf5: {  	[sflag:s19] =	ssyncset.done $0x0  }
0xf6: {  	[sflag:s19] =	ssyncadd.s32 $0xFFFFFF80  }
0xf7: {  	_ =	swait.ge [sflag:s18], $0x800  }
0xf8: {  	[sflag:s18] =	ssyncset.done $0x0  }
0xf9: {  	[sflag:s18] =	ssyncadd.s32 $0xFFFFF800  }
0xfa: {  	_ =	swait.ge [sflag:s19], $0x80  }
0xfb: {  	[sflag:s19] =	ssyncset.done $0x0  }
0xfc: {  	[sflag:s19] =	ssyncadd.s32 $0xFFFFFF80  }
0xfd: {  	_ =	swait.ge [sflag:s18], $0x800  }
0xfe: {  	[sflag:s18] =	ssyncset.done $0x0  }
0xff: {  	[sflag:s18] =	ssyncadd.s32 $0xFFFFF800  }
0x100: {  	_ =	swait.ge [sflag:s19], $0x80  }
0x101: {  	[sflag:s19] =	ssyncset.done $0x0  }
0x102: {  	[sflag:s19] =	ssyncadd.s32 $0xFFFFFF80  }
0x103: {  	_ =	swait.ge [sflag:s18], $0x800  }
0x104: {  	[sflag:s18] =	ssyncset.done $0x0  }
0x105: {  	[sflag:s18] =	ssyncadd.s32 $0xFFFFF800  }
0x106: {  	_ =	swait.ge [sflag:s19], $0x80  }
0x107: {  	[sflag:s19] =	ssyncset.done $0x0  }
0x108: {  	[sflag:s19] =	ssyncadd.s32 $0xFFFFFF80  }
0x109: {  	[hbm4b:s22+s2] =	stream.linear.scatter [tilespmem:s11], [sflag:$0x3], $0x4000, $0x38;
	[tilespmem:$0xA800] =	vst v63  }
0x10a: {  	s21 =	sadd.s32 $0x1, s21;
	_ =	swait.ge [sflag:s9], $0x4000  }
0x10b: {  	p0 =	sne.s32 s21, s7;
	[sflag:s9] =	ssyncset.done $0x0  }
.Ltmp1:
0x10c: {  	[sflag:s9] =	ssyncadd.s32 $0xFFFFC000;
	(pc) =	sbr.rel @p0 .LBB2_1-.Ltmp1, $4  }
0x10d: {  	[hbm4b:s6+s2] =	stream.linear.scatter [tilespmem:s20], [sflag:$0x3], $0x3400, $0x38;
	[tilespmem:$0xA800] =	vst v63  }
0x10e: {  	_ =	swait.ge [sflag:s9], $0x3400  }
0x10f: {  	[sflag:s9] =	ssyncset.done $0x0  }
0x110: {  	[sflag:s9] =	ssyncadd.s32 $0xFFFFCC00  }
0x111: {  	_ =	sfence.sel $0x180000  }
0x112: {  	[bflag:$0x0] =	sbarrier.arrive $0xFFFF  }
0x113: {  	p0 =	sne.s32 s1, $0x0;
	_ =	strace $0x9000004A  }
0x114: {  	s0 =	sadd.s32 @!p0 $0x100000, s0;
	[bflag:$0x2] =	sbarrier.arrive $0xFFFF  }
0x115: {  	[sflag:s0] =	ssyncadd.tile.s32 @!p0 $0x1;
	_ =	shalt  }
.Lfunc_end2:
_tile_overlayer_lowered:
.L_overlay_start_2:
0x116: {  	(tag) =	ssettag $0x2  }
0x117: {  	s0 =	rddreg [dreg:$0x0];
	s2 =	stileid.u32  }
0x118: {  	s1 =	rddreg [dreg:$0x1];
	p0 =	sne.s32 s2, $0x0  }
0x119: {  	s3 =	rddreg [dreg:$0x2];
	[bflag:$0x3] =	sbarrier.arrive $0xFFFF;
	s2 =	simm.s32 @!p0 $0x1C03  }
0x11a: {  	[timem:s3], [sflag:s2] =	dma.local @!p0 [hbm:s0], s1  }
0x11b: {  	s0 =	simm.s32 @!p0 $0x3  }
0x11c: {  	_ =	swait.ge @!p0 [sflag:s0], s1  }
0x11d: {  	s1 =	ssub.s32 @!p0 $0x0, s1;
	[sflag:s0] =	ssyncset.done @!p0 $0x0  }
0x11e: {  	[sflag:s0] =	ssyncadd.s32 @!p0 s1  }
0x11f: {  	[bflag:$0x3] =	sbarrier.arrive $0xFFFF  }
0x120: {  	_ =	shalt  }

</sc_bundles>
